<compile_context>
chip_gen: v7x
topology: tpu7x:2x2x1
jax: 0.10.2.dev20260603
libtpu: 0.0.44.dev20260713+nightly
codegen_flags: <defaults>
</compile_context>

<pallas_src>
import functools

import jax
import jax.numpy as jnp
from jax import lax
from jax.experimental import pallas as pl
from jax.experimental.pallas import tpu as pltpu
from jax.experimental.pallas import tpu_sc as plsc

N = 10000
E = 320000
D = 128
G = 64
OUT = 2001
OUT_PAD = 2048

NC, NS = 2, 16
NW = NC * NS
EW = E // NW
CHUNK = 128
NCHUNK = 80
EWP = NCHUNK * CHUNK
RPT = 640
NPAD = RPT * NS
RLAST = N - (NS - 1) * RPT
BN = 1000

_MESH = dict(core_axis_name="c", subcore_axis_name="s", num_cores=NC,
             num_subcores=NS)


def _sc_deg(dstw):
    mesh = plsc.VectorSubcoreMesh(**_MESH)

    @functools.partial(
        pl.kernel,
        out_type=jax.ShapeDtypeStruct((NC, N, D), jnp.float32),
        mesh=mesh,
        scratch_types=[
            pltpu.VMEM((NCHUNK, CHUNK), jnp.int32),
            pltpu.VMEM((CHUNK, D), jnp.float32),
            pltpu.VMEM((CHUNK, D), jnp.float32),
            pltpu.VMEM_SHARED((NPAD, D), jnp.float32),
        ],
    )
    def k(dstw_hbm, out_hbm, dst_v, ones_v, z_v, accum):
        c = lax.axis_index("c")
        s = lax.axis_index("s")
        r0 = pl.multiple_of(s * RPT, 8)

        pltpu.sync_copy(dstw_hbm.at[c, s], dst_v)

        one_row = jnp.where(lax.iota(jnp.int32, 16) == 0, 1.0, 0.0)
        zero_row = jnp.zeros((16,), jnp.float32)

        def fill_ones(i, _):
            for u in range(D // 16):
                ones_v[i, pl.ds(u * 16, 16)] = one_row if u == 0 else zero_row
                z_v[i, pl.ds(u * 16, 16)] = zero_row
            return 0

        lax.fori_loop(0, CHUNK, fill_ones, 0)

        for q in range(RPT // CHUNK):
            pltpu.sync_copy(z_v, accum.at[pl.ds(r0 + q * CHUNK, CHUNK)])

        plsc.subcore_barrier()

        def body(j, _):
            pltpu.sync_copy(ones_v, accum.at[dst_v.at[j]], add=True)
            return 0

        lax.fori_loop(0, NCHUNK, body, 0)
        plsc.subcore_barrier()

        @pl.when(s < NS - 1)
        def _():
            pltpu.sync_copy(accum.at[pl.ds(r0, RPT)],
                            out_hbm.at[c, pl.ds(r0, RPT)])

        @pl.when(s == NS - 1)
        def _():
            pltpu.sync_copy(accum.at[pl.ds((NS - 1) * RPT, RLAST)],
                            out_hbm.at[c, pl.ds((NS - 1) * RPT, RLAST)])

    return k(dstw)


def _sc_agg(y, srcw, dstw):
    mesh = plsc.VectorSubcoreMesh(**_MESH)

    @functools.partial(
        pl.kernel,
        out_type=jax.ShapeDtypeStruct((NC, N, D), jnp.float32),
        mesh=mesh,
        scratch_types=[
            pltpu.VMEM((NCHUNK, CHUNK), jnp.int32),
            pltpu.VMEM((NCHUNK, CHUNK), jnp.int32),
            pltpu.VMEM((CHUNK, D), jnp.float32),
            pltpu.VMEM_SHARED((NPAD, D), jnp.float32),
            pltpu.SemaphoreType.DMA,
        ],
    )
    def k(y_hbm, srcw_hbm, dstw_hbm, out_hbm, src_v, dst_v, gbuf, accum,
          sem_g):
        c = lax.axis_index("c")
        s = lax.axis_index("s")
        r0 = pl.multiple_of(s * RPT, 8)

        pltpu.sync_copy(srcw_hbm.at[c, s], src_v)
        pltpu.sync_copy(dstw_hbm.at[c, s], dst_v)

        @pl.when(jnp.logical_and(c == 0, s < NS - 1))
        def _():
            pltpu.sync_copy(y_hbm.at[pl.ds(r0, RPT)], accum.at[pl.ds(r0, RPT)])

        @pl.when(jnp.logical_and(c == 0, s == NS - 1))
        def _():
            pltpu.sync_copy(y_hbm.at[pl.ds((NS - 1) * RPT, RLAST)],
                            accum.at[pl.ds((NS - 1) * RPT, RLAST)])

        @pl.when(c == 1)
        def _():
            def fill_zeros(i, _):
                for u in range(D // 16):
                    gbuf[i, pl.ds(u * 16, 16)] = jnp.zeros((16,),
                                                           jnp.float32)
                return 0

            lax.fori_loop(0, CHUNK, fill_zeros, 0)
            for q in range(RPT // CHUNK):
                pltpu.sync_copy(gbuf,
                                accum.at[pl.ds(r0 + q * CHUNK, CHUNK)])

        plsc.subcore_barrier()

        def body(j, _):
            pltpu.async_copy(y_hbm.at[src_v.at[j]], gbuf, sem_g).wait()
            pltpu.sync_copy(gbuf, accum.at[dst_v.at[j]], add=True)
            return 0

        lax.fori_loop(0, NCHUNK, body, 0)
        plsc.subcore_barrier()

        @pl.when(s < NS - 1)
        def _():
            pltpu.sync_copy(accum.at[pl.ds(r0, RPT)],
                            out_hbm.at[c, pl.ds(r0, RPT)])

        @pl.when(s == NS - 1)
        def _():
            pltpu.sync_copy(accum.at[pl.ds((NS - 1) * RPT, RLAST)],
                            out_hbm.at[c, pl.ds((NS - 1) * RPT, RLAST)])

    return k(y, srcw, dstw)


def _tc1(degp, x, W1):

    def body(d0_ref, d1_ref, x_ref, w_ref, dis_ref, y_ref):
        deg = d0_ref[:, 0:1] + d1_ref[:, 0:1] + 1.0
        dis = lax.rsqrt(deg)
        dis_ref[...] = dis
        xw = jnp.dot(x_ref[...], w_ref[...], preferred_element_type=jnp.float32)
        y_ref[...] = dis * xw

    return pl.pallas_call(
        body,
        grid=(N // BN,),
        in_specs=[
            pl.BlockSpec((BN, D), lambda i: (i, 0)),
            pl.BlockSpec((BN, D), lambda i: (i, 0)),
            pl.BlockSpec((BN, D), lambda i: (i, 0)),
            pl.BlockSpec((D, D), lambda i: (0, 0)),
        ],
        out_specs=[
            pl.BlockSpec((BN, 1), lambda i: (i, 0)),
            pl.BlockSpec((BN, D), lambda i: (i, 0)),
        ],
        out_shape=[
            jax.ShapeDtypeStruct((N, 1), jnp.float32),
            jax.ShapeDtypeStruct((N, D), jnp.float32),
        ],
    )(degp[0], degp[1], x, W1)


def _tc_mid(p, dis, b, Wn):

    def body(p0_ref, p1_ref, dis_ref, b_ref, w_ref, y_ref):
        dis = dis_ref[...]
        h = jnp.maximum(dis * (p0_ref[...] + p1_ref[...]) + b_ref[...], 0.0)
        hw = jnp.dot(h, w_ref[...], preferred_element_type=jnp.float32)
        y_ref[...] = dis * hw

    return pl.pallas_call(
        body,
        grid=(N // BN,),
        in_specs=[
            pl.BlockSpec((BN, D), lambda i: (i, 0)),
            pl.BlockSpec((BN, D), lambda i: (i, 0)),
            pl.BlockSpec((BN, 1), lambda i: (i, 0)),
            pl.BlockSpec((1, D), lambda i: (0, 0)),
            pl.BlockSpec((D, D), lambda i: (0, 0)),
        ],
        out_specs=pl.BlockSpec((BN, D), lambda i: (i, 0)),
        out_shape=jax.ShapeDtypeStruct((N, D), jnp.float32),
    )(p[0], p[1], dis, b, Wn)


def _tc_final(p, dis, b, batch, Wr, br):

    def body(p0_ref, p1_ref, dis_ref, b_ref, bat_ref, wr_ref, br_ref,
             out_ref, pool_acc, cnt_acc):
        i = pl.program_id(0)
        dis = dis_ref[...]
        h = jnp.maximum(dis * (p0_ref[...] + p1_ref[...]) + b_ref[...], 0.0)
        seg = lax.broadcasted_iota(jnp.int32, (BN, G), 1)
        mask = jnp.where(bat_ref[...] == seg, 1.0, 0.0)
        dn = (((0,), (0,)), ((), ()))
        psum = lax.dot_general(mask, h, dn,
                               preferred_element_type=jnp.float32)
        csum = lax.dot_general(mask, jnp.ones((BN, D), jnp.float32), dn,
                               preferred_element_type=jnp.float32)

        @pl.when(i == 0)
        def _():
            pool_acc[...] = psum
            cnt_acc[...] = csum

        @pl.when(i > 0)
        def _():
            pool_acc[...] += psum
            cnt_acc[...] += csum

        @pl.when(i == N // BN - 1)
        def _():
            pooled = pool_acc[...] / jnp.maximum(cnt_acc[...], 1.0)
            out_ref[...] = jnp.dot(pooled, wr_ref[...],
                                   preferred_element_type=jnp.float32) \
                + br_ref[...]

    return pl.pallas_call(
        body,
        grid=(N // BN,),
        in_specs=[
            pl.BlockSpec((BN, D), lambda i: (i, 0)),
            pl.BlockSpec((BN, D), lambda i: (i, 0)),
            pl.BlockSpec((BN, 1), lambda i: (i, 0)),
            pl.BlockSpec((1, D), lambda i: (0, 0)),
            pl.BlockSpec((BN, 1), lambda i: (i, 0)),
            pl.BlockSpec((D, OUT_PAD), lambda i: (0, 0)),
            pl.BlockSpec((1, OUT_PAD), lambda i: (0, 0)),
        ],
        out_specs=pl.BlockSpec((G, OUT_PAD), lambda i: (0, 0)),
        out_shape=jax.ShapeDtypeStruct((G, OUT_PAD), jnp.float32),
        scratch_shapes=[
            pltpu.VMEM((G, D), jnp.float32),
            pltpu.VMEM((G, D), jnp.float32),
        ],
    )(p[0], p[1], dis, b, batch, Wr, br)


def kernel(x, batch, edge_index, W1, b1, W2, b2, W3, b3, Wr, br):
    src = edge_index[0].astype(jnp.int32)
    dst = edge_index[1].astype(jnp.int32)
    batch = batch.astype(jnp.int32).reshape(N, 1)

    pad_ids = jnp.arange(EWP - EW, dtype=jnp.int32)[None, :]
    sink = jnp.broadcast_to(pad_ids + N, (NW, EWP - EW))
    psrc = jnp.broadcast_to(pad_ids, (NW, EWP - EW))
    srcw = jnp.concatenate([src.reshape(NW, EW), psrc],
                           axis=1).reshape(NC, NS, NCHUNK, CHUNK)
    dstw = jnp.concatenate([dst.reshape(NW, EW), sink],
                           axis=1).reshape(NC, NS, NCHUNK, CHUNK)

    b1r = b1.reshape(1, D)
    b2r = b2.reshape(1, D)
    b3r = b3.reshape(1, D)
    Wrp = jnp.pad(Wr, ((0, 0), (0, OUT_PAD - OUT)))
    brp = jnp.pad(br, (0, OUT_PAD - OUT)).reshape(1, OUT_PAD)

    degp = _sc_deg(dstw)
    dis, y1 = _tc1(degp, x, W1)
    p = _sc_agg(y1, srcw, dstw)
    y2 = _tc_mid(p, dis, b1r, W2)
    p = _sc_agg(y2, srcw, dstw)
    y3 = _tc_mid(p, dis, b2r, W3)
    p = _sc_agg(y3, srcw, dstw)
    out = _tc_final(p, dis, b3r, batch, Wrp, brp)
    return out[:, :OUT]

# --- scband reference (transcript-rebuilt; emitter-appended) ---
"""Pipeline reference for scband-gcnmodel-49933289783662 (READ-ONLY COPY).

The authoritative reference and input builder live on the scoring server;
editing this copy changes nothing except your own understanding.
"""

import jax, jax.numpy as jnp
import numpy as np

N = 10000
E = 320000
D = 128
G = 64
OUT = 2001


def _linear_init(key, fan_in, fan_out):
    lim = 1.0 / np.sqrt(fan_in)
    kw, kb = jax.random.split(key)
    W = jax.random.uniform(kw, (fan_in, fan_out), minval=-lim, maxval=lim, dtype=jnp.float32)
    b = jax.random.uniform(kb, (fan_out,), minval=-lim, maxval=lim, dtype=jnp.float32)
    return W, b


def setup_inputs(seed: int = 0):
    key = jax.random.key(seed)
    ks = jax.random.split(key, 8)
    x = jax.random.normal(ks[0], (N, D), dtype=jnp.float32)
    batch = jnp.sort(jax.random.randint(ks[1], (N,), 0, G)).astype(jnp.int64)
    edge_index = jax.random.randint(ks[2], (2, E), 0, N).astype(jnp.int64)
    W1, b1 = _linear_init(ks[3], D, D)
    W2, b2 = _linear_init(ks[4], D, D)
    W3, b3 = _linear_init(ks[5], D, D)
    Wr, br = _linear_init(ks[6], D, OUT)
    return {"x": x, "batch": batch, "edge_index": edge_index,
            "W1": W1, "b1": b1, "W2": W2, "b2": b2, "W3": W3, "b3": b3,
            "Wr": Wr, "br": br}


def _gcn_conv(x, W, b, src, dst, norm):
    # PyG GCNConv: linear transform, then normalized scatter-add aggregation
    xw = x @ W
    msg = xw[src] * norm[:, None]
    out = jnp.zeros((N, W.shape[1]), dtype=x.dtype).at[dst].add(msg)
    return out + b


def reference(x, batch, edge_index, W1, b1, W2, b2, W3, b3, Wr, br):
    loop = jnp.arange(N, dtype=edge_index.dtype)
    src = jnp.concatenate([edge_index[0], loop])
    dst = jnp.concatenate([edge_index[1], loop])
    # gcn_norm with added self-loops
    deg = jnp.zeros((N,), dtype=jnp.float32).at[dst].add(1.0)
    dis = jnp.where(deg > 0, jax.lax.rsqrt(deg), 0.0)
    norm = dis[src] * dis[dst]

    h = jax.nn.relu(_gcn_conv(x, W1, b1, src, dst, norm))
    h = jax.nn.relu(_gcn_conv(h, W2, b2, src, dst, norm))
    h = jax.nn.relu(_gcn_conv(h, W3, b3, src, dst, norm))

    # global_mean_pool over batch assignment
    sums = jax.ops.segment_sum(h, batch, num_segments=G)
    cnts = jax.ops.segment_sum(jnp.ones((N,), dtype=jnp.float32), batch, num_segments=G)
    pooled = sums / jnp.clip(cnts, 1.0)[:, None]

    return pooled @ Wr + br

if __name__ == "__main__":
    import jax
    _d = setup_inputs()
    print(jax.jit(kernel)(*tuple(_d.values())))

</pallas_src>

<mosaic_0001>
#map = affine_map<(d0, d1) -> (0, 0)>
#map1 = affine_map<(d0, d1) -> (0, 0, 0, 0)>
#map2 = affine_map<(d0, d1) -> (0, 0, 0)>
module attributes {stable_mosaic.version = 14 : i64} {
  func.func @k(%arg0: i32, %arg1: i32, %arg2: memref<10000x128xf32, #tpu.memory_space<hbm>>, %arg3: memref<2x16x80x128xi32, #tpu.memory_space<hbm>>, %arg4: memref<2x16x80x128xi32, #tpu.memory_space<hbm>>, %arg5: memref<2x10000x128xf32, #tpu.memory_space<hbm>>, %arg6: memref<80x128xi32, #tpu.memory_space<vmem>>, %arg7: memref<80x128xi32, #tpu.memory_space<vmem>>, %arg8: memref<128x128xf32, #tpu.memory_space<vmem>>, %arg9: memref<10240x128xf32, #tpu.memory_space<vmem_shared>>, %arg10: memref<!tpu.dma_semaphore, #tpu.memory_space<semaphore_mem>>) attributes {dimension_semantics = [#tpu.dimension_semantics<core_parallel>, #tpu.dimension_semantics<subcore_parallel>], iteration_bounds = array<i64: 2, 16>, scalar_prefetch = 0 : i64, scratch_operands = 5 : i64, tpu.core_type = #tpu.core_type<sc_vector_subcore>, window_params = [{transform_indices = #map}, {transform_indices = #map1}, {transform_indices = #map1}, {transform_indices = #map2}]} {
    %mul3A = arith.constant 640 : i32
    %mul3A_0 = arith.muli %arg1, %mul3A : i32
    %multiple_of3A = tpu.assume_multiple %mul3A_0, 8 : i32
    "tpu.region"() ({
      %run_scoped3A = tpu.sem_alloc : memref<!tpu.dma_semaphore, #tpu.memory_space<semaphore_mem>>
      %dma_start3A = arith.constant 0 : i32
      %dma_start3A_34 = arith.constant 0 : i32
      %dma_start3A_35 = tpu.memref_slice %arg3[%arg0, %arg1, %dma_start3A, %dma_start3A_34] : memref<2x16x80x128xi32, #tpu.memory_space<hbm>> -> memref<1x1x80x128xi32, #tpu.memory_space<hbm>>
      %dma_start3A_36 = tpu.memref_squeeze %dma_start3A_35 : memref<1x1x80x128xi32, #tpu.memory_space<hbm>> -> memref<80x128xi32, #tpu.memory_space<hbm>>
      %dma_start3A_37 = arith.constant 0 : i32
      %dma_start3A_38 = arith.constant 0 : i32
      %dma_start3A_39 = tpu.memref_slice %arg3[%arg0, %arg1, %dma_start3A_37, %dma_start3A_38] : memref<2x16x80x128xi32, #tpu.memory_space<hbm>> -> memref<1x1x80x128xi32, #tpu.memory_space<hbm>>
      %dma_start3A_40 = tpu.memref_squeeze %dma_start3A_39 : memref<1x1x80x128xi32, #tpu.memory_space<hbm>> -> memref<80x128xi32, #tpu.memory_space<hbm>>
      tpu.enqueue_dma source(%dma_start3A_40 : memref<80x128xi32, #tpu.memory_space<hbm>>) target(%arg6 : memref<80x128xi32, #tpu.memory_space<vmem>>) target_semaphore(%run_scoped3A : memref<!tpu.dma_semaphore, #tpu.memory_space<semaphore_mem>>)
      %dma_wait3A = arith.constant 0 : i32
      %dma_wait3A_41 = arith.constant 0 : i32
      %dma_wait3A_42 = tpu.memref_slice %arg3[%arg0, %arg1, %dma_wait3A, %dma_wait3A_41] : memref<2x16x80x128xi32, #tpu.memory_space<hbm>> -> memref<1x1x80x128xi32, #tpu.memory_space<hbm>>
      %dma_wait3A_43 = tpu.memref_squeeze %dma_wait3A_42 : memref<1x1x80x128xi32, #tpu.memory_space<hbm>> -> memref<80x128xi32, #tpu.memory_space<hbm>>
      %dma_wait3A_44 = arith.constant 0 : i32
      %dma_wait3A_45 = arith.constant 0 : i32
      %dma_wait3A_46 = tpu.memref_slice %arg3[%arg0, %arg1, %dma_wait3A_44, %dma_wait3A_45] : memref<2x16x80x128xi32, #tpu.memory_space<hbm>> -> memref<1x1x80x128xi32, #tpu.memory_space<hbm>>
      %dma_wait3A_47 = tpu.memref_squeeze %dma_wait3A_46 : memref<1x1x80x128xi32, #tpu.memory_space<hbm>> -> memref<80x128xi32, #tpu.memory_space<hbm>>
      tpu.wait_dma2 semaphore(%run_scoped3A : memref<!tpu.dma_semaphore, #tpu.memory_space<semaphore_mem>>) src(%dma_wait3A_47 : memref<80x128xi32, #tpu.memory_space<hbm>>) dst(%arg6 : memref<80x128xi32, #tpu.memory_space<vmem>>)
      tpu.yield
    }) : () -> ()
    "tpu.region"() ({
      %run_scoped3A = tpu.sem_alloc : memref<!tpu.dma_semaphore, #tpu.memory_space<semaphore_mem>>
      %dma_start3A = arith.constant 0 : i32
      %dma_start3A_34 = arith.constant 0 : i32
      %dma_start3A_35 = tpu.memref_slice %arg4[%arg0, %arg1, %dma_start3A, %dma_start3A_34] : memref<2x16x80x128xi32, #tpu.memory_space<hbm>> -> memref<1x1x80x128xi32, #tpu.memory_space<hbm>>
      %dma_start3A_36 = tpu.memref_squeeze %dma_start3A_35 : memref<1x1x80x128xi32, #tpu.memory_space<hbm>> -> memref<80x128xi32, #tpu.memory_space<hbm>>
      %dma_start3A_37 = arith.constant 0 : i32
      %dma_start3A_38 = arith.constant 0 : i32
      %dma_start3A_39 = tpu.memref_slice %arg4[%arg0, %arg1, %dma_start3A_37, %dma_start3A_38] : memref<2x16x80x128xi32, #tpu.memory_space<hbm>> -> memref<1x1x80x128xi32, #tpu.memory_space<hbm>>
      %dma_start3A_40 = tpu.memref_squeeze %dma_start3A_39 : memref<1x1x80x128xi32, #tpu.memory_space<hbm>> -> memref<80x128xi32, #tpu.memory_space<hbm>>
      tpu.enqueue_dma source(%dma_start3A_40 : memref<80x128xi32, #tpu.memory_space<hbm>>) target(%arg7 : memref<80x128xi32, #tpu.memory_space<vmem>>) target_semaphore(%run_scoped3A : memref<!tpu.dma_semaphore, #tpu.memory_space<semaphore_mem>>)
      %dma_wait3A = arith.constant 0 : i32
      %dma_wait3A_41 = arith.constant 0 : i32
      %dma_wait3A_42 = tpu.memref_slice %arg4[%arg0, %arg1, %dma_wait3A, %dma_wait3A_41] : memref<2x16x80x128xi32, #tpu.memory_space<hbm>> -> memref<1x1x80x128xi32, #tpu.memory_space<hbm>>
      %dma_wait3A_43 = tpu.memref_squeeze %dma_wait3A_42 : memref<1x1x80x128xi32, #tpu.memory_space<hbm>> -> memref<80x128xi32, #tpu.memory_space<hbm>>
      %dma_wait3A_44 = arith.constant 0 : i32
      %dma_wait3A_45 = arith.constant 0 : i32
      %dma_wait3A_46 = tpu.memref_slice %arg4[%arg0, %arg1, %dma_wait3A_44, %dma_wait3A_45] : memref<2x16x80x128xi32, #tpu.memory_space<hbm>> -> memref<1x1x80x128xi32, #tpu.memory_space<hbm>>
      %dma_wait3A_47 = tpu.memref_squeeze %dma_wait3A_46 : memref<1x1x80x128xi32, #tpu.memory_space<hbm>> -> memref<80x128xi32, #tpu.memory_space<hbm>>
      tpu.wait_dma2 semaphore(%run_scoped3A : memref<!tpu.dma_semaphore, #tpu.memory_space<semaphore_mem>>) src(%dma_wait3A_47 : memref<80x128xi32, #tpu.memory_space<hbm>>) dst(%arg7 : memref<80x128xi32, #tpu.memory_space<vmem>>)
      tpu.yield
    }) : () -> ()
    %eq3A = arith.constant 0 : i32
    %eq3A_1 = arith.cmpi eq, %arg0, %eq3A : i32
    %lt3A = arith.constant 15 : i32
    %lt3A_2 = arith.cmpi slt, %arg1, %lt3A : i32
    %and3A = arith.andi %eq3A_1, %lt3A_2 : i1
    %convert_element_type3A = arith.extui %and3A : i1 to i32
    %cond3A = arith.constant 0 : i32
    %cond3A_3 = arith.cmpi ne, %convert_element_type3A, %cond3A : i32
    scf.if %cond3A_3 {
      "tpu.region"() ({
        %run_scoped3A = tpu.sem_alloc : memref<!tpu.dma_semaphore, #tpu.memory_space<semaphore_mem>>
        %dma_start3A = arith.constant 0 : i32
        %dma_start3A_34 = tpu.memref_slice %arg9[%multiple_of3A, %dma_start3A] : memref<10240x128xf32, #tpu.memory_space<vmem_shared>> -> memref<640x128xf32, #tpu.memory_space<vmem_shared>>
        %dma_start3A_35 = arith.constant 0 : i32
        %dma_start3A_36 = tpu.memref_slice %arg2[%multiple_of3A, %dma_start3A_35] : memref<10000x128xf32, #tpu.memory_space<hbm>> -> memref<640x128xf32, #tpu.memory_space<hbm>>
        tpu.enqueue_dma source(%dma_start3A_36 : memref<640x128xf32, #tpu.memory_space<hbm>>) target(%dma_start3A_34 : memref<640x128xf32, #tpu.memory_space<vmem_shared>>) target_semaphore(%run_scoped3A : memref<!tpu.dma_semaphore, #tpu.memory_space<semaphore_mem>>)
        %dma_wait3A = arith.constant 0 : i32
        %dma_wait3A_37 = tpu.memref_slice %arg9[%multiple_of3A, %dma_wait3A] : memref<10240x128xf32, #tpu.memory_space<vmem_shared>> -> memref<640x128xf32, #tpu.memory_space<vmem_shared>>
        %dma_wait3A_38 = arith.constant 0 : i32
        %dma_wait3A_39 = tpu.memref_slice %arg2[%multiple_of3A, %dma_wait3A_38] : memref<10000x128xf32, #tpu.memory_space<hbm>> -> memref<640x128xf32, #tpu.memory_space<hbm>>
        tpu.wait_dma2 semaphore(%run_scoped3A : memref<!tpu.dma_semaphore, #tpu.memory_space<semaphore_mem>>) src(%dma_wait3A_39 : memref<640x128xf32, #tpu.memory_space<hbm>>) dst(%dma_wait3A_37 : memref<640x128xf32, #tpu.memory_space<vmem_shared>>)
        tpu.yield
      }) : () -> ()
    } else {
    }
    %eq3A_4 = arith.constant 0 : i32
    %eq3A_5 = arith.cmpi eq, %arg0, %eq3A_4 : i32
    %eq3A_6 = arith.constant 15 : i32
    %eq3A_7 = arith.cmpi eq, %arg1, %eq3A_6 : i32
    %and3A_8 = arith.andi %eq3A_5, %eq3A_7 : i1
    %convert_element_type3A_9 = arith.extui %and3A_8 : i1 to i32
    %cond3A_10 = arith.constant 0 : i32
    %cond3A_11 = arith.cmpi ne, %convert_element_type3A_9, %cond3A_10 : i32
    scf.if %cond3A_11 {
      "tpu.region"() ({
        %run_scoped3A = tpu.sem_alloc : memref<!tpu.dma_semaphore, #tpu.memory_space<semaphore_mem>>
        %dma_start3A = arith.constant 9600 : i32
        %dma_start3A_34 = arith.constant 0 : i32
        %dma_start3A_35 = tpu.memref_slice %arg9[%dma_start3A, %dma_start3A_34] : memref<10240x128xf32, #tpu.memory_space<vmem_shared>> -> memref<400x128xf32, #tpu.memory_space<vmem_shared>>
        %dma_start3A_36 = arith.constant 9600 : i32
        %dma_start3A_37 = arith.constant 0 : i32
        %dma_start3A_38 = tpu.memref_slice %arg2[%dma_start3A_36, %dma_start3A_37] : memref<10000x128xf32, #tpu.memory_space<hbm>> -> memref<400x128xf32, #tpu.memory_space<hbm>>
        tpu.enqueue_dma source(%dma_start3A_38 : memref<400x128xf32, #tpu.memory_space<hbm>>) target(%dma_start3A_35 : memref<400x128xf32, #tpu.memory_space<vmem_shared>>) target_semaphore(%run_scoped3A : memref<!tpu.dma_semaphore, #tpu.memory_space<semaphore_mem>>)
        %dma_wait3A = arith.constant 9600 : i32
        %dma_wait3A_39 = arith.constant 0 : i32
        %dma_wait3A_40 = tpu.memref_slice %arg9[%dma_wait3A, %dma_wait3A_39] : memref<10240x128xf32, #tpu.memory_space<vmem_shared>> -> memref<400x128xf32, #tpu.memory_space<vmem_shared>>
        %dma_wait3A_41 = arith.constant 9600 : i32
        %dma_wait3A_42 = arith.constant 0 : i32
        %dma_wait3A_43 = tpu.memref_slice %arg2[%dma_wait3A_41, %dma_wait3A_42] : memref<10000x128xf32, #tpu.memory_space<hbm>> -> memref<400x128xf32, #tpu.memory_space<hbm>>
        tpu.wait_dma2 semaphore(%run_scoped3A : memref<!tpu.dma_semaphore, #tpu.memory_space<semaphore_mem>>) src(%dma_wait3A_43 : memref<400x128xf32, #tpu.memory_space<hbm>>) dst(%dma_wait3A_40 : memref<400x128xf32, #tpu.memory_space<vmem_shared>>)
        tpu.yield
      }) : () -> ()
    } else {
    }
    %eq3A_12 = arith.constant 1 : i32
    %eq3A_13 = arith.cmpi eq, %arg0, %eq3A_12 : i32
    %convert_element_type3A_14 = arith.extui %eq3A_13 : i1 to i32
    %cond3A_15 = arith.constant 0 : i32
    %cond3A_16 = arith.cmpi ne, %convert_element_type3A_14, %cond3A_15 : i32
    scf.if %cond3A_16 {
      %scan3A_34 = arith.constant 0 : i32
      %scan3A_35 = arith.constant 0 : i32
      %scan3A_36 = arith.constant 128 : i32
      %scan3A_37 = arith.addi %scan3A_35, %scan3A_36 : i32
      %scan3A_38 = arith.constant 1 : i32
      %scan3A_39 = scf.for %scan3A_50 = %scan3A_35 to %scan3A_37 step %scan3A_38 iter_args(%scan3A_51 = %scan3A_34) -> (i32)  : i32 {
        %broadcast_in_dim3A = arith.constant 0.000000e+00 : f32
        %broadcast_in_dim3A_52 = vector.broadcast %broadcast_in_dim3A : f32 to vector<16xf32>
        %swap3A = arith.index_cast %scan3A_50 : i32 to index
        %swap3A_53 = arith.constant 0 : index
        %swap3A_54 = tpu.vector_load %arg8[%swap3A, %swap3A_53] {strides = array<i32>} : memref<128x128xf32, #tpu.memory_space<vmem>>, vector<1x16xf32>,
        %swap3A_55 = vector.shape_cast %swap3A_54 : vector<1x16xf32> to vector<16xf32>
        %swap3A_56 = vector.shape_cast %broadcast_in_dim3A_52 : vector<16xf32> to vector<1x16xf32>
        tpu.vector_store %arg8[%swap3A, %swap3A_53], %swap3A_56 {strides = array<i32>} : memref<128x128xf32, #tpu.memory_space<vmem>>, vector<1x16xf32>,
        %broadcast_in_dim3A_57 = arith.constant 0.000000e+00 : f32
        %broadcast_in_dim3A_58 = vector.broadcast %broadcast_in_dim3A_57 : f32 to vector<16xf32>
        %swap3A_59 = arith.index_cast %scan3A_50 : i32 to index
        %swap3A_60 = arith.constant 16 : index
        %swap3A_61 = tpu.vector_load %arg8[%swap3A_59, %swap3A_60] {strides = array<i32>} : memref<128x128xf32, #tpu.memory_space<vmem>>, vector<1x16xf32>,
        %swap3A_62 = vector.shape_cast %swap3A_61 : vector<1x16xf32> to vector<16xf32>
        %swap3A_63 = vector.shape_cast %broadcast_in_dim3A_58 : vector<16xf32> to vector<1x16xf32>
        tpu.vector_store %arg8[%swap3A_59, %swap3A_60], %swap3A_63 {strides = array<i32>} : memref<128x128xf32, #tpu.memory_space<vmem>>, vector<1x16xf32>,
        %broadcast_in_dim3A_64 = arith.constant 0.000000e+00 : f32
        %broadcast_in_dim3A_65 = vector.broadcast %broadcast_in_dim3A_64 : f32 to vector<16xf32>
        %swap3A_66 = arith.index_cast %scan3A_50 : i32 to index
        %swap3A_67 = arith.constant 32 : index
        %swap3A_68 = tpu.vector_load %arg8[%swap3A_66, %swap3A_67] {strides = array<i32>} : memref<128x128xf32, #tpu.memory_space<vmem>>, vector<1x16xf32>,
        %swap3A_69 = vector.shape_cast %swap3A_68 : vector<1x16xf32> to vector<16xf32>
        %swap3A_70 = vector.shape_cast %broadcast_in_dim3A_65 : vector<16xf32> to vector<1x16xf32>
        tpu.vector_store %arg8[%swap3A_66, %swap3A_67], %swap3A_70 {strides = array<i32>} : memref<128x128xf32, #tpu.memory_space<vmem>>, vector<1x16xf32>,
        %broadcast_in_dim3A_71 = arith.constant 0.000000e+00 : f32
        %broadcast_in_dim3A_72 = vector.broadcast %broadcast_in_dim3A_71 : f32 to vector<16xf32>
        %swap3A_73 = arith.index_cast %scan3A_50 : i32 to index
        %swap3A_74 = arith.constant 48 : index
        %swap3A_75 = tpu.vector_load %arg8[%swap3A_73, %swap3A_74] {strides = array<i32>} : memref<128x128xf32, #tpu.memory_space<vmem>>, vector<1x16xf32>,
        %swap3A_76 = vector.shape_cast %swap3A_75 : vector<1x16xf32> to vector<16xf32>
        %swap3A_77 = vector.shape_cast %broadcast_in_dim3A_72 : vector<16xf32> to vector<1x16xf32>
        tpu.vector_store %arg8[%swap3A_73, %swap3A_74], %swap3A_77 {strides = array<i32>} : memref<128x128xf32, #tpu.memory_space<vmem>>, vector<1x16xf32>,
        %broadcast_in_dim3A_78 = arith.constant 0.000000e+00 : f32
        %broadcast_in_dim3A_79 = vector.broadcast %broadcast_in_dim3A_78 : f32 to vector<16xf32>
        %swap3A_80 = arith.index_cast %scan3A_50 : i32 to index
        %swap3A_81 = arith.constant 64 : index
        %swap3A_82 = tpu.vector_load %arg8[%swap3A_80, %swap3A_81] {strides = array<i32>} : memref<128x128xf32, #tpu.memory_space<vmem>>, vector<1x16xf32>,
        %swap3A_83 = vector.shape_cast %swap3A_82 : vector<1x16xf32> to vector<16xf32>
        %swap3A_84 = vector.shape_cast %broadcast_in_dim3A_79 : vector<16xf32> to vector<1x16xf32>
        tpu.vector_store %arg8[%swap3A_80, %swap3A_81], %swap3A_84 {strides = array<i32>} : memref<128x128xf32, #tpu.memory_space<vmem>>, vector<1x16xf32>,
        %broadcast_in_dim3A_85 = arith.constant 0.000000e+00 : f32
        %broadcast_in_dim3A_86 = vector.broadcast %broadcast_in_dim3A_85 : f32 to vector<16xf32>
        %swap3A_87 = arith.index_cast %scan3A_50 : i32 to index
        %swap3A_88 = arith.constant 80 : index
        %swap3A_89 = tpu.vector_load %arg8[%swap3A_87, %swap3A_88] {strides = array<i32>} : memref<128x128xf32, #tpu.memory_space<vmem>>, vector<1x16xf32>,
        %swap3A_90 = vector.shape_cast %swap3A_89 : vector<1x16xf32> to vector<16xf32>
        %swap3A_91 = vector.shape_cast %broadcast_in_dim3A_86 : vector<16xf32> to vector<1x16xf32>
        tpu.vector_store %arg8[%swap3A_87, %swap3A_88], %swap3A_91 {strides = array<i32>} : memref<128x128xf32, #tpu.memory_space<vmem>>, vector<1x16xf32>,
        %broadcast_in_dim3A_92 = arith.constant 0.000000e+00 : f32
        %broadcast_in_dim3A_93 = vector.broadcast %broadcast_in_dim3A_92 : f32 to vector<16xf32>
        %swap3A_94 = arith.index_cast %scan3A_50 : i32 to index
        %swap3A_95 = arith.constant 96 : index
        %swap3A_96 = tpu.vector_load %arg8[%swap3A_94, %swap3A_95] {strides = array<i32>} : memref<128x128xf32, #tpu.memory_space<vmem>>, vector<1x16xf32>,
        %swap3A_97 = vector.shape_cast %swap3A_96 : vector<1x16xf32> to vector<16xf32>
        %swap3A_98 = vector.shape_cast %broadcast_in_dim3A_93 : vector<16xf32> to vector<1x16xf32>
        tpu.vector_store %arg8[%swap3A_94, %swap3A_95], %swap3A_98 {strides = array<i32>} : memref<128x128xf32, #tpu.memory_space<vmem>>, vector<1x16xf32>,
        %broadcast_in_dim3A_99 = arith.constant 0.000000e+00 : f32
        %broadcast_in_dim3A_100 = vector.broadcast %broadcast_in_dim3A_99 : f32 to vector<16xf32>
        %swap3A_101 = arith.index_cast %scan3A_50 : i32 to index
        %swap3A_102 = arith.constant 112 : index
        %swap3A_103 = tpu.vector_load %arg8[%swap3A_101, %swap3A_102] {strides = array<i32>} : memref<128x128xf32, #tpu.memory_space<vmem>>, vector<1x16xf32>,
        %swap3A_104 = vector.shape_cast %swap3A_103 : vector<1x16xf32> to vector<16xf32>
        %swap3A_105 = vector.shape_cast %broadcast_in_dim3A_100 : vector<16xf32> to vector<1x16xf32>
        tpu.vector_store %arg8[%swap3A_101, %swap3A_102], %swap3A_105 {strides = array<i32>} : memref<128x128xf32, #tpu.memory_space<vmem>>, vector<1x16xf32>,
        %scan3A_106 = arith.constant 0 : i32
        scf.yield %scan3A_106 : i32
      }
      %scan3A_40 = arith.constant 128 : i32
      %add3A = arith.constant 0 : i32
      %add3A_41 = arith.addi %multiple_of3A, %add3A : i32
      "tpu.region"() ({
        %run_scoped3A = tpu.sem_alloc : memref<!tpu.dma_semaphore, #tpu.memory_space<semaphore_mem>>
        %dma_start3A = arith.constant 0 : i32
        %dma_start3A_50 = tpu.memref_slice %arg9[%add3A_41, %dma_start3A] : memref<10240x128xf32, #tpu.memory_space<vmem_shared>> -> memref<128x128xf32, #tpu.memory_space<vmem_shared>>
        %dma_start3A_51 = arith.constant 0 : i32
        %dma_start3A_52 = tpu.memref_slice %arg9[%add3A_41, %dma_start3A_51] : memref<10240x128xf32, #tpu.memory_space<vmem_shared>> -> memref<128x128xf32, #tpu.memory_space<vmem_shared>>
        tpu.enqueue_dma source(%arg8 : memref<128x128xf32, #tpu.memory_space<vmem>>) target(%dma_start3A_52 : memref<128x128xf32, #tpu.memory_space<vmem_shared>>) target_semaphore(%run_scoped3A : memref<!tpu.dma_semaphore, #tpu.memory_space<semaphore_mem>>)
        %dma_wait3A = arith.constant 0 : i32
        %dma_wait3A_53 = tpu.memref_slice %arg9[%add3A_41, %dma_wait3A] : memref<10240x128xf32, #tpu.memory_space<vmem_shared>> -> memref<128x128xf32, #tpu.memory_space<vmem_shared>>
        %dma_wait3A_54 = arith.constant 0 : i32
        %dma_wait3A_55 = tpu.memref_slice %arg9[%add3A_41, %dma_wait3A_54] : memref<10240x128xf32, #tpu.memory_space<vmem_shared>> -> memref<128x128xf32, #tpu.memory_space<vmem_shared>>
        tpu.wait_dma2 semaphore(%run_scoped3A : memref<!tpu.dma_semaphore, #tpu.memory_space<semaphore_mem>>) src(%arg8 : memref<128x128xf32, #tpu.memory_space<vmem>>) dst(%dma_wait3A_55 : memref<128x128xf32, #tpu.memory_space<vmem_shared>>)
        tpu.yield
      }) : () -> ()
      %add3A_42 = arith.constant 128 : i32
      %add3A_43 = arith.addi %multiple_of3A, %add3A_42 : i32
      "tpu.region"() ({
        %run_scoped3A = tpu.sem_alloc : memref<!tpu.dma_semaphore, #tpu.memory_space<semaphore_mem>>
        %dma_start3A = arith.constant 0 : i32
        %dma_start3A_50 = tpu.memref_slice %arg9[%add3A_43, %dma_start3A] : memref<10240x128xf32, #tpu.memory_space<vmem_shared>> -> memref<128x128xf32, #tpu.memory_space<vmem_shared>>
        %dma_start3A_51 = arith.constant 0 : i32
        %dma_start3A_52 = tpu.memref_slice %arg9[%add3A_43, %dma_start3A_51] : memref<10240x128xf32, #tpu.memory_space<vmem_shared>> -> memref<128x128xf32, #tpu.memory_space<vmem_shared>>
        tpu.enqueue_dma source(%arg8 : memref<128x128xf32, #tpu.memory_space<vmem>>) target(%dma_start3A_52 : memref<128x128xf32, #tpu.memory_space<vmem_shared>>) target_semaphore(%run_scoped3A : memref<!tpu.dma_semaphore, #tpu.memory_space<semaphore_mem>>)
        %dma_wait3A = arith.constant 0 : i32
        %dma_wait3A_53 = tpu.memref_slice %arg9[%add3A_43, %dma_wait3A] : memref<10240x128xf32, #tpu.memory_space<vmem_shared>> -> memref<128x128xf32, #tpu.memory_space<vmem_shared>>
        %dma_wait3A_54 = arith.constant 0 : i32
        %dma_wait3A_55 = tpu.memref_slice %arg9[%add3A_43, %dma_wait3A_54] : memref<10240x128xf32, #tpu.memory_space<vmem_shared>> -> memref<128x128xf32, #tpu.memory_space<vmem_shared>>
        tpu.wait_dma2 semaphore(%run_scoped3A : memref<!tpu.dma_semaphore, #tpu.memory_space<semaphore_mem>>) src(%arg8 : memref<128x128xf32, #tpu.memory_space<vmem>>) dst(%dma_wait3A_55 : memref<128x128xf32, #tpu.memory_space<vmem_shared>>)
        tpu.yield
      }) : () -> ()
      %add3A_44 = arith.constant 256 : i32
      %add3A_45 = arith.addi %multiple_of3A, %add3A_44 : i32
      "tpu.region"() ({
        %run_scoped3A = tpu.sem_alloc : memref<!tpu.dma_semaphore, #tpu.memory_space<semaphore_mem>>
        %dma_start3A = arith.constant 0 : i32
        %dma_start3A_50 = tpu.memref_slice %arg9[%add3A_45, %dma_start3A] : memref<10240x128xf32, #tpu.memory_space<vmem_shared>> -> memref<128x128xf32, #tpu.memory_space<vmem_shared>>
        %dma_start3A_51 = arith.constant 0 : i32
        %dma_start3A_52 = tpu.memref_slice %arg9[%add3A_45, %dma_start3A_51] : memref<10240x128xf32, #tpu.memory_space<vmem_shared>> -> memref<128x128xf32, #tpu.memory_space<vmem_shared>>
        tpu.enqueue_dma source(%arg8 : memref<128x128xf32, #tpu.memory_space<vmem>>) target(%dma_start3A_52 : memref<128x128xf32, #tpu.memory_space<vmem_shared>>) target_semaphore(%run_scoped3A : memref<!tpu.dma_semaphore, #tpu.memory_space<semaphore_mem>>)
        %dma_wait3A = arith.constant 0 : i32
        %dma_wait3A_53 = tpu.memref_slice %arg9[%add3A_45, %dma_wait3A] : memref<10240x128xf32, #tpu.memory_space<vmem_shared>> -> memref<128x128xf32, #tpu.memory_space<vmem_shared>>
        %dma_wait3A_54 = arith.constant 0 : i32
        %dma_wait3A_55 = tpu.memref_slice %arg9[%add3A_45, %dma_wait3A_54] : memref<10240x128xf32, #tpu.memory_space<vmem_shared>> -> memref<128x128xf32, #tpu.memory_space<vmem_shared>>
        tpu.wait_dma2 semaphore(%run_scoped3A : memref<!tpu.dma_semaphore, #tpu.memory_space<semaphore_mem>>) src(%arg8 : memref<128x128xf32, #tpu.memory_space<vmem>>) dst(%dma_wait3A_55 : memref<128x128xf32, #tpu.memory_space<vmem_shared>>)
        tpu.yield
      }) : () -> ()
      %add3A_46 = arith.constant 384 : i32
      %add3A_47 = arith.addi %multiple_of3A, %add3A_46 : i32
      "tpu.region"() ({
        %run_scoped3A = tpu.sem_alloc : memref<!tpu.dma_semaphore, #tpu.memory_space<semaphore_mem>>
        %dma_start3A = arith.constant 0 : i32
        %dma_start3A_50 = tpu.memref_slice %arg9[%add3A_47, %dma_start3A] : memref<10240x128xf32, #tpu.memory_space<vmem_shared>> -> memref<128x128xf32, #tpu.memory_space<vmem_shared>>
        %dma_start3A_51 = arith.constant 0 : i32
        %dma_start3A_52 = tpu.memref_slice %arg9[%add3A_47, %dma_start3A_51] : memref<10240x128xf32, #tpu.memory_space<vmem_shared>> -> memref<128x128xf32, #tpu.memory_space<vmem_shared>>
        tpu.enqueue_dma source(%arg8 : memref<128x128xf32, #tpu.memory_space<vmem>>) target(%dma_start3A_52 : memref<128x128xf32, #tpu.memory_space<vmem_shared>>) target_semaphore(%run_scoped3A : memref<!tpu.dma_semaphore, #tpu.memory_space<semaphore_mem>>)
        %dma_wait3A = arith.constant 0 : i32
        %dma_wait3A_53 = tpu.memref_slice %arg9[%add3A_47, %dma_wait3A] : memref<10240x128xf32, #tpu.memory_space<vmem_shared>> -> memref<128x128xf32, #tpu.memory_space<vmem_shared>>
        %dma_wait3A_54 = arith.constant 0 : i32
        %dma_wait3A_55 = tpu.memref_slice %arg9[%add3A_47, %dma_wait3A_54] : memref<10240x128xf32, #tpu.memory_space<vmem_shared>> -> memref<128x128xf32, #tpu.memory_space<vmem_shared>>
        tpu.wait_dma2 semaphore(%run_scoped3A : memref<!tpu.dma_semaphore, #tpu.memory_space<semaphore_mem>>) src(%arg8 : memref<128x128xf32, #tpu.memory_space<vmem>>) dst(%dma_wait3A_55 : memref<128x128xf32, #tpu.memory_space<vmem_shared>>)
        tpu.yield
      }) : () -> ()
      %add3A_48 = arith.constant 512 : i32
      %add3A_49 = arith.addi %multiple_of3A, %add3A_48 : i32
      "tpu.region"() ({
        %run_scoped3A = tpu.sem_alloc : memref<!tpu.dma_semaphore, #tpu.memory_space<semaphore_mem>>
        %dma_start3A = arith.constant 0 : i32
        %dma_start3A_50 = tpu.memref_slice %arg9[%add3A_49, %dma_start3A] : memref<10240x128xf32, #tpu.memory_space<vmem_shared>> -> memref<128x128xf32, #tpu.memory_space<vmem_shared>>
        %dma_start3A_51 = arith.constant 0 : i32
        %dma_start3A_52 = tpu.memref_slice %arg9[%add3A_49, %dma_start3A_51] : memref<10240x128xf32, #tpu.memory_space<vmem_shared>> -> memref<128x128xf32, #tpu.memory_space<vmem_shared>>
        tpu.enqueue_dma source(%arg8 : memref<128x128xf32, #tpu.memory_space<vmem>>) target(%dma_start3A_52 : memref<128x128xf32, #tpu.memory_space<vmem_shared>>) target_semaphore(%run_scoped3A : memref<!tpu.dma_semaphore, #tpu.memory_space<semaphore_mem>>)
        %dma_wait3A = arith.constant 0 : i32
        %dma_wait3A_53 = tpu.memref_slice %arg9[%add3A_49, %dma_wait3A] : memref<10240x128xf32, #tpu.memory_space<vmem_shared>> -> memref<128x128xf32, #tpu.memory_space<vmem_shared>>
        %dma_wait3A_54 = arith.constant 0 : i32
        %dma_wait3A_55 = tpu.memref_slice %arg9[%add3A_49, %dma_wait3A_54] : memref<10240x128xf32, #tpu.memory_space<vmem_shared>> -> memref<128x128xf32, #tpu.memory_space<vmem_shared>>
        tpu.wait_dma2 semaphore(%run_scoped3A : memref<!tpu.dma_semaphore, #tpu.memory_space<semaphore_mem>>) src(%arg8 : memref<128x128xf32, #tpu.memory_space<vmem>>) dst(%dma_wait3A_55 : memref<128x128xf32, #tpu.memory_space<vmem_shared>>)
        tpu.yield
      }) : () -> ()
    } else {
    }
    %barrier3A = arith.constant 0 : index
    tpu.barrier barrier_id(%barrier3A)
    %scan3A = arith.constant 0 : i32
    %scan3A_17 = arith.constant 0 : i32
    %scan3A_18 = arith.constant 80 : i32
    %scan3A_19 = arith.addi %scan3A_17, %scan3A_18 : i32
    %scan3A_20 = arith.constant 1 : i32
    %scan3A_21 = scf.for %scan3A_34 = %scan3A_17 to %scan3A_19 step %scan3A_20 iter_args(%scan3A_35 = %scan3A) -> (i32)  : i32 {
      %dma_start3A = arith.constant 0 : i32
      %dma_start3A_36 = tpu.memref_slice %arg6[%scan3A_34, %dma_start3A] : memref<80x128xi32, #tpu.memory_space<vmem>> -> memref<1x128xi32, #tpu.memory_space<vmem>>
      %dma_start3A_37 = tpu.memref_squeeze %dma_start3A_36 : memref<1x128xi32, #tpu.memory_space<vmem>> -> memref<128xi32, #tpu.memory_space<vmem>>
      %dma_start3A_38 = arith.constant 0 : i32
      %dma_start3A_39 = arith.constant 0 : i32
      %dma_start3A_40 = tpu.memref_slice %arg2[%dma_start3A_38, %dma_start3A_39] : memref<10000x128xf32, #tpu.memory_space<hbm>> -> memref<10000x128xf32, #tpu.memory_space<hbm>>
      tpu.enqueue_indirect_dma source(%dma_start3A_40 : memref<10000x128xf32, #tpu.memory_space<hbm>>) target(%arg8 : memref<128x128xf32, #tpu.memory_space<vmem>>) offsets(%dma_start3A_37 : memref<128xi32, #tpu.memory_space<vmem>>) semaphore(%arg10 : memref<!tpu.dma_semaphore, #tpu.memory_space<semaphore_mem>>)
      %dma_wait3A = arith.constant 0 : i32
      %dma_wait3A_41 = tpu.memref_slice %arg6[%scan3A_34, %dma_wait3A] : memref<80x128xi32, #tpu.memory_space<vmem>> -> memref<1x128xi32, #tpu.memory_space<vmem>>
      %dma_wait3A_42 = tpu.memref_squeeze %dma_wait3A_41 : memref<1x128xi32, #tpu.memory_space<vmem>> -> memref<128xi32, #tpu.memory_space<vmem>>
      %dma_wait3A_43 = arith.constant 0 : i32
      %dma_wait3A_44 = arith.constant 0 : i32
      %dma_wait3A_45 = tpu.memref_slice %arg2[%dma_wait3A_43, %dma_wait3A_44] : memref<10000x128xf32, #tpu.memory_space<hbm>> -> memref<10000x128xf32, #tpu.memory_space<hbm>>
      tpu.wait_indirect_dma semaphore(%arg10 : memref<!tpu.dma_semaphore, #tpu.memory_space<semaphore_mem>>) src(%dma_wait3A_45 : memref<10000x128xf32, #tpu.memory_space<hbm>>) dst(%arg8 : memref<128x128xf32, #tpu.memory_space<vmem>>)
      "tpu.region"() ({
        %run_scoped3A = tpu.sem_alloc : memref<!tpu.dma_semaphore, #tpu.memory_space<semaphore_mem>>
        %dma_start3A_47 = arith.constant 0 : i32
        %dma_start3A_48 = tpu.memref_slice %arg7[%scan3A_34, %dma_start3A_47] : memref<80x128xi32, #tpu.memory_space<vmem>> -> memref<1x128xi32, #tpu.memory_space<vmem>>
        %dma_start3A_49 = tpu.memref_squeeze %dma_start3A_48 : memref<1x128xi32, #tpu.memory_space<vmem>> -> memref<128xi32, #tpu.memory_space<vmem>>
        %dma_start3A_50 = arith.constant 0 : i32
        %dma_start3A_51 = arith.constant 0 : i32
        %dma_start3A_52 = tpu.memref_slice %arg9[%dma_start3A_50, %dma_start3A_51] : memref<10240x128xf32, #tpu.memory_space<vmem_shared>> -> memref<10240x128xf32, #tpu.memory_space<vmem_shared>>
        tpu.enqueue_indirect_dma source(%arg8 : memref<128x128xf32, #tpu.memory_space<vmem>>) target(%dma_start3A_52 : memref<10240x128xf32, #tpu.memory_space<vmem_shared>>) offsets(%dma_start3A_49 : memref<128xi32, #tpu.memory_space<vmem>>) semaphore(%run_scoped3A : memref<!tpu.dma_semaphore, #tpu.memory_space<semaphore_mem>>) {add = true}
        %dma_wait3A_53 = arith.constant 0 : i32
        %dma_wait3A_54 = tpu.memref_slice %arg7[%scan3A_34, %dma_wait3A_53] : memref<80x128xi32, #tpu.memory_space<vmem>> -> memref<1x128xi32, #tpu.memory_space<vmem>>
        %dma_wait3A_55 = tpu.memref_squeeze %dma_wait3A_54 : memref<1x128xi32, #tpu.memory_space<vmem>> -> memref<128xi32, #tpu.memory_space<vmem>>
        %dma_wait3A_56 = arith.constant 0 : i32
        %dma_wait3A_57 = arith.constant 0 : i32
        %dma_wait3A_58 = tpu.memref_slice %arg9[%dma_wait3A_56, %dma_wait3A_57] : memref<10240x128xf32, #tpu.memory_space<vmem_shared>> -> memref<10240x128xf32, #tpu.memory_space<vmem_shared>>
        tpu.wait_indirect_dma semaphore(%run_scoped3A : memref<!tpu.dma_semaphore, #tpu.memory_space<semaphore_mem>>) src(%arg8 : memref<128x128xf32, #tpu.memory_space<vmem>>) dst(%dma_wait3A_58 : memref<10240x128xf32, #tpu.memory_space<vmem_shared>>)
        tpu.yield
      }) : () -> ()
      %scan3A_46 = arith.constant 0 : i32
      scf.yield %scan3A_46 : i32
    }
    %scan3A_22 = arith.constant 80 : i32
    %barrier3A_23 = arith.constant 0 : index
    tpu.barrier barrier_id(%barrier3A_23)
    %lt3A_24 = arith.constant 15 : i32
    %lt3A_25 = arith.cmpi slt, %arg1, %lt3A_24 : i32
    %convert_element_type3A_26 = arith.extui %lt3A_25 : i1 to i32
    %cond3A_27 = arith.constant 0 : i32
    %cond3A_28 = arith.cmpi ne, %convert_element_type3A_26, %cond3A_27 : i32
    scf.if %cond3A_28 {
      "tpu.region"() ({
        %run_scoped3A = tpu.sem_alloc : memref<!tpu.dma_semaphore, #tpu.memory_space<semaphore_mem>>
        %dma_start3A = arith.constant 0 : i32
        %dma_start3A_34 = tpu.memref_slice %arg5[%arg0, %multiple_of3A, %dma_start3A] : memref<2x10000x128xf32, #tpu.memory_space<hbm>> -> memref<1x640x128xf32, #tpu.memory_space<hbm>>
        %dma_start3A_35 = tpu.memref_squeeze %dma_start3A_34 : memref<1x640x128xf32, #tpu.memory_space<hbm>> -> memref<640x128xf32, #tpu.memory_space<hbm>>
        %dma_start3A_36 = arith.constant 0 : i32
        %dma_start3A_37 = tpu.memref_slice %arg9[%multiple_of3A, %dma_start3A_36] : memref<10240x128xf32, #tpu.memory_space<vmem_shared>> -> memref<640x128xf32, #tpu.memory_space<vmem_shared>>
        tpu.enqueue_dma source(%dma_start3A_37 : memref<640x128xf32, #tpu.memory_space<vmem_shared>>) target(%dma_start3A_35 : memref<640x128xf32, #tpu.memory_space<hbm>>) target_semaphore(%run_scoped3A : memref<!tpu.dma_semaphore, #tpu.memory_space<semaphore_mem>>)
        %dma_wait3A = arith.constant 0 : i32
        %dma_wait3A_38 = tpu.memref_slice %arg5[%arg0, %multiple_of3A, %dma_wait3A] : memref<2x10000x128xf32, #tpu.memory_space<hbm>> -> memref<1x640x128xf32, #tpu.memory_space<hbm>>
        %dma_wait3A_39 = tpu.memref_squeeze %dma_wait3A_38 : memref<1x640x128xf32, #tpu.memory_space<hbm>> -> memref<640x128xf32, #tpu.memory_space<hbm>>
        %dma_wait3A_40 = arith.constant 0 : i32
        %dma_wait3A_41 = tpu.memref_slice %arg9[%multiple_of3A, %dma_wait3A_40] : memref<10240x128xf32, #tpu.memory_space<vmem_shared>> -> memref<640x128xf32, #tpu.memory_space<vmem_shared>>
        tpu.wait_dma2 semaphore(%run_scoped3A : memref<!tpu.dma_semaphore, #tpu.memory_space<semaphore_mem>>) src(%dma_wait3A_41 : memref<640x128xf32, #tpu.memory_space<vmem_shared>>) dst(%dma_wait3A_39 : memref<640x128xf32, #tpu.memory_space<hbm>>)
        tpu.yield
      }) : () -> ()
    } else {
    }
    %eq3A_29 = arith.constant 15 : i32
    %eq3A_30 = arith.cmpi eq, %arg1, %eq3A_29 : i32
    %convert_element_type3A_31 = arith.extui %eq3A_30 : i1 to i32
    %cond3A_32 = arith.constant 0 : i32
    %cond3A_33 = arith.cmpi ne, %convert_element_type3A_31, %cond3A_32 : i32
    scf.if %cond3A_33 {
      "tpu.region"() ({
        %run_scoped3A = tpu.sem_alloc : memref<!tpu.dma_semaphore, #tpu.memory_space<semaphore_mem>>
        %dma_start3A = arith.constant 9600 : i32
        %dma_start3A_34 = arith.constant 0 : i32
        %dma_start3A_35 = tpu.memref_slice %arg5[%arg0, %dma_start3A, %dma_start3A_34] : memref<2x10000x128xf32, #tpu.memory_space<hbm>> -> memref<1x400x128xf32, #tpu.memory_space<hbm>>
        %dma_start3A_36 = tpu.memref_squeeze %dma_start3A_35 : memref<1x400x128xf32, #tpu.memory_space<hbm>> -> memref<400x128xf32, #tpu.memory_space<hbm>>
        %dma_start3A_37 = arith.constant 9600 : i32
        %dma_start3A_38 = arith.constant 0 : i32
        %dma_start3A_39 = tpu.memref_slice %arg9[%dma_start3A_37, %dma_start3A_38] : memref<10240x128xf32, #tpu.memory_space<vmem_shared>> -> memref<400x128xf32, #tpu.memory_space<vmem_shared>>
        tpu.enqueue_dma source(%dma_start3A_39 : memref<400x128xf32, #tpu.memory_space<vmem_shared>>) target(%dma_start3A_36 : memref<400x128xf32, #tpu.memory_space<hbm>>) target_semaphore(%run_scoped3A : memref<!tpu.dma_semaphore, #tpu.memory_space<semaphore_mem>>)
        %dma_wait3A = arith.constant 9600 : i32
        %dma_wait3A_40 = arith.constant 0 : i32
        %dma_wait3A_41 = tpu.memref_slice %arg5[%arg0, %dma_wait3A, %dma_wait3A_40] : memref<2x10000x128xf32, #tpu.memory_space<hbm>> -> memref<1x400x128xf32, #tpu.memory_space<hbm>>
        %dma_wait3A_42 = tpu.memref_squeeze %dma_wait3A_41 : memref<1x400x128xf32, #tpu.memory_space<hbm>> -> memref<400x128xf32, #tpu.memory_space<hbm>>
        %dma_wait3A_43 = arith.constant 9600 : i32
        %dma_wait3A_44 = arith.constant 0 : i32
        %dma_wait3A_45 = tpu.memref_slice %arg9[%dma_wait3A_43, %dma_wait3A_44] : memref<10240x128xf32, #tpu.memory_space<vmem_shared>> -> memref<400x128xf32, #tpu.memory_space<vmem_shared>>
        tpu.wait_dma2 semaphore(%run_scoped3A : memref<!tpu.dma_semaphore, #tpu.memory_space<semaphore_mem>>) src(%dma_wait3A_45 : memref<400x128xf32, #tpu.memory_space<vmem_shared>>) dst(%dma_wait3A_42 : memref<400x128xf32, #tpu.memory_space<hbm>>)
        tpu.yield
      }) : () -> ()
    } else {
    }
    return
  }
}

#map = affine_map<(d0, d1) -> (0, 0, 0, 0)>
#map1 = affine_map<(d0, d1) -> (0, 0, 0)>
module attributes {stable_mosaic.version = 14 : i64} {
  func.func @k(%arg0: i32, %arg1: i32, %arg2: memref<2x16x80x128xi32, #tpu.memory_space<hbm>>, %arg3: memref<2x10000x128xf32, #tpu.memory_space<hbm>>, %arg4: memref<80x128xi32, #tpu.memory_space<vmem>>, %arg5: memref<128x128xf32, #tpu.memory_space<vmem>>, %arg6: memref<128x128xf32, #tpu.memory_space<vmem>>, %arg7: memref<10240x128xf32, #tpu.memory_space<vmem_shared>>) attributes {dimension_semantics = [#tpu.dimension_semantics<core_parallel>, #tpu.dimension_semantics<subcore_parallel>], iteration_bounds = array<i64: 2, 16>, scalar_prefetch = 0 : i64, scratch_operands = 4 : i64, tpu.core_type = #tpu.core_type<sc_vector_subcore>, window_params = [{transform_indices = #map}, {transform_indices = #map1}]} {
    %mul3A = arith.constant 640 : i32
    %mul3A_0 = arith.muli %arg1, %mul3A : i32
    %multiple_of3A = tpu.assume_multiple %mul3A_0, 8 : i32
    "tpu.region"() ({
      %run_scoped3A = tpu.sem_alloc : memref<!tpu.dma_semaphore, #tpu.memory_space<semaphore_mem>>
      %dma_start3A = arith.constant 0 : i32
      %dma_start3A_37 = arith.constant 0 : i32
      %dma_start3A_38 = tpu.memref_slice %arg2[%arg0, %arg1, %dma_start3A, %dma_start3A_37] : memref<2x16x80x128xi32, #tpu.memory_space<hbm>> -> memref<1x1x80x128xi32, #tpu.memory_space<hbm>>
      %dma_start3A_39 = tpu.memref_squeeze %dma_start3A_38 : memref<1x1x80x128xi32, #tpu.memory_space<hbm>> -> memref<80x128xi32, #tpu.memory_space<hbm>>
      %dma_start3A_40 = arith.constant 0 : i32
      %dma_start3A_41 = arith.constant 0 : i32
      %dma_start3A_42 = tpu.memref_slice %arg2[%arg0, %arg1, %dma_start3A_40, %dma_start3A_41] : memref<2x16x80x128xi32, #tpu.memory_space<hbm>> -> memref<1x1x80x128xi32, #tpu.memory_space<hbm>>
      %dma_start3A_43 = tpu.memref_squeeze %dma_start3A_42 : memref<1x1x80x128xi32, #tpu.memory_space<hbm>> -> memref<80x128xi32, #tpu.memory_space<hbm>>
      tpu.enqueue_dma source(%dma_start3A_43 : memref<80x128xi32, #tpu.memory_space<hbm>>) target(%arg4 : memref<80x128xi32, #tpu.memory_space<vmem>>) target_semaphore(%run_scoped3A : memref<!tpu.dma_semaphore, #tpu.memory_space<semaphore_mem>>)
      %dma_wait3A = arith.constant 0 : i32
      %dma_wait3A_44 = arith.constant 0 : i32
      %dma_wait3A_45 = tpu.memref_slice %arg2[%arg0, %arg1, %dma_wait3A, %dma_wait3A_44] : memref<2x16x80x128xi32, #tpu.memory_space<hbm>> -> memref<1x1x80x128xi32, #tpu.memory_space<hbm>>
      %dma_wait3A_46 = tpu.memref_squeeze %dma_wait3A_45 : memref<1x1x80x128xi32, #tpu.memory_space<hbm>> -> memref<80x128xi32, #tpu.memory_space<hbm>>
      %dma_wait3A_47 = arith.constant 0 : i32
      %dma_wait3A_48 = arith.constant 0 : i32
      %dma_wait3A_49 = tpu.memref_slice %arg2[%arg0, %arg1, %dma_wait3A_47, %dma_wait3A_48] : memref<2x16x80x128xi32, #tpu.memory_space<hbm>> -> memref<1x1x80x128xi32, #tpu.memory_space<hbm>>
      %dma_wait3A_50 = tpu.memref_squeeze %dma_wait3A_49 : memref<1x1x80x128xi32, #tpu.memory_space<hbm>> -> memref<80x128xi32, #tpu.memory_space<hbm>>
      tpu.wait_dma2 semaphore(%run_scoped3A : memref<!tpu.dma_semaphore, #tpu.memory_space<semaphore_mem>>) src(%dma_wait3A_50 : memref<80x128xi32, #tpu.memory_space<hbm>>) dst(%arg4 : memref<80x128xi32, #tpu.memory_space<vmem>>)
      tpu.yield
    }) : () -> ()
    %iota3A = tpu.iota {dimensions = array<i32: 0>} : vector<16xi32>
    %eq3A = arith.constant 0 : i32
    %eq3A_1 = vector.broadcast %eq3A : i32 to vector<16xi32>
    %eq3A_2 = arith.cmpi eq, %iota3A, %eq3A_1 : vector<16xi32>
    %jit3A = arith.constant 1.000000e+00 : f32
    %jit3A_3 = arith.constant 0.000000e+00 : f32
    %broadcast_in_dim3A = vector.broadcast %jit3A : f32 to vector<16xf32>
    %broadcast_in_dim3A_4 = vector.broadcast %jit3A_3 : f32 to vector<16xf32>
    %select_n3A = arith.select %eq3A_2, %broadcast_in_dim3A, %broadcast_in_dim3A_4 : vector<16xi1>, vector<16xf32>
    %broadcast_in_dim3A_5 = arith.constant 0.000000e+00 : f32
    %broadcast_in_dim3A_6 = vector.broadcast %broadcast_in_dim3A_5 : f32 to vector<16xf32>
    %scan3A = arith.constant 0 : i32
    %scan3A_7 = arith.constant 0 : i32
    %scan3A_8 = arith.constant 128 : i32
    %scan3A_9 = arith.addi %scan3A_7, %scan3A_8 : i32
    %scan3A_10 = arith.constant 1 : i32
    %scan3A_11 = scf.for %scan3A_37 = %scan3A_7 to %scan3A_9 step %scan3A_10 iter_args(%scan3A_38 = %scan3A) -> (i32)  : i32 {
      %swap3A = arith.index_cast %scan3A_37 : i32 to index
      %swap3A_39 = arith.constant 0 : index
      %swap3A_40 = tpu.vector_load %arg5[%swap3A, %swap3A_39] {strides = array<i32>} : memref<128x128xf32, #tpu.memory_space<vmem>>, vector<1x16xf32>,
      %swap3A_41 = vector.shape_cast %swap3A_40 : vector<1x16xf32> to vector<16xf32>
      %swap3A_42 = vector.shape_cast %select_n3A : vector<16xf32> to vector<1x16xf32>
      tpu.vector_store %arg5[%swap3A, %swap3A_39], %swap3A_42 {strides = array<i32>} : memref<128x128xf32, #tpu.memory_space<vmem>>, vector<1x16xf32>,
      %swap3A_43 = arith.index_cast %scan3A_37 : i32 to index
      %swap3A_44 = arith.constant 0 : index
      %swap3A_45 = tpu.vector_load %arg6[%swap3A_43, %swap3A_44] {strides = array<i32>} : memref<128x128xf32, #tpu.memory_space<vmem>>, vector<1x16xf32>,
      %swap3A_46 = vector.shape_cast %swap3A_45 : vector<1x16xf32> to vector<16xf32>
      %swap3A_47 = vector.shape_cast %broadcast_in_dim3A_6 : vector<16xf32> to vector<1x16xf32>
      tpu.vector_store %arg6[%swap3A_43, %swap3A_44], %swap3A_47 {strides = array<i32>} : memref<128x128xf32, #tpu.memory_space<vmem>>, vector<1x16xf32>,
      %swap3A_48 = arith.index_cast %scan3A_37 : i32 to index
      %swap3A_49 = arith.constant 16 : index
      %swap3A_50 = tpu.vector_load %arg5[%swap3A_48, %swap3A_49] {strides = array<i32>} : memref<128x128xf32, #tpu.memory_space<vmem>>, vector<1x16xf32>,
      %swap3A_51 = vector.shape_cast %swap3A_50 : vector<1x16xf32> to vector<16xf32>
      %swap3A_52 = vector.shape_cast %broadcast_in_dim3A_6 : vector<16xf32> to vector<1x16xf32>
      tpu.vector_store %arg5[%swap3A_48, %swap3A_49], %swap3A_52 {strides = array<i32>} : memref<128x128xf32, #tpu.memory_space<vmem>>, vector<1x16xf32>,
      %swap3A_53 = arith.index_cast %scan3A_37 : i32 to index
      %swap3A_54 = arith.constant 16 : index
      %swap3A_55 = tpu.vector_load %arg6[%swap3A_53, %swap3A_54] {strides = array<i32>} : memref<128x128xf32, #tpu.memory_space<vmem>>, vector<1x16xf32>,
      %swap3A_56 = vector.shape_cast %swap3A_55 : vector<1x16xf32> to vector<16xf32>
      %swap3A_57 = vector.shape_cast %broadcast_in_dim3A_6 : vector<16xf32> to vector<1x16xf32>
      tpu.vector_store %arg6[%swap3A_53, %swap3A_54], %swap3A_57 {strides = array<i32>} : memref<128x128xf32, #tpu.memory_space<vmem>>, vector<1x16xf32>,
      %swap3A_58 = arith.index_cast %scan3A_37 : i32 to index
      %swap3A_59 = arith.constant 32 : index
      %swap3A_60 = tpu.vector_load %arg5[%swap3A_58, %swap3A_59] {strides = array<i32>} : memref<128x128xf32, #tpu.memory_space<vmem>>, vector<1x16xf32>,
      %swap3A_61 = vector.shape_cast %swap3A_60 : vector<1x16xf32> to vector<16xf32>
      %swap3A_62 = vector.shape_cast %broadcast_in_dim3A_6 : vector<16xf32> to vector<1x16xf32>
      tpu.vector_store %arg5[%swap3A_58, %swap3A_59], %swap3A_62 {strides = array<i32>} : memref<128x128xf32, #tpu.memory_space<vmem>>, vector<1x16xf32>,
      %swap3A_63 = arith.index_cast %scan3A_37 : i32 to index
      %swap3A_64 = arith.constant 32 : index
      %swap3A_65 = tpu.vector_load %arg6[%swap3A_63, %swap3A_64] {strides = array<i32>} : memref<128x128xf32, #tpu.memory_space<vmem>>, vector<1x16xf32>,
      %swap3A_66 = vector.shape_cast %swap3A_65 : vector<1x16xf32> to vector<16xf32>
      %swap3A_67 = vector.shape_cast %broadcast_in_dim3A_6 : vector<16xf32> to vector<1x16xf32>
      tpu.vector_store %arg6[%swap3A_63, %swap3A_64], %swap3A_67 {strides = array<i32>} : memref<128x128xf32, #tpu.memory_space<vmem>>, vector<1x16xf32>,
      %swap3A_68 = arith.index_cast %scan3A_37 : i32 to index
      %swap3A_69 = arith.constant 48 : index
      %swap3A_70 = tpu.vector_load %arg5[%swap3A_68, %swap3A_69] {strides = array<i32>} : memref<128x128xf32, #tpu.memory_space<vmem>>, vector<1x16xf32>,
      %swap3A_71 = vector.shape_cast %swap3A_70 : vector<1x16xf32> to vector<16xf32>
      %swap3A_72 = vector.shape_cast %broadcast_in_dim3A_6 : vector<16xf32> to vector<1x16xf32>
      tpu.vector_store %arg5[%swap3A_68, %swap3A_69], %swap3A_72 {strides = array<i32>} : memref<128x128xf32, #tpu.memory_space<vmem>>, vector<1x16xf32>,
      %swap3A_73 = arith.index_cast %scan3A_37 : i32 to index
      %swap3A_74 = arith.constant 48 : index
      %swap3A_75 = tpu.vector_load %arg6[%swap3A_73, %swap3A_74] {strides = array<i32>} : memref<128x128xf32, #tpu.memory_space<vmem>>, vector<1x16xf32>,
      %swap3A_76 = vector.shape_cast %swap3A_75 : vector<1x16xf32> to vector<16xf32>
      %swap3A_77 = vector.shape_cast %broadcast_in_dim3A_6 : vector<16xf32> to vector<1x16xf32>
      tpu.vector_store %arg6[%swap3A_73, %swap3A_74], %swap3A_77 {strides = array<i32>} : memref<128x128xf32, #tpu.memory_space<vmem>>, vector<1x16xf32>,
      %swap3A_78 = arith.index_cast %scan3A_37 : i32 to index
      %swap3A_79 = arith.constant 64 : index
      %swap3A_80 = tpu.vector_load %arg5[%swap3A_78, %swap3A_79] {strides = array<i32>} : memref<128x128xf32, #tpu.memory_space<vmem>>, vector<1x16xf32>,
      %swap3A_81 = vector.shape_cast %swap3A_80 : vector<1x16xf32> to vector<16xf32>
      %swap3A_82 = vector.shape_cast %broadcast_in_dim3A_6 : vector<16xf32> to vector<1x16xf32>
      tpu.vector_store %arg5[%swap3A_78, %swap3A_79], %swap3A_82 {strides = array<i32>} : memref<128x128xf32, #tpu.memory_space<vmem>>, vector<1x16xf32>,
      %swap3A_83 = arith.index_cast %scan3A_37 : i32 to index
      %swap3A_84 = arith.constant 64 : index
      %swap3A_85 = tpu.vector_load %arg6[%swap3A_83, %swap3A_84] {strides = array<i32>} : memref<128x128xf32, #tpu.memory_space<vmem>>, vector<1x16xf32>,
      %swap3A_86 = vector.shape_cast %swap3A_85 : vector<1x16xf32> to vector<16xf32>
      %swap3A_87 = vector.shape_cast %broadcast_in_dim3A_6 : vector<16xf32> to vector<1x16xf32>
      tpu.vector_store %arg6[%swap3A_83, %swap3A_84], %swap3A_87 {strides = array<i32>} : memref<128x128xf32, #tpu.memory_space<vmem>>, vector<1x16xf32>,
      %swap3A_88 = arith.index_cast %scan3A_37 : i32 to index
      %swap3A_89 = arith.constant 80 : index
      %swap3A_90 = tpu.vector_load %arg5[%swap3A_88, %swap3A_89] {strides = array<i32>} : memref<128x128xf32, #tpu.memory_space<vmem>>, vector<1x16xf32>,
      %swap3A_91 = vector.shape_cast %swap3A_90 : vector<1x16xf32> to vector<16xf32>
      %swap3A_92 = vector.shape_cast %broadcast_in_dim3A_6 : vector<16xf32> to vector<1x16xf32>
      tpu.vector_store %arg5[%swap3A_88, %swap3A_89], %swap3A_92 {strides = array<i32>} : memref<128x128xf32, #tpu.memory_space<vmem>>, vector<1x16xf32>,
      %swap3A_93 = arith.index_cast %scan3A_37 : i32 to index
      %swap3A_94 = arith.constant 80 : index
      %swap3A_95 = tpu.vector_load %arg6[%swap3A_93, %swap3A_94] {strides = array<i32>} : memref<128x128xf32, #tpu.memory_space<vmem>>, vector<1x16xf32>,
      %swap3A_96 = vector.shape_cast %swap3A_95 : vector<1x16xf32> to vector<16xf32>
      %swap3A_97 = vector.shape_cast %broadcast_in_dim3A_6 : vector<16xf32> to vector<1x16xf32>
      tpu.vector_store %arg6[%swap3A_93, %swap3A_94], %swap3A_97 {strides = array<i32>} : memref<128x128xf32, #tpu.memory_space<vmem>>, vector<1x16xf32>,
      %swap3A_98 = arith.index_cast %scan3A_37 : i32 to index
      %swap3A_99 = arith.constant 96 : index
      %swap3A_100 = tpu.vector_load %arg5[%swap3A_98, %swap3A_99] {strides = array<i32>} : memref<128x128xf32, #tpu.memory_space<vmem>>, vector<1x16xf32>,
      %swap3A_101 = vector.shape_cast %swap3A_100 : vector<1x16xf32> to vector<16xf32>
      %swap3A_102 = vector.shape_cast %broadcast_in_dim3A_6 : vector<16xf32> to vector<1x16xf32>
      tpu.vector_store %arg5[%swap3A_98, %swap3A_99], %swap3A_102 {strides = array<i32>} : memref<128x128xf32, #tpu.memory_space<vmem>>, vector<1x16xf32>,
      %swap3A_103 = arith.index_cast %scan3A_37 : i32 to index
      %swap3A_104 = arith.constant 96 : index
      %swap3A_105 = tpu.vector_load %arg6[%swap3A_103, %swap3A_104] {strides = array<i32>} : memref<128x128xf32, #tpu.memory_space<vmem>>, vector<1x16xf32>,
      %swap3A_106 = vector.shape_cast %swap3A_105 : vector<1x16xf32> to vector<16xf32>
      %swap3A_107 = vector.shape_cast %broadcast_in_dim3A_6 : vector<16xf32> to vector<1x16xf32>
      tpu.vector_store %arg6[%swap3A_103, %swap3A_104], %swap3A_107 {strides = array<i32>} : memref<128x128xf32, #tpu.memory_space<vmem>>, vector<1x16xf32>,
      %swap3A_108 = arith.index_cast %scan3A_37 : i32 to index
      %swap3A_109 = arith.constant 112 : index
      %swap3A_110 = tpu.vector_load %arg5[%swap3A_108, %swap3A_109] {strides = array<i32>} : memref<128x128xf32, #tpu.memory_space<vmem>>, vector<1x16xf32>,
      %swap3A_111 = vector.shape_cast %swap3A_110 : vector<1x16xf32> to vector<16xf32>
      %swap3A_112 = vector.shape_cast %broadcast_in_dim3A_6 : vector<16xf32> to vector<1x16xf32>
      tpu.vector_store %arg5[%swap3A_108, %swap3A_109], %swap3A_112 {strides = array<i32>} : memref<128x128xf32, #tpu.memory_space<vmem>>, vector<1x16xf32>,
      %swap3A_113 = arith.index_cast %scan3A_37 : i32 to index
      %swap3A_114 = arith.constant 112 : index
      %swap3A_115 = tpu.vector_load %arg6[%swap3A_113, %swap3A_114] {strides = array<i32>} : memref<128x128xf32, #tpu.memory_space<vmem>>, vector<1x16xf32>,
      %swap3A_116 = vector.shape_cast %swap3A_115 : vector<1x16xf32> to vector<16xf32>
      %swap3A_117 = vector.shape_cast %broadcast_in_dim3A_6 : vector<16xf32> to vector<1x16xf32>
      tpu.vector_store %arg6[%swap3A_113, %swap3A_114], %swap3A_117 {strides = array<i32>} : memref<128x128xf32, #tpu.memory_space<vmem>>, vector<1x16xf32>,
      %scan3A_118 = arith.constant 0 : i32
      scf.yield %scan3A_118 : i32
    }
    %scan3A_12 = arith.constant 128 : i32
    %add3A = arith.constant 0 : i32
    %add3A_13 = arith.addi %multiple_of3A, %add3A : i32
    "tpu.region"() ({
      %run_scoped3A = tpu.sem_alloc : memref<!tpu.dma_semaphore, #tpu.memory_space<semaphore_mem>>
      %dma_start3A = arith.constant 0 : i32
      %dma_start3A_37 = tpu.memref_slice %arg7[%add3A_13, %dma_start3A] : memref<10240x128xf32, #tpu.memory_space<vmem_shared>> -> memref<128x128xf32, #tpu.memory_space<vmem_shared>>
      %dma_start3A_38 = arith.constant 0 : i32
      %dma_start3A_39 = tpu.memref_slice %arg7[%add3A_13, %dma_start3A_38] : memref<10240x128xf32, #tpu.memory_space<vmem_shared>> -> memref<128x128xf32, #tpu.memory_space<vmem_shared>>
      tpu.enqueue_dma source(%arg6 : memref<128x128xf32, #tpu.memory_space<vmem>>) target(%dma_start3A_39 : memref<128x128xf32, #tpu.memory_space<vmem_shared>>) target_semaphore(%run_scoped3A : memref<!tpu.dma_semaphore, #tpu.memory_space<semaphore_mem>>)
      %dma_wait3A = arith.constant 0 : i32
      %dma_wait3A_40 = tpu.memref_slice %arg7[%add3A_13, %dma_wait3A] : memref<10240x128xf32, #tpu.memory_space<vmem_shared>> -> memref<128x128xf32, #tpu.memory_space<vmem_shared>>
      %dma_wait3A_41 = arith.constant 0 : i32
      %dma_wait3A_42 = tpu.memref_slice %arg7[%add3A_13, %dma_wait3A_41] : memref<10240x128xf32, #tpu.memory_space<vmem_shared>> -> memref<128x128xf32, #tpu.memory_space<vmem_shared>>
      tpu.wait_dma2 semaphore(%run_scoped3A : memref<!tpu.dma_semaphore, #tpu.memory_space<semaphore_mem>>) src(%arg6 : memref<128x128xf32, #tpu.memory_space<vmem>>) dst(%dma_wait3A_42 : memref<128x128xf32, #tpu.memory_space<vmem_shared>>)
      tpu.yield
    }) : () -> ()
    %add3A_14 = arith.constant 128 : i32
    %add3A_15 = arith.addi %multiple_of3A, %add3A_14 : i32
    "tpu.region"() ({
      %run_scoped3A = tpu.sem_alloc : memref<!tpu.dma_semaphore, #tpu.memory_space<semaphore_mem>>
      %dma_start3A = arith.constant 0 : i32
      %dma_start3A_37 = tpu.memref_slice %arg7[%add3A_15, %dma_start3A] : memref<10240x128xf32, #tpu.memory_space<vmem_shared>> -> memref<128x128xf32, #tpu.memory_space<vmem_shared>>
      %dma_start3A_38 = arith.constant 0 : i32
      %dma_start3A_39 = tpu.memref_slice %arg7[%add3A_15, %dma_start3A_38] : memref<10240x128xf32, #tpu.memory_space<vmem_shared>> -> memref<128x128xf32, #tpu.memory_space<vmem_shared>>
      tpu.enqueue_dma source(%arg6 : memref<128x128xf32, #tpu.memory_space<vmem>>) target(%dma_start3A_39 : memref<128x128xf32, #tpu.memory_space<vmem_shared>>) target_semaphore(%run_scoped3A : memref<!tpu.dma_semaphore, #tpu.memory_space<semaphore_mem>>)
      %dma_wait3A = arith.constant 0 : i32
      %dma_wait3A_40 = tpu.memref_slice %arg7[%add3A_15, %dma_wait3A] : memref<10240x128xf32, #tpu.memory_space<vmem_shared>> -> memref<128x128xf32, #tpu.memory_space<vmem_shared>>
      %dma_wait3A_41 = arith.constant 0 : i32
      %dma_wait3A_42 = tpu.memref_slice %arg7[%add3A_15, %dma_wait3A_41] : memref<10240x128xf32, #tpu.memory_space<vmem_shared>> -> memref<128x128xf32, #tpu.memory_space<vmem_shared>>
      tpu.wait_dma2 semaphore(%run_scoped3A : memref<!tpu.dma_semaphore, #tpu.memory_space<semaphore_mem>>) src(%arg6 : memref<128x128xf32, #tpu.memory_space<vmem>>) dst(%dma_wait3A_42 : memref<128x128xf32, #tpu.memory_space<vmem_shared>>)
      tpu.yield
    }) : () -> ()
    %add3A_16 = arith.constant 256 : i32
    %add3A_17 = arith.addi %multiple_of3A, %add3A_16 : i32
    "tpu.region"() ({
      %run_scoped3A = tpu.sem_alloc : memref<!tpu.dma_semaphore, #tpu.memory_space<semaphore_mem>>
      %dma_start3A = arith.constant 0 : i32
      %dma_start3A_37 = tpu.memref_slice %arg7[%add3A_17, %dma_start3A] : memref<10240x128xf32, #tpu.memory_space<vmem_shared>> -> memref<128x128xf32, #tpu.memory_space<vmem_shared>>
      %dma_start3A_38 = arith.constant 0 : i32
      %dma_start3A_39 = tpu.memref_slice %arg7[%add3A_17, %dma_start3A_38] : memref<10240x128xf32, #tpu.memory_space<vmem_shared>> -> memref<128x128xf32, #tpu.memory_space<vmem_shared>>
      tpu.enqueue_dma source(%arg6 : memref<128x128xf32, #tpu.memory_space<vmem>>) target(%dma_start3A_39 : memref<128x128xf32, #tpu.memory_space<vmem_shared>>) target_semaphore(%run_scoped3A : memref<!tpu.dma_semaphore, #tpu.memory_space<semaphore_mem>>)
      %dma_wait3A = arith.constant 0 : i32
      %dma_wait3A_40 = tpu.memref_slice %arg7[%add3A_17, %dma_wait3A] : memref<10240x128xf32, #tpu.memory_space<vmem_shared>> -> memref<128x128xf32, #tpu.memory_space<vmem_shared>>
      %dma_wait3A_41 = arith.constant 0 : i32
      %dma_wait3A_42 = tpu.memref_slice %arg7[%add3A_17, %dma_wait3A_41] : memref<10240x128xf32, #tpu.memory_space<vmem_shared>> -> memref<128x128xf32, #tpu.memory_space<vmem_shared>>
      tpu.wait_dma2 semaphore(%run_scoped3A : memref<!tpu.dma_semaphore, #tpu.memory_space<semaphore_mem>>) src(%arg6 : memref<128x128xf32, #tpu.memory_space<vmem>>) dst(%dma_wait3A_42 : memref<128x128xf32, #tpu.memory_space<vmem_shared>>)
      tpu.yield
    }) : () -> ()
    %add3A_18 = arith.constant 384 : i32
    %add3A_19 = arith.addi %multiple_of3A, %add3A_18 : i32
    "tpu.region"() ({
      %run_scoped3A = tpu.sem_alloc : memref<!tpu.dma_semaphore, #tpu.memory_space<semaphore_mem>>
      %dma_start3A = arith.constant 0 : i32
      %dma_start3A_37 = tpu.memref_slice %arg7[%add3A_19, %dma_start3A] : memref<10240x128xf32, #tpu.memory_space<vmem_shared>> -> memref<128x128xf32, #tpu.memory_space<vmem_shared>>
      %dma_start3A_38 = arith.constant 0 : i32
      %dma_start3A_39 = tpu.memref_slice %arg7[%add3A_19, %dma_start3A_38] : memref<10240x128xf32, #tpu.memory_space<vmem_shared>> -> memref<128x128xf32, #tpu.memory_space<vmem_shared>>
      tpu.enqueue_dma source(%arg6 : memref<128x128xf32, #tpu.memory_space<vmem>>) target(%dma_start3A_39 : memref<128x128xf32, #tpu.memory_space<vmem_shared>>) target_semaphore(%run_scoped3A : memref<!tpu.dma_semaphore, #tpu.memory_space<semaphore_mem>>)
      %dma_wait3A = arith.constant 0 : i32
      %dma_wait3A_40 = tpu.memref_slice %arg7[%add3A_19, %dma_wait3A] : memref<10240x128xf32, #tpu.memory_space<vmem_shared>> -> memref<128x128xf32, #tpu.memory_space<vmem_shared>>
      %dma_wait3A_41 = arith.constant 0 : i32
      %dma_wait3A_42 = tpu.memref_slice %arg7[%add3A_19, %dma_wait3A_41] : memref<10240x128xf32, #tpu.memory_space<vmem_shared>> -> memref<128x128xf32, #tpu.memory_space<vmem_shared>>
      tpu.wait_dma2 semaphore(%run_scoped3A : memref<!tpu.dma_semaphore, #tpu.memory_space<semaphore_mem>>) src(%arg6 : memref<128x128xf32, #tpu.memory_space<vmem>>) dst(%dma_wait3A_42 : memref<128x128xf32, #tpu.memory_space<vmem_shared>>)
      tpu.yield
    }) : () -> ()
    %add3A_20 = arith.constant 512 : i32
    %add3A_21 = arith.addi %multiple_of3A, %add3A_20 : i32
    "tpu.region"() ({
      %run_scoped3A = tpu.sem_alloc : memref<!tpu.dma_semaphore, #tpu.memory_space<semaphore_mem>>
      %dma_start3A = arith.constant 0 : i32
      %dma_start3A_37 = tpu.memref_slice %arg7[%add3A_21, %dma_start3A] : memref<10240x128xf32, #tpu.memory_space<vmem_shared>> -> memref<128x128xf32, #tpu.memory_space<vmem_shared>>
      %dma_start3A_38 = arith.constant 0 : i32
      %dma_start3A_39 = tpu.memref_slice %arg7[%add3A_21, %dma_start3A_38] : memref<10240x128xf32, #tpu.memory_space<vmem_shared>> -> memref<128x128xf32, #tpu.memory_space<vmem_shared>>
      tpu.enqueue_dma source(%arg6 : memref<128x128xf32, #tpu.memory_space<vmem>>) target(%dma_start3A_39 : memref<128x128xf32, #tpu.memory_space<vmem_shared>>) target_semaphore(%run_scoped3A : memref<!tpu.dma_semaphore, #tpu.memory_space<semaphore_mem>>)
      %dma_wait3A = arith.constant 0 : i32
      %dma_wait3A_40 = tpu.memref_slice %arg7[%add3A_21, %dma_wait3A] : memref<10240x128xf32, #tpu.memory_space<vmem_shared>> -> memref<128x128xf32, #tpu.memory_space<vmem_shared>>
      %dma_wait3A_41 = arith.constant 0 : i32
      %dma_wait3A_42 = tpu.memref_slice %arg7[%add3A_21, %dma_wait3A_41] : memref<10240x128xf32, #tpu.memory_space<vmem_shared>> -> memref<128x128xf32, #tpu.memory_space<vmem_shared>>
      tpu.wait_dma2 semaphore(%run_scoped3A : memref<!tpu.dma_semaphore, #tpu.memory_space<semaphore_mem>>) src(%arg6 : memref<128x128xf32, #tpu.memory_space<vmem>>) dst(%dma_wait3A_42 : memref<128x128xf32, #tpu.memory_space<vmem_shared>>)
      tpu.yield
    }) : () -> ()
    %barrier3A = arith.constant 0 : index
    tpu.barrier barrier_id(%barrier3A)
    %scan3A_22 = arith.constant 0 : i32
    %scan3A_23 = arith.constant 0 : i32
    %scan3A_24 = arith.constant 80 : i32
    %scan3A_25 = arith.addi %scan3A_23, %scan3A_24 : i32
    %scan3A_26 = arith.constant 1 : i32
    %scan3A_27 = scf.for %scan3A_37 = %scan3A_23 to %scan3A_25 step %scan3A_26 iter_args(%scan3A_38 = %scan3A_22) -> (i32)  : i32 {
      "tpu.region"() ({
        %run_scoped3A = tpu.sem_alloc : memref<!tpu.dma_semaphore, #tpu.memory_space<semaphore_mem>>
        %dma_start3A = arith.constant 0 : i32
        %dma_start3A_40 = tpu.memref_slice %arg4[%scan3A_37, %dma_start3A] : memref<80x128xi32, #tpu.memory_space<vmem>> -> memref<1x128xi32, #tpu.memory_space<vmem>>
        %dma_start3A_41 = tpu.memref_squeeze %dma_start3A_40 : memref<1x128xi32, #tpu.memory_space<vmem>> -> memref<128xi32, #tpu.memory_space<vmem>>
        %dma_start3A_42 = arith.constant 0 : i32
        %dma_start3A_43 = arith.constant 0 : i32
        %dma_start3A_44 = tpu.memref_slice %arg7[%dma_start3A_42, %dma_start3A_43] : memref<10240x128xf32, #tpu.memory_space<vmem_shared>> -> memref<10240x128xf32, #tpu.memory_space<vmem_shared>>
        tpu.enqueue_indirect_dma source(%arg5 : memref<128x128xf32, #tpu.memory_space<vmem>>) target(%dma_start3A_44 : memref<10240x128xf32, #tpu.memory_space<vmem_shared>>) offsets(%dma_start3A_41 : memref<128xi32, #tpu.memory_space<vmem>>) semaphore(%run_scoped3A : memref<!tpu.dma_semaphore, #tpu.memory_space<semaphore_mem>>) {add = true}
        %dma_wait3A = arith.constant 0 : i32
        %dma_wait3A_45 = tpu.memref_slice %arg4[%scan3A_37, %dma_wait3A] : memref<80x128xi32, #tpu.memory_space<vmem>> -> memref<1x128xi32, #tpu.memory_space<vmem>>
        %dma_wait3A_46 = tpu.memref_squeeze %dma_wait3A_45 : memref<1x128xi32, #tpu.memory_space<vmem>> -> memref<128xi32, #tpu.memory_space<vmem>>
        %dma_wait3A_47 = arith.constant 0 : i32
        %dma_wait3A_48 = arith.constant 0 : i32
        %dma_wait3A_49 = tpu.memref_slice %arg7[%dma_wait3A_47, %dma_wait3A_48] : memref<10240x128xf32, #tpu.memory_space<vmem_shared>> -> memref<10240x128xf32, #tpu.memory_space<vmem_shared>>
        tpu.wait_indirect_dma semaphore(%run_scoped3A : memref<!tpu.dma_semaphore, #tpu.memory_space<semaphore_mem>>) src(%arg5 : memref<128x128xf32, #tpu.memory_space<vmem>>) dst(%dma_wait3A_49 : memref<10240x128xf32, #tpu.memory_space<vmem_shared>>)
        tpu.yield
      }) : () -> ()
      %scan3A_39 = arith.constant 0 : i32
      scf.yield %scan3A_39 : i32
    }
    %scan3A_28 = arith.constant 80 : i32
    %barrier3A_29 = arith.constant 0 : index
    tpu.barrier barrier_id(%barrier3A_29)
    %lt3A = arith.constant 15 : i32
    %lt3A_30 = arith.cmpi slt, %arg1, %lt3A : i32
    %convert_element_type3A = arith.extui %lt3A_30 : i1 to i32
    %cond3A = arith.constant 0 : i32
    %cond3A_31 = arith.cmpi ne, %convert_element_type3A, %cond3A : i32
    scf.if %cond3A_31 {
      "tpu.region"() ({
        %run_scoped3A = tpu.sem_alloc : memref<!tpu.dma_semaphore, #tpu.memory_space<semaphore_mem>>
        %dma_start3A = arith.constant 0 : i32
        %dma_start3A_37 = tpu.memref_slice %arg3[%arg0, %multiple_of3A, %dma_start3A] : memref<2x10000x128xf32, #tpu.memory_space<hbm>> -> memref<1x640x128xf32, #tpu.memory_space<hbm>>
        %dma_start3A_38 = tpu.memref_squeeze %dma_start3A_37 : memref<1x640x128xf32, #tpu.memory_space<hbm>> -> memref<640x128xf32, #tpu.memory_space<hbm>>
        %dma_start3A_39 = arith.constant 0 : i32
        %dma_start3A_40 = tpu.memref_slice %arg7[%multiple_of3A, %dma_start3A_39] : memref<10240x128xf32, #tpu.memory_space<vmem_shared>> -> memref<640x128xf32, #tpu.memory_space<vmem_shared>>
        tpu.enqueue_dma source(%dma_start3A_40 : memref<640x128xf32, #tpu.memory_space<vmem_shared>>) target(%dma_start3A_38 : memref<640x128xf32, #tpu.memory_space<hbm>>) target_semaphore(%run_scoped3A : memref<!tpu.dma_semaphore, #tpu.memory_space<semaphore_mem>>)
        %dma_wait3A = arith.constant 0 : i32
        %dma_wait3A_41 = tpu.memref_slice %arg3[%arg0, %multiple_of3A, %dma_wait3A] : memref<2x10000x128xf32, #tpu.memory_space<hbm>> -> memref<1x640x128xf32, #tpu.memory_space<hbm>>
        %dma_wait3A_42 = tpu.memref_squeeze %dma_wait3A_41 : memref<1x640x128xf32, #tpu.memory_space<hbm>> -> memref<640x128xf32, #tpu.memory_space<hbm>>
        %dma_wait3A_43 = arith.constant 0 : i32
        %dma_wait3A_44 = tpu.memref_slice %arg7[%multiple_of3A, %dma_wait3A_43] : memref<10240x128xf32, #tpu.memory_space<vmem_shared>> -> memref<640x128xf32, #tpu.memory_space<vmem_shared>>
        tpu.wait_dma2 semaphore(%run_scoped3A : memref<!tpu.dma_semaphore, #tpu.memory_space<semaphore_mem>>) src(%dma_wait3A_44 : memref<640x128xf32, #tpu.memory_space<vmem_shared>>) dst(%dma_wait3A_42 : memref<640x128xf32, #tpu.memory_space<hbm>>)
        tpu.yield
      }) : () -> ()
    } else {
    }
    %eq3A_32 = arith.constant 15 : i32
    %eq3A_33 = arith.cmpi eq, %arg1, %eq3A_32 : i32
    %convert_element_type3A_34 = arith.extui %eq3A_33 : i1 to i32
    %cond3A_35 = arith.constant 0 : i32
    %cond3A_36 = arith.cmpi ne, %convert_element_type3A_34, %cond3A_35 : i32
    scf.if %cond3A_36 {
      "tpu.region"() ({
        %run_scoped3A = tpu.sem_alloc : memref<!tpu.dma_semaphore, #tpu.memory_space<semaphore_mem>>
        %dma_start3A = arith.constant 9600 : i32
        %dma_start3A_37 = arith.constant 0 : i32
        %dma_start3A_38 = tpu.memref_slice %arg3[%arg0, %dma_start3A, %dma_start3A_37] : memref<2x10000x128xf32, #tpu.memory_space<hbm>> -> memref<1x400x128xf32, #tpu.memory_space<hbm>>
        %dma_start3A_39 = tpu.memref_squeeze %dma_start3A_38 : memref<1x400x128xf32, #tpu.memory_space<hbm>> -> memref<400x128xf32, #tpu.memory_space<hbm>>
        %dma_start3A_40 = arith.constant 9600 : i32
        %dma_start3A_41 = arith.constant 0 : i32
        %dma_start3A_42 = tpu.memref_slice %arg7[%dma_start3A_40, %dma_start3A_41] : memref<10240x128xf32, #tpu.memory_space<vmem_shared>> -> memref<400x128xf32, #tpu.memory_space<vmem_shared>>
        tpu.enqueue_dma source(%dma_start3A_42 : memref<400x128xf32, #tpu.memory_space<vmem_shared>>) target(%dma_start3A_39 : memref<400x128xf32, #tpu.memory_space<hbm>>) target_semaphore(%run_scoped3A : memref<!tpu.dma_semaphore, #tpu.memory_space<semaphore_mem>>)
        %dma_wait3A = arith.constant 9600 : i32
        %dma_wait3A_43 = arith.constant 0 : i32
        %dma_wait3A_44 = tpu.memref_slice %arg3[%arg0, %dma_wait3A, %dma_wait3A_43] : memref<2x10000x128xf32, #tpu.memory_space<hbm>> -> memref<1x400x128xf32, #tpu.memory_space<hbm>>
        %dma_wait3A_45 = tpu.memref_squeeze %dma_wait3A_44 : memref<1x400x128xf32, #tpu.memory_space<hbm>> -> memref<400x128xf32, #tpu.memory_space<hbm>>
        %dma_wait3A_46 = arith.constant 9600 : i32
        %dma_wait3A_47 = arith.constant 0 : i32
        %dma_wait3A_48 = tpu.memref_slice %arg7[%dma_wait3A_46, %dma_wait3A_47] : memref<10240x128xf32, #tpu.memory_space<vmem_shared>> -> memref<400x128xf32, #tpu.memory_space<vmem_shared>>
        tpu.wait_dma2 semaphore(%run_scoped3A : memref<!tpu.dma_semaphore, #tpu.memory_space<semaphore_mem>>) src(%dma_wait3A_48 : memref<400x128xf32, #tpu.memory_space<vmem_shared>>) dst(%dma_wait3A_45 : memref<400x128xf32, #tpu.memory_space<hbm>>)
        tpu.yield
      }) : () -> ()
    } else {
    }
    return
  }
}

#map = affine_map<(d0, d1) -> (0, 0)>
#map1 = affine_map<(d0, d1) -> (0, 0, 0, 0)>
#map2 = affine_map<(d0, d1) -> (0, 0, 0)>
module attributes {stable_mosaic.version = 14 : i64} {
  func.func @k(%arg0: i32, %arg1: i32, %arg2: memref<10000x128xf32, #tpu.memory_space<hbm>>, %arg3: memref<2x16x80x128xi32, #tpu.memory_space<hbm>>, %arg4: memref<2x16x80x128xi32, #tpu.memory_space<hbm>>, %arg5: memref<2x10000x128xf32, #tpu.memory_space<hbm>>, %arg6: memref<80x128xi32, #tpu.memory_space<vmem>>, %arg7: memref<80x128xi32, #tpu.memory_space<vmem>>, %arg8: memref<128x128xf32, #tpu.memory_space<vmem>>, %arg9: memref<10240x128xf32, #tpu.memory_space<vmem_shared>>, %arg10: memref<!tpu.dma_semaphore, #tpu.memory_space<semaphore_mem>>) attributes {dimension_semantics = [#tpu.dimension_semantics<core_parallel>, #tpu.dimension_semantics<subcore_parallel>], iteration_bounds = array<i64: 2, 16>, scalar_prefetch = 0 : i64, scratch_operands = 5 : i64, tpu.core_type = #tpu.core_type<sc_vector_subcore>, window_params = [{transform_indices = #map}, {transform_indices = #map1}, {transform_indices = #map1}, {transform_indices = #map2}]} {
    %mul3A = arith.constant 640 : i32
    %mul3A_0 = arith.muli %arg1, %mul3A : i32
    %multiple_of3A = tpu.assume_multiple %mul3A_0, 8 : i32
    "tpu.region"() ({
      %run_scoped3A = tpu.sem_alloc : memref<!tpu.dma_semaphore, #tpu.memory_space<semaphore_mem>>
      %dma_start3A = arith.constant 0 : i32
      %dma_start3A_34 = arith.constant 0 : i32
      %dma_start3A_35 = tpu.memref_slice %arg3[%arg0, %arg1, %dma_start3A, %dma_start3A_34] : memref<2x16x80x128xi32, #tpu.memory_space<hbm>> -> memref<1x1x80x128xi32, #tpu.memory_space<hbm>>
      %dma_start3A_36 = tpu.memref_squeeze %dma_start3A_35 : memref<1x1x80x128xi32, #tpu.memory_space<hbm>> -> memref<80x128xi32, #tpu.memory_space<hbm>>
      %dma_start3A_37 = arith.constant 0 : i32
      %dma_start3A_38 = arith.constant 0 : i32
      %dma_start3A_39 = tpu.memref_slice %arg3[%arg0, %arg1, %dma_start3A_37, %dma_start3A_38] : memref<2x16x80x128xi32, #tpu.memory_space<hbm>> -> memref<1x1x80x128xi32, #tpu.memory_space<hbm>>
      %dma_start3A_40 = tpu.memref_squeeze %dma_start3A_39 : memref<1x1x80x128xi32, #tpu.memory_space<hbm>> -> memref<80x128xi32, #tpu.memory_space<hbm>>
      tpu.enqueue_dma source(%dma_start3A_40 : memref<80x128xi32, #tpu.memory_space<hbm>>) target(%arg6 : memref<80x128xi32, #tpu.memory_space<vmem>>) target_semaphore(%run_scoped3A : memref<!tpu.dma_semaphore, #tpu.memory_space<semaphore_mem>>)
      %dma_wait3A = arith.constant 0 : i32
      %dma_wait3A_41 = arith.constant 0 : i32
      %dma_wait3A_42 = tpu.memref_slice %arg3[%arg0, %arg1, %dma_wait3A, %dma_wait3A_41] : memref<2x16x80x128xi32, #tpu.memory_space<hbm>> -> memref<1x1x80x128xi32, #tpu.memory_space<hbm>>
      %dma_wait3A_43 = tpu.memref_squeeze %dma_wait3A_42 : memref<1x1x80x128xi32, #tpu.memory_space<hbm>> -> memref<80x128xi32, #tpu.memory_space<hbm>>
      %dma_wait3A_44 = arith.constant 0 : i32
      %dma_wait3A_45 = arith.constant 0 : i32
      %dma_wait3A_46 = tpu.memref_slice %arg3[%arg0, %arg1, %dma_wait3A_44, %dma_wait3A_45] : memref<2x16x80x128xi32, #tpu.memory_space<hbm>> -> memref<1x1x80x128xi32, #tpu.memory_space<hbm>>
      %dma_wait3A_47 = tpu.memref_squeeze %dma_wait3A_46 : memref<1x1x80x128xi32, #tpu.memory_space<hbm>> -> memref<80x128xi32, #tpu.memory_space<hbm>>
      tpu.wait_dma2 semaphore(%run_scoped3A : memref<!tpu.dma_semaphore, #tpu.memory_space<semaphore_mem>>) src(%dma_wait3A_47 : memref<80x128xi32, #tpu.memory_space<hbm>>) dst(%arg6 : memref<80x128xi32, #tpu.memory_space<vmem>>)
      tpu.yield
    }) : () -> ()
    "tpu.region"() ({
      %run_scoped3A = tpu.sem_alloc : memref<!tpu.dma_semaphore, #tpu.memory_space<semaphore_mem>>
      %dma_start3A = arith.constant 0 : i32
      %dma_start3A_34 = arith.constant 0 : i32
      %dma_start3A_35 = tpu.memref_slice %arg4[%arg0, %arg1, %dma_start3A, %dma_start3A_34] : memref<2x16x80x128xi32, #tpu.memory_space<hbm>> -> memref<1x1x80x128xi32, #tpu.memory_space<hbm>>
      %dma_start3A_36 = tpu.memref_squeeze %dma_start3A_35 : memref<1x1x80x128xi32, #tpu.memory_space<hbm>> -> memref<80x128xi32, #tpu.memory_space<hbm>>
      %dma_start3A_37 = arith.constant 0 : i32
      %dma_start3A_38 = arith.constant 0 : i32
      %dma_start3A_39 = tpu.memref_slice %arg4[%arg0, %arg1, %dma_start3A_37, %dma_start3A_38] : memref<2x16x80x128xi32, #tpu.memory_space<hbm>> -> memref<1x1x80x128xi32, #tpu.memory_space<hbm>>
      %dma_start3A_40 = tpu.memref_squeeze %dma_start3A_39 : memref<1x1x80x128xi32, #tpu.memory_space<hbm>> -> memref<80x128xi32, #tpu.memory_space<hbm>>
      tpu.enqueue_dma source(%dma_start3A_40 : memref<80x128xi32, #tpu.memory_space<hbm>>) target(%arg7 : memref<80x128xi32, #tpu.memory_space<vmem>>) target_semaphore(%run_scoped3A : memref<!tpu.dma_semaphore, #tpu.memory_space<semaphore_mem>>)
      %dma_wait3A = arith.constant 0 : i32
      %dma_wait3A_41 = arith.constant 0 : i32
      %dma_wait3A_42 = tpu.memref_slice %arg4[%arg0, %arg1, %dma_wait3A, %dma_wait3A_41] : memref<2x16x80x128xi32, #tpu.memory_space<hbm>> -> memref<1x1x80x128xi32, #tpu.memory_space<hbm>>
      %dma_wait3A_43 = tpu.memref_squeeze %dma_wait3A_42 : memref<1x1x80x128xi32, #tpu.memory_space<hbm>> -> memref<80x128xi32, #tpu.memory_space<hbm>>
      %dma_wait3A_44 = arith.constant 0 : i32
      %dma_wait3A_45 = arith.constant 0 : i32
      %dma_wait3A_46 = tpu.memref_slice %arg4[%arg0, %arg1, %dma_wait3A_44, %dma_wait3A_45] : memref<2x16x80x128xi32, #tpu.memory_space<hbm>> -> memref<1x1x80x128xi32, #tpu.memory_space<hbm>>
      %dma_wait3A_47 = tpu.memref_squeeze %dma_wait3A_46 : memref<1x1x80x128xi32, #tpu.memory_space<hbm>> -> memref<80x128xi32, #tpu.memory_space<hbm>>
      tpu.wait_dma2 semaphore(%run_scoped3A : memref<!tpu.dma_semaphore, #tpu.memory_space<semaphore_mem>>) src(%dma_wait3A_47 : memref<80x128xi32, #tpu.memory_space<hbm>>) dst(%arg7 : memref<80x128xi32, #tpu.memory_space<vmem>>)
      tpu.yield
    }) : () -> ()
    %eq3A = arith.constant 0 : i32
    %eq3A_1 = arith.cmpi eq, %arg0, %eq3A : i32
    %lt3A = arith.constant 15 : i32
    %lt3A_2 = arith.cmpi slt, %arg1, %lt3A : i32
    %and3A = arith.andi %eq3A_1, %lt3A_2 : i1
    %convert_element_type3A = arith.extui %and3A : i1 to i32
    %cond3A = arith.constant 0 : i32
    %cond3A_3 = arith.cmpi ne, %convert_element_type3A, %cond3A : i32
    scf.if %cond3A_3 {
      "tpu.region"() ({
        %run_scoped3A = tpu.sem_alloc : memref<!tpu.dma_semaphore, #tpu.memory_space<semaphore_mem>>
        %dma_start3A = arith.constant 0 : i32
        %dma_start3A_34 = tpu.memref_slice %arg9[%multiple_of3A, %dma_start3A] : memref<10240x128xf32, #tpu.memory_space<vmem_shared>> -> memref<640x128xf32, #tpu.memory_space<vmem_shared>>
        %dma_start3A_35 = arith.constant 0 : i32
        %dma_start3A_36 = tpu.memref_slice %arg2[%multiple_of3A, %dma_start3A_35] : memref<10000x128xf32, #tpu.memory_space<hbm>> -> memref<640x128xf32, #tpu.memory_space<hbm>>
        tpu.enqueue_dma source(%dma_start3A_36 : memref<640x128xf32, #tpu.memory_space<hbm>>) target(%dma_start3A_34 : memref<640x128xf32, #tpu.memory_space<vmem_shared>>) target_semaphore(%run_scoped3A : memref<!tpu.dma_semaphore, #tpu.memory_space<semaphore_mem>>)
        %dma_wait3A = arith.constant 0 : i32
        %dma_wait3A_37 = tpu.memref_slice %arg9[%multiple_of3A, %dma_wait3A] : memref<10240x128xf32, #tpu.memory_space<vmem_shared>> -> memref<640x128xf32, #tpu.memory_space<vmem_shared>>
        %dma_wait3A_38 = arith.constant 0 : i32
        %dma_wait3A_39 = tpu.memref_slice %arg2[%multiple_of3A, %dma_wait3A_38] : memref<10000x128xf32, #tpu.memory_space<hbm>> -> memref<640x128xf32, #tpu.memory_space<hbm>>
        tpu.wait_dma2 semaphore(%run_scoped3A : memref<!tpu.dma_semaphore, #tpu.memory_space<semaphore_mem>>) src(%dma_wait3A_39 : memref<640x128xf32, #tpu.memory_space<hbm>>) dst(%dma_wait3A_37 : memref<640x128xf32, #tpu.memory_space<vmem_shared>>)
        tpu.yield
      }) : () -> ()
    } else {
    }
    %eq3A_4 = arith.constant 0 : i32
    %eq3A_5 = arith.cmpi eq, %arg0, %eq3A_4 : i32
    %eq3A_6 = arith.constant 15 : i32
    %eq3A_7 = arith.cmpi eq, %arg1, %eq3A_6 : i32
    %and3A_8 = arith.andi %eq3A_5, %eq3A_7 : i1
    %convert_element_type3A_9 = arith.extui %and3A_8 : i1 to i32
    %cond3A_10 = arith.constant 0 : i32
    %cond3A_11 = arith.cmpi ne, %convert_element_type3A_9, %cond3A_10 : i32
    scf.if %cond3A_11 {
      "tpu.region"() ({
        %run_scoped3A = tpu.sem_alloc : memref<!tpu.dma_semaphore, #tpu.memory_space<semaphore_mem>>
        %dma_start3A = arith.constant 9600 : i32
        %dma_start3A_34 = arith.constant 0 : i32
        %dma_start3A_35 = tpu.memref_slice %arg9[%dma_start3A, %dma_start3A_34] : memref<10240x128xf32, #tpu.memory_space<vmem_shared>> -> memref<400x128xf32, #tpu.memory_space<vmem_shared>>
        %dma_start3A_36 = arith.constant 9600 : i32
        %dma_start3A_37 = arith.constant 0 : i32
        %dma_start3A_38 = tpu.memref_slice %arg2[%dma_start3A_36, %dma_start3A_37] : memref<10000x128xf32, #tpu.memory_space<hbm>> -> memref<400x128xf32, #tpu.memory_space<hbm>>
        tpu.enqueue_dma source(%dma_start3A_38 : memref<400x128xf32, #tpu.memory_space<hbm>>) target(%dma_start3A_35 : memref<400x128xf32, #tpu.memory_space<vmem_shared>>) target_semaphore(%run_scoped3A : memref<!tpu.dma_semaphore, #tpu.memory_space<semaphore_mem>>)
        %dma_wait3A = arith.constant 9600 : i32
        %dma_wait3A_39 = arith.constant 0 : i32
        %dma_wait3A_40 = tpu.memref_slice %arg9[%dma_wait3A, %dma_wait3A_39] : memref<10240x128xf32, #tpu.memory_space<vmem_shared>> -> memref<400x128xf32, #tpu.memory_space<vmem_shared>>
        %dma_wait3A_41 = arith.constant 9600 : i32
        %dma_wait3A_42 = arith.constant 0 : i32
        %dma_wait3A_43 = tpu.memref_slice %arg2[%dma_wait3A_41, %dma_wait3A_42] : memref<10000x128xf32, #tpu.memory_space<hbm>> -> memref<400x128xf32, #tpu.memory_space<hbm>>
        tpu.wait_dma2 semaphore(%run_scoped3A : memref<!tpu.dma_semaphore, #tpu.memory_space<semaphore_mem>>) src(%dma_wait3A_43 : memref<400x128xf32, #tpu.memory_space<hbm>>) dst(%dma_wait3A_40 : memref<400x128xf32, #tpu.memory_space<vmem_shared>>)
        tpu.yield
      }) : () -> ()
    } else {
    }
    %eq3A_12 = arith.constant 1 : i32
    %eq3A_13 = arith.cmpi eq, %arg0, %eq3A_12 : i32
    %convert_element_type3A_14 = arith.extui %eq3A_13 : i1 to i32
    %cond3A_15 = arith.constant 0 : i32
    %cond3A_16 = arith.cmpi ne, %convert_element_type3A_14, %cond3A_15 : i32
    scf.if %cond3A_16 {
      %scan3A_34 = arith.constant 0 : i32
      %scan3A_35 = arith.constant 0 : i32
      %scan3A_36 = arith.constant 128 : i32
      %scan3A_37 = arith.addi %scan3A_35, %scan3A_36 : i32
      %scan3A_38 = arith.constant 1 : i32
      %scan3A_39 = scf.for %scan3A_50 = %scan3A_35 to %scan3A_37 step %scan3A_38 iter_args(%scan3A_51 = %scan3A_34) -> (i32)  : i32 {
        %broadcast_in_dim3A = arith.constant 0.000000e+00 : f32
        %broadcast_in_dim3A_52 = vector.broadcast %broadcast_in_dim3A : f32 to vector<16xf32>
        %swap3A = arith.index_cast %scan3A_50 : i32 to index
        %swap3A_53 = arith.constant 0 : index
        %swap3A_54 = tpu.vector_load %arg8[%swap3A, %swap3A_53] {strides = array<i32>} : memref<128x128xf32, #tpu.memory_space<vmem>>, vector<1x16xf32>,
        %swap3A_55 = vector.shape_cast %swap3A_54 : vector<1x16xf32> to vector<16xf32>
        %swap3A_56 = vector.shape_cast %broadcast_in_dim3A_52 : vector<16xf32> to vector<1x16xf32>
        tpu.vector_store %arg8[%swap3A, %swap3A_53], %swap3A_56 {strides = array<i32>} : memref<128x128xf32, #tpu.memory_space<vmem>>, vector<1x16xf32>,
        %broadcast_in_dim3A_57 = arith.constant 0.000000e+00 : f32
        %broadcast_in_dim3A_58 = vector.broadcast %broadcast_in_dim3A_57 : f32 to vector<16xf32>
        %swap3A_59 = arith.index_cast %scan3A_50 : i32 to index
        %swap3A_60 = arith.constant 16 : index
        %swap3A_61 = tpu.vector_load %arg8[%swap3A_59, %swap3A_60] {strides = array<i32>} : memref<128x128xf32, #tpu.memory_space<vmem>>, vector<1x16xf32>,
        %swap3A_62 = vector.shape_cast %swap3A_61 : vector<1x16xf32> to vector<16xf32>
        %swap3A_63 = vector.shape_cast %broadcast_in_dim3A_58 : vector<16xf32> to vector<1x16xf32>
        tpu.vector_store %arg8[%swap3A_59, %swap3A_60], %swap3A_63 {strides = array<i32>} : memref<128x128xf32, #tpu.memory_space<vmem>>, vector<1x16xf32>,
        %broadcast_in_dim3A_64 = arith.constant 0.000000e+00 : f32
        %broadcast_in_dim3A_65 = vector.broadcast %broadcast_in_dim3A_64 : f32 to vector<16xf32>
        %swap3A_66 = arith.index_cast %scan3A_50 : i32 to index
        %swap3A_67 = arith.constant 32 : index
        %swap3A_68 = tpu.vector_load %arg8[%swap3A_66, %swap3A_67] {strides = array<i32>} : memref<128x128xf32, #tpu.memory_space<vmem>>, vector<1x16xf32>,
        %swap3A_69 = vector.shape_cast %swap3A_68 : vector<1x16xf32> to vector<16xf32>
        %swap3A_70 = vector.shape_cast %broadcast_in_dim3A_65 : vector<16xf32> to vector<1x16xf32>
        tpu.vector_store %arg8[%swap3A_66, %swap3A_67], %swap3A_70 {strides = array<i32>} : memref<128x128xf32, #tpu.memory_space<vmem>>, vector<1x16xf32>,
        %broadcast_in_dim3A_71 = arith.constant 0.000000e+00 : f32
        %broadcast_in_dim3A_72 = vector.broadcast %broadcast_in_dim3A_71 : f32 to vector<16xf32>
        %swap3A_73 = arith.index_cast %scan3A_50 : i32 to index
        %swap3A_74 = arith.constant 48 : index
        %swap3A_75 = tpu.vector_load %arg8[%swap3A_73, %swap3A_74] {strides = array<i32>} : memref<128x128xf32, #tpu.memory_space<vmem>>, vector<1x16xf32>,
        %swap3A_76 = vector.shape_cast %swap3A_75 : vector<1x16xf32> to vector<16xf32>
        %swap3A_77 = vector.shape_cast %broadcast_in_dim3A_72 : vector<16xf32> to vector<1x16xf32>
        tpu.vector_store %arg8[%swap3A_73, %swap3A_74], %swap3A_77 {strides = array<i32>} : memref<128x128xf32, #tpu.memory_space<vmem>>, vector<1x16xf32>,
        %broadcast_in_dim3A_78 = arith.constant 0.000000e+00 : f32
        %broadcast_in_dim3A_79 = vector.broadcast %broadcast_in_dim3A_78 : f32 to vector<16xf32>
        %swap3A_80 = arith.index_cast %scan3A_50 : i32 to index
        %swap3A_81 = arith.constant 64 : index
        %swap3A_82 = tpu.vector_load %arg8[%swap3A_80, %swap3A_81] {strides = array<i32>} : memref<128x128xf32, #tpu.memory_space<vmem>>, vector<1x16xf32>,
        %swap3A_83 = vector.shape_cast %swap3A_82 : vector<1x16xf32> to vector<16xf32>
        %swap3A_84 = vector.shape_cast %broadcast_in_dim3A_79 : vector<16xf32> to vector<1x16xf32>
        tpu.vector_store %arg8[%swap3A_80, %swap3A_81], %swap3A_84 {strides = array<i32>} : memref<128x128xf32, #tpu.memory_space<vmem>>, vector<1x16xf32>,
        %broadcast_in_dim3A_85 = arith.constant 0.000000e+00 : f32
        %broadcast_in_dim3A_86 = vector.broadcast %broadcast_in_dim3A_85 : f32 to vector<16xf32>
        %swap3A_87 = arith.index_cast %scan3A_50 : i32 to index
        %swap3A_88 = arith.constant 80 : index
        %swap3A_89 = tpu.vector_load %arg8[%swap3A_87, %swap3A_88] {strides = array<i32>} : memref<128x128xf32, #tpu.memory_space<vmem>>, vector<1x16xf32>,
        %swap3A_90 = vector.shape_cast %swap3A_89 : vector<1x16xf32> to vector<16xf32>
        %swap3A_91 = vector.shape_cast %broadcast_in_dim3A_86 : vector<16xf32> to vector<1x16xf32>
        tpu.vector_store %arg8[%swap3A_87, %swap3A_88], %swap3A_91 {strides = array<i32>} : memref<128x128xf32, #tpu.memory_space<vmem>>, vector<1x16xf32>,
        %broadcast_in_dim3A_92 = arith.constant 0.000000e+00 : f32
        %broadcast_in_dim3A_93 = vector.broadcast %broadcast_in_dim3A_92 : f32 to vector<16xf32>
        %swap3A_94 = arith.index_cast %scan3A_50 : i32 to index
        %swap3A_95 = arith.constant 96 : index
        %swap3A_96 = tpu.vector_load %arg8[%swap3A_94, %swap3A_95] {strides = array<i32>} : memref<128x128xf32, #tpu.memory_space<vmem>>, vector<1x16xf32>,
        %swap3A_97 = vector.shape_cast %swap3A_96 : vector<1x16xf32> to vector<16xf32>
        %swap3A_98 = vector.shape_cast %broadcast_in_dim3A_93 : vector<16xf32> to vector<1x16xf32>
        tpu.vector_store %arg8[%swap3A_94, %swap3A_95], %swap3A_98 {strides = array<i32>} : memref<128x128xf32, #tpu.memory_space<vmem>>, vector<1x16xf32>,
        %broadcast_in_dim3A_99 = arith.constant 0.000000e+00 : f32
        %broadcast_in_dim3A_100 = vector.broadcast %broadcast_in_dim3A_99 : f32 to vector<16xf32>
        %swap3A_101 = arith.index_cast %scan3A_50 : i32 to index
        %swap3A_102 = arith.constant 112 : index
        %swap3A_103 = tpu.vector_load %arg8[%swap3A_101, %swap3A_102] {strides = array<i32>} : memref<128x128xf32, #tpu.memory_space<vmem>>, vector<1x16xf32>,
        %swap3A_104 = vector.shape_cast %swap3A_103 : vector<1x16xf32> to vector<16xf32>
        %swap3A_105 = vector.shape_cast %broadcast_in_dim3A_100 : vector<16xf32> to vector<1x16xf32>
        tpu.vector_store %arg8[%swap3A_101, %swap3A_102], %swap3A_105 {strides = array<i32>} : memref<128x128xf32, #tpu.memory_space<vmem>>, vector<1x16xf32>,
        %scan3A_106 = arith.constant 0 : i32
        scf.yield %scan3A_106 : i32
      }
      %scan3A_40 = arith.constant 128 : i32
      %add3A = arith.constant 0 : i32
      %add3A_41 = arith.addi %multiple_of3A, %add3A : i32
      "tpu.region"() ({
        %run_scoped3A = tpu.sem_alloc : memref<!tpu.dma_semaphore, #tpu.memory_space<semaphore_mem>>
        %dma_start3A = arith.constant 0 : i32
        %dma_start3A_50 = tpu.memref_slice %arg9[%add3A_41, %dma_start3A] : memref<10240x128xf32, #tpu.memory_space<vmem_shared>> -> memref<128x128xf32, #tpu.memory_space<vmem_shared>>
        %dma_start3A_51 = arith.constant 0 : i32
        %dma_start3A_52 = tpu.memref_slice %arg9[%add3A_41, %dma_start3A_51] : memref<10240x128xf32, #tpu.memory_space<vmem_shared>> -> memref<128x128xf32, #tpu.memory_space<vmem_shared>>
        tpu.enqueue_dma source(%arg8 : memref<128x128xf32, #tpu.memory_space<vmem>>) target(%dma_start3A_52 : memref<128x128xf32, #tpu.memory_space<vmem_shared>>) target_semaphore(%run_scoped3A : memref<!tpu.dma_semaphore, #tpu.memory_space<semaphore_mem>>)
        %dma_wait3A = arith.constant 0 : i32
        %dma_wait3A_53 = tpu.memref_slice %arg9[%add3A_41, %dma_wait3A] : memref<10240x128xf32, #tpu.memory_space<vmem_shared>> -> memref<128x128xf32, #tpu.memory_space<vmem_shared>>
        %dma_wait3A_54 = arith.constant 0 : i32
        %dma_wait3A_55 = tpu.memref_slice %arg9[%add3A_41, %dma_wait3A_54] : memref<10240x128xf32, #tpu.memory_space<vmem_shared>> -> memref<128x128xf32, #tpu.memory_space<vmem_shared>>
        tpu.wait_dma2 semaphore(%run_scoped3A : memref<!tpu.dma_semaphore, #tpu.memory_space<semaphore_mem>>) src(%arg8 : memref<128x128xf32, #tpu.memory_space<vmem>>) dst(%dma_wait3A_55 : memref<128x128xf32, #tpu.memory_space<vmem_shared>>)
        tpu.yield
      }) : () -> ()
      %add3A_42 = arith.constant 128 : i32
      %add3A_43 = arith.addi %multiple_of3A, %add3A_42 : i32
      "tpu.region"() ({
        %run_scoped3A = tpu.sem_alloc : memref<!tpu.dma_semaphore, #tpu.memory_space<semaphore_mem>>
        %dma_start3A = arith.constant 0 : i32
        %dma_start3A_50 = tpu.memref_slice %arg9[%add3A_43, %dma_start3A] : memref<10240x128xf32, #tpu.memory_space<vmem_shared>> -> memref<128x128xf32, #tpu.memory_space<vmem_shared>>
        %dma_start3A_51 = arith.constant 0 : i32
        %dma_start3A_52 = tpu.memref_slice %arg9[%add3A_43, %dma_start3A_51] : memref<10240x128xf32, #tpu.memory_space<vmem_shared>> -> memref<128x128xf32, #tpu.memory_space<vmem_shared>>
        tpu.enqueue_dma source(%arg8 : memref<128x128xf32, #tpu.memory_space<vmem>>) target(%dma_start3A_52 : memref<128x128xf32, #tpu.memory_space<vmem_shared>>) target_semaphore(%run_scoped3A : memref<!tpu.dma_semaphore, #tpu.memory_space<semaphore_mem>>)
        %dma_wait3A = arith.constant 0 : i32
        %dma_wait3A_53 = tpu.memref_slice %arg9[%add3A_43, %dma_wait3A] : memref<10240x128xf32, #tpu.memory_space<vmem_shared>> -> memref<128x128xf32, #tpu.memory_space<vmem_shared>>
        %dma_wait3A_54 = arith.constant 0 : i32
        %dma_wait3A_55 = tpu.memref_slice %arg9[%add3A_43, %dma_wait3A_54] : memref<10240x128xf32, #tpu.memory_space<vmem_shared>> -> memref<128x128xf32, #tpu.memory_space<vmem_shared>>
        tpu.wait_dma2 semaphore(%run_scoped3A : memref<!tpu.dma_semaphore, #tpu.memory_space<semaphore_mem>>) src(%arg8 : memref<128x128xf32, #tpu.memory_space<vmem>>) dst(%dma_wait3A_55 : memref<128x128xf32, #tpu.memory_space<vmem_shared>>)
        tpu.yield
      }) : () -> ()
      %add3A_44 = arith.constant 256 : i32
      %add3A_45 = arith.addi %multiple_of3A, %add3A_44 : i32
      "tpu.region"() ({
        %run_scoped3A = tpu.sem_alloc : memref<!tpu.dma_semaphore, #tpu.memory_space<semaphore_mem>>
        %dma_start3A = arith.constant 0 : i32
        %dma_start3A_50 = tpu.memref_slice %arg9[%add3A_45, %dma_start3A] : memref<10240x128xf32, #tpu.memory_space<vmem_shared>> -> memref<128x128xf32, #tpu.memory_space<vmem_shared>>
        %dma_start3A_51 = arith.constant 0 : i32
        %dma_start3A_52 = tpu.memref_slice %arg9[%add3A_45, %dma_start3A_51] : memref<10240x128xf32, #tpu.memory_space<vmem_shared>> -> memref<128x128xf32, #tpu.memory_space<vmem_shared>>
        tpu.enqueue_dma source(%arg8 : memref<128x128xf32, #tpu.memory_space<vmem>>) target(%dma_start3A_52 : memref<128x128xf32, #tpu.memory_space<vmem_shared>>) target_semaphore(%run_scoped3A : memref<!tpu.dma_semaphore, #tpu.memory_space<semaphore_mem>>)
        %dma_wait3A = arith.constant 0 : i32
        %dma_wait3A_53 = tpu.memref_slice %arg9[%add3A_45, %dma_wait3A] : memref<10240x128xf32, #tpu.memory_space<vmem_shared>> -> memref<128x128xf32, #tpu.memory_space<vmem_shared>>
        %dma_wait3A_54 = arith.constant 0 : i32
        %dma_wait3A_55 = tpu.memref_slice %arg9[%add3A_45, %dma_wait3A_54] : memref<10240x128xf32, #tpu.memory_space<vmem_shared>> -> memref<128x128xf32, #tpu.memory_space<vmem_shared>>
        tpu.wait_dma2 semaphore(%run_scoped3A : memref<!tpu.dma_semaphore, #tpu.memory_space<semaphore_mem>>) src(%arg8 : memref<128x128xf32, #tpu.memory_space<vmem>>) dst(%dma_wait3A_55 : memref<128x128xf32, #tpu.memory_space<vmem_shared>>)
        tpu.yield
      }) : () -> ()
      %add3A_46 = arith.constant 384 : i32
      %add3A_47 = arith.addi %multiple_of3A, %add3A_46 : i32
      "tpu.region"() ({
        %run_scoped3A = tpu.sem_alloc : memref<!tpu.dma_semaphore, #tpu.memory_space<semaphore_mem>>
        %dma_start3A = arith.constant 0 : i32
        %dma_start3A_50 = tpu.memref_slice %arg9[%add3A_47, %dma_start3A] : memref<10240x128xf32, #tpu.memory_space<vmem_shared>> -> memref<128x128xf32, #tpu.memory_space<vmem_shared>>
        %dma_start3A_51 = arith.constant 0 : i32
        %dma_start3A_52 = tpu.memref_slice %arg9[%add3A_47, %dma_start3A_51] : memref<10240x128xf32, #tpu.memory_space<vmem_shared>> -> memref<128x128xf32, #tpu.memory_space<vmem_shared>>
        tpu.enqueue_dma source(%arg8 : memref<128x128xf32, #tpu.memory_space<vmem>>) target(%dma_start3A_52 : memref<128x128xf32, #tpu.memory_space<vmem_shared>>) target_semaphore(%run_scoped3A : memref<!tpu.dma_semaphore, #tpu.memory_space<semaphore_mem>>)
        %dma_wait3A = arith.constant 0 : i32
        %dma_wait3A_53 = tpu.memref_slice %arg9[%add3A_47, %dma_wait3A] : memref<10240x128xf32, #tpu.memory_space<vmem_shared>> -> memref<128x128xf32, #tpu.memory_space<vmem_shared>>
        %dma_wait3A_54 = arith.constant 0 : i32
        %dma_wait3A_55 = tpu.memref_slice %arg9[%add3A_47, %dma_wait3A_54] : memref<10240x128xf32, #tpu.memory_space<vmem_shared>> -> memref<128x128xf32, #tpu.memory_space<vmem_shared>>
        tpu.wait_dma2 semaphore(%run_scoped3A : memref<!tpu.dma_semaphore, #tpu.memory_space<semaphore_mem>>) src(%arg8 : memref<128x128xf32, #tpu.memory_space<vmem>>) dst(%dma_wait3A_55 : memref<128x128xf32, #tpu.memory_space<vmem_shared>>)
        tpu.yield
      }) : () -> ()
      %add3A_48 = arith.constant 512 : i32
      %add3A_49 = arith.addi %multiple_of3A, %add3A_48 : i32
      "tpu.region"() ({
        %run_scoped3A = tpu.sem_alloc : memref<!tpu.dma_semaphore, #tpu.memory_space<semaphore_mem>>
        %dma_start3A = arith.constant 0 : i32
        %dma_start3A_50 = tpu.memref_slice %arg9[%add3A_49, %dma_start3A] : memref<10240x128xf32, #tpu.memory_space<vmem_shared>> -> memref<128x128xf32, #tpu.memory_space<vmem_shared>>
        %dma_start3A_51 = arith.constant 0 : i32
        %dma_start3A_52 = tpu.memref_slice %arg9[%add3A_49, %dma_start3A_51] : memref<10240x128xf32, #tpu.memory_space<vmem_shared>> -> memref<128x128xf32, #tpu.memory_space<vmem_shared>>
        tpu.enqueue_dma source(%arg8 : memref<128x128xf32, #tpu.memory_space<vmem>>) target(%dma_start3A_52 : memref<128x128xf32, #tpu.memory_space<vmem_shared>>) target_semaphore(%run_scoped3A : memref<!tpu.dma_semaphore, #tpu.memory_space<semaphore_mem>>)
        %dma_wait3A = arith.constant 0 : i32
        %dma_wait3A_53 = tpu.memref_slice %arg9[%add3A_49, %dma_wait3A] : memref<10240x128xf32, #tpu.memory_space<vmem_shared>> -> memref<128x128xf32, #tpu.memory_space<vmem_shared>>
        %dma_wait3A_54 = arith.constant 0 : i32
        %dma_wait3A_55 = tpu.memref_slice %arg9[%add3A_49, %dma_wait3A_54] : memref<10240x128xf32, #tpu.memory_space<vmem_shared>> -> memref<128x128xf32, #tpu.memory_space<vmem_shared>>
        tpu.wait_dma2 semaphore(%run_scoped3A : memref<!tpu.dma_semaphore, #tpu.memory_space<semaphore_mem>>) src(%arg8 : memref<128x128xf32, #tpu.memory_space<vmem>>) dst(%dma_wait3A_55 : memref<128x128xf32, #tpu.memory_space<vmem_shared>>)
        tpu.yield
      }) : () -> ()
    } else {
    }
    %barrier3A = arith.constant 0 : index
    tpu.barrier barrier_id(%barrier3A)
    %scan3A = arith.constant 0 : i32
    %scan3A_17 = arith.constant 0 : i32
    %scan3A_18 = arith.constant 80 : i32
    %scan3A_19 = arith.addi %scan3A_17, %scan3A_18 : i32
    %scan3A_20 = arith.constant 1 : i32
    %scan3A_21 = scf.for %scan3A_34 = %scan3A_17 to %scan3A_19 step %scan3A_20 iter_args(%scan3A_35 = %scan3A) -> (i32)  : i32 {
      %dma_start3A = arith.constant 0 : i32
      %dma_start3A_36 = tpu.memref_slice %arg6[%scan3A_34, %dma_start3A] : memref<80x128xi32, #tpu.memory_space<vmem>> -> memref<1x128xi32, #tpu.memory_space<vmem>>
      %dma_start3A_37 = tpu.memref_squeeze %dma_start3A_36 : memref<1x128xi32, #tpu.memory_space<vmem>> -> memref<128xi32, #tpu.memory_space<vmem>>
      %dma_start3A_38 = arith.constant 0 : i32
      %dma_start3A_39 = arith.constant 0 : i32
      %dma_start3A_40 = tpu.memref_slice %arg2[%dma_start3A_38, %dma_start3A_39] : memref<10000x128xf32, #tpu.memory_space<hbm>> -> memref<10000x128xf32, #tpu.memory_space<hbm>>
      tpu.enqueue_indirect_dma source(%dma_start3A_40 : memref<10000x128xf32, #tpu.memory_space<hbm>>) target(%arg8 : memref<128x128xf32, #tpu.memory_space<vmem>>) offsets(%dma_start3A_37 : memref<128xi32, #tpu.memory_space<vmem>>) semaphore(%arg10 : memref<!tpu.dma_semaphore, #tpu.memory_space<semaphore_mem>>)
      %dma_wait3A = arith.constant 0 : i32
      %dma_wait3A_41 = tpu.memref_slice %arg6[%scan3A_34, %dma_wait3A] : memref<80x128xi32, #tpu.memory_space<vmem>> -> memref<1x128xi32, #tpu.memory_space<vmem>>
      %dma_wait3A_42 = tpu.memref_squeeze %dma_wait3A_41 : memref<1x128xi32, #tpu.memory_space<vmem>> -> memref<128xi32, #tpu.memory_space<vmem>>
      %dma_wait3A_43 = arith.constant 0 : i32
      %dma_wait3A_44 = arith.constant 0 : i32
      %dma_wait3A_45 = tpu.memref_slice %arg2[%dma_wait3A_43, %dma_wait3A_44] : memref<10000x128xf32, #tpu.memory_space<hbm>> -> memref<10000x128xf32, #tpu.memory_space<hbm>>
      tpu.wait_indirect_dma semaphore(%arg10 : memref<!tpu.dma_semaphore, #tpu.memory_space<semaphore_mem>>) src(%dma_wait3A_45 : memref<10000x128xf32, #tpu.memory_space<hbm>>) dst(%arg8 : memref<128x128xf32, #tpu.memory_space<vmem>>)
      "tpu.region"() ({
        %run_scoped3A = tpu.sem_alloc : memref<!tpu.dma_semaphore, #tpu.memory_space<semaphore_mem>>
        %dma_start3A_47 = arith.constant 0 : i32
        %dma_start3A_48 = tpu.memref_slice %arg7[%scan3A_34, %dma_start3A_47] : memref<80x128xi32, #tpu.memory_space<vmem>> -> memref<1x128xi32, #tpu.memory_space<vmem>>
        %dma_start3A_49 = tpu.memref_squeeze %dma_start3A_48 : memref<1x128xi32, #tpu.memory_space<vmem>> -> memref<128xi32, #tpu.memory_space<vmem>>
        %dma_start3A_50 = arith.constant 0 : i32
        %dma_start3A_51 = arith.constant 0 : i32
        %dma_start3A_52 = tpu.memref_slice %arg9[%dma_start3A_50, %dma_start3A_51] : memref<10240x128xf32, #tpu.memory_space<vmem_shared>> -> memref<10240x128xf32, #tpu.memory_space<vmem_shared>>
        tpu.enqueue_indirect_dma source(%arg8 : memref<128x128xf32, #tpu.memory_space<vmem>>) target(%dma_start3A_52 : memref<10240x128xf32, #tpu.memory_space<vmem_shared>>) offsets(%dma_start3A_49 : memref<128xi32, #tpu.memory_space<vmem>>) semaphore(%run_scoped3A : memref<!tpu.dma_semaphore, #tpu.memory_space<semaphore_mem>>) {add = true}
        %dma_wait3A_53 = arith.constant 0 : i32
        %dma_wait3A_54 = tpu.memref_slice %arg7[%scan3A_34, %dma_wait3A_53] : memref<80x128xi32, #tpu.memory_space<vmem>> -> memref<1x128xi32, #tpu.memory_space<vmem>>
        %dma_wait3A_55 = tpu.memref_squeeze %dma_wait3A_54 : memref<1x128xi32, #tpu.memory_space<vmem>> -> memref<128xi32, #tpu.memory_space<vmem>>
        %dma_wait3A_56 = arith.constant 0 : i32
        %dma_wait3A_57 = arith.constant 0 : i32
        %dma_wait3A_58 = tpu.memref_slice %arg9[%dma_wait3A_56, %dma_wait3A_57] : memref<10240x128xf32, #tpu.memory_space<vmem_shared>> -> memref<10240x128xf32, #tpu.memory_space<vmem_shared>>
        tpu.wait_indirect_dma semaphore(%run_scoped3A : memref<!tpu.dma_semaphore, #tpu.memory_space<semaphore_mem>>) src(%arg8 : memref<128x128xf32, #tpu.memory_space<vmem>>) dst(%dma_wait3A_58 : memref<10240x128xf32, #tpu.memory_space<vmem_shared>>)
        tpu.yield
      }) : () -> ()
      %scan3A_46 = arith.constant 0 : i32
      scf.yield %scan3A_46 : i32
    }
    %scan3A_22 = arith.constant 80 : i32
    %barrier3A_23 = arith.constant 0 : index
    tpu.barrier barrier_id(%barrier3A_23)
    %lt3A_24 = arith.constant 15 : i32
    %lt3A_25 = arith.cmpi slt, %arg1, %lt3A_24 : i32
    %convert_element_type3A_26 = arith.extui %lt3A_25 : i1 to i32
    %cond3A_27 = arith.constant 0 : i32
    %cond3A_28 = arith.cmpi ne, %convert_element_type3A_26, %cond3A_27 : i32
    scf.if %cond3A_28 {
      "tpu.region"() ({
        %run_scoped3A = tpu.sem_alloc : memref<!tpu.dma_semaphore, #tpu.memory_space<semaphore_mem>>
        %dma_start3A = arith.constant 0 : i32
        %dma_start3A_34 = tpu.memref_slice %arg5[%arg0, %multiple_of3A, %dma_start3A] : memref<2x10000x128xf32, #tpu.memory_space<hbm>> -> memref<1x640x128xf32, #tpu.memory_space<hbm>>
        %dma_start3A_35 = tpu.memref_squeeze %dma_start3A_34 : memref<1x640x128xf32, #tpu.memory_space<hbm>> -> memref<640x128xf32, #tpu.memory_space<hbm>>
        %dma_start3A_36 = arith.constant 0 : i32
        %dma_start3A_37 = tpu.memref_slice %arg9[%multiple_of3A, %dma_start3A_36] : memref<10240x128xf32, #tpu.memory_space<vmem_shared>> -> memref<640x128xf32, #tpu.memory_space<vmem_shared>>
        tpu.enqueue_dma source(%dma_start3A_37 : memref<640x128xf32, #tpu.memory_space<vmem_shared>>) target(%dma_start3A_35 : memref<640x128xf32, #tpu.memory_space<hbm>>) target_semaphore(%run_scoped3A : memref<!tpu.dma_semaphore, #tpu.memory_space<semaphore_mem>>)
        %dma_wait3A = arith.constant 0 : i32
        %dma_wait3A_38 = tpu.memref_slice %arg5[%arg0, %multiple_of3A, %dma_wait3A] : memref<2x10000x128xf32, #tpu.memory_space<hbm>> -> memref<1x640x128xf32, #tpu.memory_space<hbm>>
        %dma_wait3A_39 = tpu.memref_squeeze %dma_wait3A_38 : memref<1x640x128xf32, #tpu.memory_space<hbm>> -> memref<640x128xf32, #tpu.memory_space<hbm>>
        %dma_wait3A_40 = arith.constant 0 : i32
        %dma_wait3A_41 = tpu.memref_slice %arg9[%multiple_of3A, %dma_wait3A_40] : memref<10240x128xf32, #tpu.memory_space<vmem_shared>> -> memref<640x128xf32, #tpu.memory_space<vmem_shared>>
        tpu.wait_dma2 semaphore(%run_scoped3A : memref<!tpu.dma_semaphore, #tpu.memory_space<semaphore_mem>>) src(%dma_wait3A_41 : memref<640x128xf32, #tpu.memory_space<vmem_shared>>) dst(%dma_wait3A_39 : memref<640x128xf32, #tpu.memory_space<hbm>>)
        tpu.yield
      }) : () -> ()
    } else {
    }
    %eq3A_29 = arith.constant 15 : i32
    %eq3A_30 = arith.cmpi eq, %arg1, %eq3A_29 : i32
    %convert_element_type3A_31 = arith.extui %eq3A_30 : i1 to i32
    %cond3A_32 = arith.constant 0 : i32
    %cond3A_33 = arith.cmpi ne, %convert_element_type3A_31, %cond3A_32 : i32
    scf.if %cond3A_33 {
      "tpu.region"() ({
        %run_scoped3A = tpu.sem_alloc : memref<!tpu.dma_semaphore, #tpu.memory_space<semaphore_mem>>
        %dma_start3A = arith.constant 9600 : i32
        %dma_start3A_34 = arith.constant 0 : i32
        %dma_start3A_35 = tpu.memref_slice %arg5[%arg0, %dma_start3A, %dma_start3A_34] : memref<2x10000x128xf32, #tpu.memory_space<hbm>> -> memref<1x400x128xf32, #tpu.memory_space<hbm>>
        %dma_start3A_36 = tpu.memref_squeeze %dma_start3A_35 : memref<1x400x128xf32, #tpu.memory_space<hbm>> -> memref<400x128xf32, #tpu.memory_space<hbm>>
        %dma_start3A_37 = arith.constant 9600 : i32
        %dma_start3A_38 = arith.constant 0 : i32
        %dma_start3A_39 = tpu.memref_slice %arg9[%dma_start3A_37, %dma_start3A_38] : memref<10240x128xf32, #tpu.memory_space<vmem_shared>> -> memref<400x128xf32, #tpu.memory_space<vmem_shared>>
        tpu.enqueue_dma source(%dma_start3A_39 : memref<400x128xf32, #tpu.memory_space<vmem_shared>>) target(%dma_start3A_36 : memref<400x128xf32, #tpu.memory_space<hbm>>) target_semaphore(%run_scoped3A : memref<!tpu.dma_semaphore, #tpu.memory_space<semaphore_mem>>)
        %dma_wait3A = arith.constant 9600 : i32
        %dma_wait3A_40 = arith.constant 0 : i32
        %dma_wait3A_41 = tpu.memref_slice %arg5[%arg0, %dma_wait3A, %dma_wait3A_40] : memref<2x10000x128xf32, #tpu.memory_space<hbm>> -> memref<1x400x128xf32, #tpu.memory_space<hbm>>
        %dma_wait3A_42 = tpu.memref_squeeze %dma_wait3A_41 : memref<1x400x128xf32, #tpu.memory_space<hbm>> -> memref<400x128xf32, #tpu.memory_space<hbm>>
        %dma_wait3A_43 = arith.constant 9600 : i32
        %dma_wait3A_44 = arith.constant 0 : i32
        %dma_wait3A_45 = tpu.memref_slice %arg9[%dma_wait3A_43, %dma_wait3A_44] : memref<10240x128xf32, #tpu.memory_space<vmem_shared>> -> memref<400x128xf32, #tpu.memory_space<vmem_shared>>
        tpu.wait_dma2 semaphore(%run_scoped3A : memref<!tpu.dma_semaphore, #tpu.memory_space<semaphore_mem>>) src(%dma_wait3A_45 : memref<400x128xf32, #tpu.memory_space<vmem_shared>>) dst(%dma_wait3A_42 : memref<400x128xf32, #tpu.memory_space<hbm>>)
        tpu.yield
      }) : () -> ()
    } else {
    }
    return
  }
}

#map = affine_map<(d0, d1) -> (0, 0)>
#map1 = affine_map<(d0, d1) -> (0, 0, 0, 0)>
#map2 = affine_map<(d0, d1) -> (0, 0, 0)>
module attributes {stable_mosaic.version = 14 : i64} {
  func.func @k(%arg0: i32, %arg1: i32, %arg2: memref<10000x128xf32, #tpu.memory_space<hbm>>, %arg3: memref<2x16x80x128xi32, #tpu.memory_space<hbm>>, %arg4: memref<2x16x80x128xi32, #tpu.memory_space<hbm>>, %arg5: memref<2x10000x128xf32, #tpu.memory_space<hbm>>, %arg6: memref<80x128xi32, #tpu.memory_space<vmem>>, %arg7: memref<80x128xi32, #tpu.memory_space<vmem>>, %arg8: memref<128x128xf32, #tpu.memory_space<vmem>>, %arg9: memref<10240x128xf32, #tpu.memory_space<vmem_shared>>, %arg10: memref<!tpu.dma_semaphore, #tpu.memory_space<semaphore_mem>>) attributes {dimension_semantics = [#tpu.dimension_semantics<core_parallel>, #tpu.dimension_semantics<subcore_parallel>], iteration_bounds = array<i64: 2, 16>, scalar_prefetch = 0 : i64, scratch_operands = 5 : i64, tpu.core_type = #tpu.core_type<sc_vector_subcore>, window_params = [{transform_indices = #map}, {transform_indices = #map1}, {transform_indices = #map1}, {transform_indices = #map2}]} {
    %mul3A = arith.constant 640 : i32
    %mul3A_0 = arith.muli %arg1, %mul3A : i32
    %multiple_of3A = tpu.assume_multiple %mul3A_0, 8 : i32
    "tpu.region"() ({
      %run_scoped3A = tpu.sem_alloc : memref<!tpu.dma_semaphore, #tpu.memory_space<semaphore_mem>>
      %dma_start3A = arith.constant 0 : i32
      %dma_start3A_34 = arith.constant 0 : i32
      %dma_start3A_35 = tpu.memref_slice %arg3[%arg0, %arg1, %dma_start3A, %dma_start3A_34] : memref<2x16x80x128xi32, #tpu.memory_space<hbm>> -> memref<1x1x80x128xi32, #tpu.memory_space<hbm>>
      %dma_start3A_36 = tpu.memref_squeeze %dma_start3A_35 : memref<1x1x80x128xi32, #tpu.memory_space<hbm>> -> memref<80x128xi32, #tpu.memory_space<hbm>>
      %dma_start3A_37 = arith.constant 0 : i32
      %dma_start3A_38 = arith.constant 0 : i32
      %dma_start3A_39 = tpu.memref_slice %arg3[%arg0, %arg1, %dma_start3A_37, %dma_start3A_38] : memref<2x16x80x128xi32, #tpu.memory_space<hbm>> -> memref<1x1x80x128xi32, #tpu.memory_space<hbm>>
      %dma_start3A_40 = tpu.memref_squeeze %dma_start3A_39 : memref<1x1x80x128xi32, #tpu.memory_space<hbm>> -> memref<80x128xi32, #tpu.memory_space<hbm>>
      tpu.enqueue_dma source(%dma_start3A_40 : memref<80x128xi32, #tpu.memory_space<hbm>>) target(%arg6 : memref<80x128xi32, #tpu.memory_space<vmem>>) target_semaphore(%run_scoped3A : memref<!tpu.dma_semaphore, #tpu.memory_space<semaphore_mem>>)
      %dma_wait3A = arith.constant 0 : i32
      %dma_wait3A_41 = arith.constant 0 : i32
      %dma_wait3A_42 = tpu.memref_slice %arg3[%arg0, %arg1, %dma_wait3A, %dma_wait3A_41] : memref<2x16x80x128xi32, #tpu.memory_space<hbm>> -> memref<1x1x80x128xi32, #tpu.memory_space<hbm>>
      %dma_wait3A_43 = tpu.memref_squeeze %dma_wait3A_42 : memref<1x1x80x128xi32, #tpu.memory_space<hbm>> -> memref<80x128xi32, #tpu.memory_space<hbm>>
      %dma_wait3A_44 = arith.constant 0 : i32
      %dma_wait3A_45 = arith.constant 0 : i32
      %dma_wait3A_46 = tpu.memref_slice %arg3[%arg0, %arg1, %dma_wait3A_44, %dma_wait3A_45] : memref<2x16x80x128xi32, #tpu.memory_space<hbm>> -> memref<1x1x80x128xi32, #tpu.memory_space<hbm>>
      %dma_wait3A_47 = tpu.memref_squeeze %dma_wait3A_46 : memref<1x1x80x128xi32, #tpu.memory_space<hbm>> -> memref<80x128xi32, #tpu.memory_space<hbm>>
      tpu.wait_dma2 semaphore(%run_scoped3A : memref<!tpu.dma_semaphore, #tpu.memory_space<semaphore_mem>>) src(%dma_wait3A_47 : memref<80x128xi32, #tpu.memory_space<hbm>>) dst(%arg6 : memref<80x128xi32, #tpu.memory_space<vmem>>)
      tpu.yield
    }) : () -> ()
    "tpu.region"() ({
      %run_scoped3A = tpu.sem_alloc : memref<!tpu.dma_semaphore, #tpu.memory_space<semaphore_mem>>
      %dma_start3A = arith.constant 0 : i32
      %dma_start3A_34 = arith.constant 0 : i32
      %dma_start3A_35 = tpu.memref_slice %arg4[%arg0, %arg1, %dma_start3A, %dma_start3A_34] : memref<2x16x80x128xi32, #tpu.memory_space<hbm>> -> memref<1x1x80x128xi32, #tpu.memory_space<hbm>>
      %dma_start3A_36 = tpu.memref_squeeze %dma_start3A_35 : memref<1x1x80x128xi32, #tpu.memory_space<hbm>> -> memref<80x128xi32, #tpu.memory_space<hbm>>
      %dma_start3A_37 = arith.constant 0 : i32
      %dma_start3A_38 = arith.constant 0 : i32
      %dma_start3A_39 = tpu.memref_slice %arg4[%arg0, %arg1, %dma_start3A_37, %dma_start3A_38] : memref<2x16x80x128xi32, #tpu.memory_space<hbm>> -> memref<1x1x80x128xi32, #tpu.memory_space<hbm>>
      %dma_start3A_40 = tpu.memref_squeeze %dma_start3A_39 : memref<1x1x80x128xi32, #tpu.memory_space<hbm>> -> memref<80x128xi32, #tpu.memory_space<hbm>>
      tpu.enqueue_dma source(%dma_start3A_40 : memref<80x128xi32, #tpu.memory_space<hbm>>) target(%arg7 : memref<80x128xi32, #tpu.memory_space<vmem>>) target_semaphore(%run_scoped3A : memref<!tpu.dma_semaphore, #tpu.memory_space<semaphore_mem>>)
      %dma_wait3A = arith.constant 0 : i32
      %dma_wait3A_41 = arith.constant 0 : i32
      %dma_wait3A_42 = tpu.memref_slice %arg4[%arg0, %arg1, %dma_wait3A, %dma_wait3A_41] : memref<2x16x80x128xi32, #tpu.memory_space<hbm>> -> memref<1x1x80x128xi32, #tpu.memory_space<hbm>>
      %dma_wait3A_43 = tpu.memref_squeeze %dma_wait3A_42 : memref<1x1x80x128xi32, #tpu.memory_space<hbm>> -> memref<80x128xi32, #tpu.memory_space<hbm>>
      %dma_wait3A_44 = arith.constant 0 : i32
      %dma_wait3A_45 = arith.constant 0 : i32
      %dma_wait3A_46 = tpu.memref_slice %arg4[%arg0, %arg1, %dma_wait3A_44, %dma_wait3A_45] : memref<2x16x80x128xi32, #tpu.memory_space<hbm>> -> memref<1x1x80x128xi32, #tpu.memory_space<hbm>>
      %dma_wait3A_47 = tpu.memref_squeeze %dma_wait3A_46 : memref<1x1x80x128xi32, #tpu.memory_space<hbm>> -> memref<80x128xi32, #tpu.memory_space<hbm>>
      tpu.wait_dma2 semaphore(%run_scoped3A : memref<!tpu.dma_semaphore, #tpu.memory_space<semaphore_mem>>) src(%dma_wait3A_47 : memref<80x128xi32, #tpu.memory_space<hbm>>) dst(%arg7 : memref<80x128xi32, #tpu.memory_space<vmem>>)
      tpu.yield
    }) : () -> ()
    %eq3A = arith.constant 0 : i32
    %eq3A_1 = arith.cmpi eq, %arg0, %eq3A : i32
    %lt3A = arith.constant 15 : i32
    %lt3A_2 = arith.cmpi slt, %arg1, %lt3A : i32
    %and3A = arith.andi %eq3A_1, %lt3A_2 : i1
    %convert_element_type3A = arith.extui %and3A : i1 to i32
    %cond3A = arith.constant 0 : i32
    %cond3A_3 = arith.cmpi ne, %convert_element_type3A, %cond3A : i32
    scf.if %cond3A_3 {
      "tpu.region"() ({
        %run_scoped3A = tpu.sem_alloc : memref<!tpu.dma_semaphore, #tpu.memory_space<semaphore_mem>>
        %dma_start3A = arith.constant 0 : i32
        %dma_start3A_34 = tpu.memref_slice %arg9[%multiple_of3A, %dma_start3A] : memref<10240x128xf32, #tpu.memory_space<vmem_shared>> -> memref<640x128xf32, #tpu.memory_space<vmem_shared>>
        %dma_start3A_35 = arith.constant 0 : i32
        %dma_start3A_36 = tpu.memref_slice %arg2[%multiple_of3A, %dma_start3A_35] : memref<10000x128xf32, #tpu.memory_space<hbm>> -> memref<640x128xf32, #tpu.memory_space<hbm>>
        tpu.enqueue_dma source(%dma_start3A_36 : memref<640x128xf32, #tpu.memory_space<hbm>>) target(%dma_start3A_34 : memref<640x128xf32, #tpu.memory_space<vmem_shared>>) target_semaphore(%run_scoped3A : memref<!tpu.dma_semaphore, #tpu.memory_space<semaphore_mem>>)
        %dma_wait3A = arith.constant 0 : i32
        %dma_wait3A_37 = tpu.memref_slice %arg9[%multiple_of3A, %dma_wait3A] : memref<10240x128xf32, #tpu.memory_space<vmem_shared>> -> memref<640x128xf32, #tpu.memory_space<vmem_shared>>
        %dma_wait3A_38 = arith.constant 0 : i32
        %dma_wait3A_39 = tpu.memref_slice %arg2[%multiple_of3A, %dma_wait3A_38] : memref<10000x128xf32, #tpu.memory_space<hbm>> -> memref<640x128xf32, #tpu.memory_space<hbm>>
        tpu.wait_dma2 semaphore(%run_scoped3A : memref<!tpu.dma_semaphore, #tpu.memory_space<semaphore_mem>>) src(%dma_wait3A_39 : memref<640x128xf32, #tpu.memory_space<hbm>>) dst(%dma_wait3A_37 : memref<640x128xf32, #tpu.memory_space<vmem_shared>>)
        tpu.yield
      }) : () -> ()
    } else {
    }
    %eq3A_4 = arith.constant 0 : i32
    %eq3A_5 = arith.cmpi eq, %arg0, %eq3A_4 : i32
    %eq3A_6 = arith.constant 15 : i32
    %eq3A_7 = arith.cmpi eq, %arg1, %eq3A_6 : i32
    %and3A_8 = arith.andi %eq3A_5, %eq3A_7 : i1
    %convert_element_type3A_9 = arith.extui %and3A_8 : i1 to i32
    %cond3A_10 = arith.constant 0 : i32
    %cond3A_11 = arith.cmpi ne, %convert_element_type3A_9, %cond3A_10 : i32
    scf.if %cond3A_11 {
      "tpu.region"() ({
        %run_scoped3A = tpu.sem_alloc : memref<!tpu.dma_semaphore, #tpu.memory_space<semaphore_mem>>
        %dma_start3A = arith.constant 9600 : i32
        %dma_start3A_34 = arith.constant 0 : i32
        %dma_start3A_35 = tpu.memref_slice %arg9[%dma_start3A, %dma_start3A_34] : memref<10240x128xf32, #tpu.memory_space<vmem_shared>> -> memref<400x128xf32, #tpu.memory_space<vmem_shared>>
        %dma_start3A_36 = arith.constant 9600 : i32
        %dma_start3A_37 = arith.constant 0 : i32
        %dma_start3A_38 = tpu.memref_slice %arg2[%dma_start3A_36, %dma_start3A_37] : memref<10000x128xf32, #tpu.memory_space<hbm>> -> memref<400x128xf32, #tpu.memory_space<hbm>>
        tpu.enqueue_dma source(%dma_start3A_38 : memref<400x128xf32, #tpu.memory_space<hbm>>) target(%dma_start3A_35 : memref<400x128xf32, #tpu.memory_space<vmem_shared>>) target_semaphore(%run_scoped3A : memref<!tpu.dma_semaphore, #tpu.memory_space<semaphore_mem>>)
        %dma_wait3A = arith.constant 9600 : i32
        %dma_wait3A_39 = arith.constant 0 : i32
        %dma_wait3A_40 = tpu.memref_slice %arg9[%dma_wait3A, %dma_wait3A_39] : memref<10240x128xf32, #tpu.memory_space<vmem_shared>> -> memref<400x128xf32, #tpu.memory_space<vmem_shared>>
        %dma_wait3A_41 = arith.constant 9600 : i32
        %dma_wait3A_42 = arith.constant 0 : i32
        %dma_wait3A_43 = tpu.memref_slice %arg2[%dma_wait3A_41, %dma_wait3A_42] : memref<10000x128xf32, #tpu.memory_space<hbm>> -> memref<400x128xf32, #tpu.memory_space<hbm>>
        tpu.wait_dma2 semaphore(%run_scoped3A : memref<!tpu.dma_semaphore, #tpu.memory_space<semaphore_mem>>) src(%dma_wait3A_43 : memref<400x128xf32, #tpu.memory_space<hbm>>) dst(%dma_wait3A_40 : memref<400x128xf32, #tpu.memory_space<vmem_shared>>)
        tpu.yield
      }) : () -> ()
    } else {
    }
    %eq3A_12 = arith.constant 1 : i32
    %eq3A_13 = arith.cmpi eq, %arg0, %eq3A_12 : i32
    %convert_element_type3A_14 = arith.extui %eq3A_13 : i1 to i32
    %cond3A_15 = arith.constant 0 : i32
    %cond3A_16 = arith.cmpi ne, %convert_element_type3A_14, %cond3A_15 : i32
    scf.if %cond3A_16 {
      %scan3A_34 = arith.constant 0 : i32
      %scan3A_35 = arith.constant 0 : i32
      %scan3A_36 = arith.constant 128 : i32
      %scan3A_37 = arith.addi %scan3A_35, %scan3A_36 : i32
      %scan3A_38 = arith.constant 1 : i32
      %scan3A_39 = scf.for %scan3A_50 = %scan3A_35 to %scan3A_37 step %scan3A_38 iter_args(%scan3A_51 = %scan3A_34) -> (i32)  : i32 {
        %broadcast_in_dim3A = arith.constant 0.000000e+00 : f32
        %broadcast_in_dim3A_52 = vector.broadcast %broadcast_in_dim3A : f32 to vector<16xf32>
        %swap3A = arith.index_cast %scan3A_50 : i32 to index
        %swap3A_53 = arith.constant 0 : index
        %swap3A_54 = tpu.vector_load %arg8[%swap3A, %swap3A_53] {strides = array<i32>} : memref<128x128xf32, #tpu.memory_space<vmem>>, vector<1x16xf32>,
        %swap3A_55 = vector.shape_cast %swap3A_54 : vector<1x16xf32> to vector<16xf32>
        %swap3A_56 = vector.shape_cast %broadcast_in_dim3A_52 : vector<16xf32> to vector<1x16xf32>
        tpu.vector_store %arg8[%swap3A, %swap3A_53], %swap3A_56 {strides = array<i32>} : memref<128x128xf32, #tpu.memory_space<vmem>>, vector<1x16xf32>,
        %broadcast_in_dim3A_57 = arith.constant 0.000000e+00 : f32
        %broadcast_in_dim3A_58 = vector.broadcast %broadcast_in_dim3A_57 : f32 to vector<16xf32>
        %swap3A_59 = arith.index_cast %scan3A_50 : i32 to index
        %swap3A_60 = arith.constant 16 : index
        %swap3A_61 = tpu.vector_load %arg8[%swap3A_59, %swap3A_60] {strides = array<i32>} : memref<128x128xf32, #tpu.memory_space<vmem>>, vector<1x16xf32>,
        %swap3A_62 = vector.shape_cast %swap3A_61 : vector<1x16xf32> to vector<16xf32>
        %swap3A_63 = vector.shape_cast %broadcast_in_dim3A_58 : vector<16xf32> to vector<1x16xf32>
        tpu.vector_store %arg8[%swap3A_59, %swap3A_60], %swap3A_63 {strides = array<i32>} : memref<128x128xf32, #tpu.memory_space<vmem>>, vector<1x16xf32>,
        %broadcast_in_dim3A_64 = arith.constant 0.000000e+00 : f32
        %broadcast_in_dim3A_65 = vector.broadcast %broadcast_in_dim3A_64 : f32 to vector<16xf32>
        %swap3A_66 = arith.index_cast %scan3A_50 : i32 to index
        %swap3A_67 = arith.constant 32 : index
        %swap3A_68 = tpu.vector_load %arg8[%swap3A_66, %swap3A_67] {strides = array<i32>} : memref<128x128xf32, #tpu.memory_space<vmem>>, vector<1x16xf32>,
        %swap3A_69 = vector.shape_cast %swap3A_68 : vector<1x16xf32> to vector<16xf32>
        %swap3A_70 = vector.shape_cast %broadcast_in_dim3A_65 : vector<16xf32> to vector<1x16xf32>
        tpu.vector_store %arg8[%swap3A_66, %swap3A_67], %swap3A_70 {strides = array<i32>} : memref<128x128xf32, #tpu.memory_space<vmem>>, vector<1x16xf32>,
        %broadcast_in_dim3A_71 = arith.constant 0.000000e+00 : f32
        %broadcast_in_dim3A_72 = vector.broadcast %broadcast_in_dim3A_71 : f32 to vector<16xf32>
        %swap3A_73 = arith.index_cast %scan3A_50 : i32 to index
        %swap3A_74 = arith.constant 48 : index
        %swap3A_75 = tpu.vector_load %arg8[%swap3A_73, %swap3A_74] {strides = array<i32>} : memref<128x128xf32, #tpu.memory_space<vmem>>, vector<1x16xf32>,
        %swap3A_76 = vector.shape_cast %swap3A_75 : vector<1x16xf32> to vector<16xf32>
        %swap3A_77 = vector.shape_cast %broadcast_in_dim3A_72 : vector<16xf32> to vector<1x16xf32>
        tpu.vector_store %arg8[%swap3A_73, %swap3A_74], %swap3A_77 {strides = array<i32>} : memref<128x128xf32, #tpu.memory_space<vmem>>, vector<1x16xf32>,
        %broadcast_in_dim3A_78 = arith.constant 0.000000e+00 : f32
        %broadcast_in_dim3A_79 = vector.broadcast %broadcast_in_dim3A_78 : f32 to vector<16xf32>
        %swap3A_80 = arith.index_cast %scan3A_50 : i32 to index
        %swap3A_81 = arith.constant 64 : index
        %swap3A_82 = tpu.vector_load %arg8[%swap3A_80, %swap3A_81] {strides = array<i32>} : memref<128x128xf32, #tpu.memory_space<vmem>>, vector<1x16xf32>,
        %swap3A_83 = vector.shape_cast %swap3A_82 : vector<1x16xf32> to vector<16xf32>
        %swap3A_84 = vector.shape_cast %broadcast_in_dim3A_79 : vector<16xf32> to vector<1x16xf32>
        tpu.vector_store %arg8[%swap3A_80, %swap3A_81], %swap3A_84 {strides = array<i32>} : memref<128x128xf32, #tpu.memory_space<vmem>>, vector<1x16xf32>,
        %broadcast_in_dim3A_85 = arith.constant 0.000000e+00 : f32
        %broadcast_in_dim3A_86 = vector.broadcast %broadcast_in_dim3A_85 : f32 to vector<16xf32>
        %swap3A_87 = arith.index_cast %scan3A_50 : i32 to index
        %swap3A_88 = arith.constant 80 : index
        %swap3A_89 = tpu.vector_load %arg8[%swap3A_87, %swap3A_88] {strides = array<i32>} : memref<128x128xf32, #tpu.memory_space<vmem>>, vector<1x16xf32>,
        %swap3A_90 = vector.shape_cast %swap3A_89 : vector<1x16xf32> to vector<16xf32>
        %swap3A_91 = vector.shape_cast %broadcast_in_dim3A_86 : vector<16xf32> to vector<1x16xf32>
        tpu.vector_store %arg8[%swap3A_87, %swap3A_88], %swap3A_91 {strides = array<i32>} : memref<128x128xf32, #tpu.memory_space<vmem>>, vector<1x16xf32>,
        %broadcast_in_dim3A_92 = arith.constant 0.000000e+00 : f32
        %broadcast_in_dim3A_93 = vector.broadcast %broadcast_in_dim3A_92 : f32 to vector<16xf32>
        %swap3A_94 = arith.index_cast %scan3A_50 : i32 to index
        %swap3A_95 = arith.constant 96 : index
        %swap3A_96 = tpu.vector_load %arg8[%swap3A_94, %swap3A_95] {strides = array<i32>} : memref<128x128xf32, #tpu.memory_space<vmem>>, vector<1x16xf32>,
        %swap3A_97 = vector.shape_cast %swap3A_96 : vector<1x16xf32> to vector<16xf32>
        %swap3A_98 = vector.shape_cast %broadcast_in_dim3A_93 : vector<16xf32> to vector<1x16xf32>
        tpu.vector_store %arg8[%swap3A_94, %swap3A_95], %swap3A_98 {strides = array<i32>} : memref<128x128xf32, #tpu.memory_space<vmem>>, vector<1x16xf32>,
        %broadcast_in_dim3A_99 = arith.constant 0.000000e+00 : f32
        %broadcast_in_dim3A_100 = vector.broadcast %broadcast_in_dim3A_99 : f32 to vector<16xf32>
        %swap3A_101 = arith.index_cast %scan3A_50 : i32 to index
        %swap3A_102 = arith.constant 112 : index
        %swap3A_103 = tpu.vector_load %arg8[%swap3A_101, %swap3A_102] {strides = array<i32>} : memref<128x128xf32, #tpu.memory_space<vmem>>, vector<1x16xf32>,
        %swap3A_104 = vector.shape_cast %swap3A_103 : vector<1x16xf32> to vector<16xf32>
        %swap3A_105 = vector.shape_cast %broadcast_in_dim3A_100 : vector<16xf32> to vector<1x16xf32>
        tpu.vector_store %arg8[%swap3A_101, %swap3A_102], %swap3A_105 {strides = array<i32>} : memref<128x128xf32, #tpu.memory_space<vmem>>, vector<1x16xf32>,
        %scan3A_106 = arith.constant 0 : i32
        scf.yield %scan3A_106 : i32
      }
      %scan3A_40 = arith.constant 128 : i32
      %add3A = arith.constant 0 : i32
      %add3A_41 = arith.addi %multiple_of3A, %add3A : i32
      "tpu.region"() ({
        %run_scoped3A = tpu.sem_alloc : memref<!tpu.dma_semaphore, #tpu.memory_space<semaphore_mem>>
        %dma_start3A = arith.constant 0 : i32
        %dma_start3A_50 = tpu.memref_slice %arg9[%add3A_41, %dma_start3A] : memref<10240x128xf32, #tpu.memory_space<vmem_shared>> -> memref<128x128xf32, #tpu.memory_space<vmem_shared>>
        %dma_start3A_51 = arith.constant 0 : i32
        %dma_start3A_52 = tpu.memref_slice %arg9[%add3A_41, %dma_start3A_51] : memref<10240x128xf32, #tpu.memory_space<vmem_shared>> -> memref<128x128xf32, #tpu.memory_space<vmem_shared>>
        tpu.enqueue_dma source(%arg8 : memref<128x128xf32, #tpu.memory_space<vmem>>) target(%dma_start3A_52 : memref<128x128xf32, #tpu.memory_space<vmem_shared>>) target_semaphore(%run_scoped3A : memref<!tpu.dma_semaphore, #tpu.memory_space<semaphore_mem>>)
        %dma_wait3A = arith.constant 0 : i32
        %dma_wait3A_53 = tpu.memref_slice %arg9[%add3A_41, %dma_wait3A] : memref<10240x128xf32, #tpu.memory_space<vmem_shared>> -> memref<128x128xf32, #tpu.memory_space<vmem_shared>>
        %dma_wait3A_54 = arith.constant 0 : i32
        %dma_wait3A_55 = tpu.memref_slice %arg9[%add3A_41, %dma_wait3A_54] : memref<10240x128xf32, #tpu.memory_space<vmem_shared>> -> memref<128x128xf32, #tpu.memory_space<vmem_shared>>
        tpu.wait_dma2 semaphore(%run_scoped3A : memref<!tpu.dma_semaphore, #tpu.memory_space<semaphore_mem>>) src(%arg8 : memref<128x128xf32, #tpu.memory_space<vmem>>) dst(%dma_wait3A_55 : memref<128x128xf32, #tpu.memory_space<vmem_shared>>)
        tpu.yield
      }) : () -> ()
      %add3A_42 = arith.constant 128 : i32
      %add3A_43 = arith.addi %multiple_of3A, %add3A_42 : i32
      "tpu.region"() ({
        %run_scoped3A = tpu.sem_alloc : memref<!tpu.dma_semaphore, #tpu.memory_space<semaphore_mem>>
        %dma_start3A = arith.constant 0 : i32
        %dma_start3A_50 = tpu.memref_slice %arg9[%add3A_43, %dma_start3A] : memref<10240x128xf32, #tpu.memory_space<vmem_shared>> -> memref<128x128xf32, #tpu.memory_space<vmem_shared>>
        %dma_start3A_51 = arith.constant 0 : i32
        %dma_start3A_52 = tpu.memref_slice %arg9[%add3A_43, %dma_start3A_51] : memref<10240x128xf32, #tpu.memory_space<vmem_shared>> -> memref<128x128xf32, #tpu.memory_space<vmem_shared>>
        tpu.enqueue_dma source(%arg8 : memref<128x128xf32, #tpu.memory_space<vmem>>) target(%dma_start3A_52 : memref<128x128xf32, #tpu.memory_space<vmem_shared>>) target_semaphore(%run_scoped3A : memref<!tpu.dma_semaphore, #tpu.memory_space<semaphore_mem>>)
        %dma_wait3A = arith.constant 0 : i32
        %dma_wait3A_53 = tpu.memref_slice %arg9[%add3A_43, %dma_wait3A] : memref<10240x128xf32, #tpu.memory_space<vmem_shared>> -> memref<128x128xf32, #tpu.memory_space<vmem_shared>>
        %dma_wait3A_54 = arith.constant 0 : i32
        %dma_wait3A_55 = tpu.memref_slice %arg9[%add3A_43, %dma_wait3A_54] : memref<10240x128xf32, #tpu.memory_space<vmem_shared>> -> memref<128x128xf32, #tpu.memory_space<vmem_shared>>
        tpu.wait_dma2 semaphore(%run_scoped3A : memref<!tpu.dma_semaphore, #tpu.memory_space<semaphore_mem>>) src(%arg8 : memref<128x128xf32, #tpu.memory_space<vmem>>) dst(%dma_wait3A_55 : memref<128x128xf32, #tpu.memory_space<vmem_shared>>)
        tpu.yield
      }) : () -> ()
      %add3A_44 = arith.constant 256 : i32
      %add3A_45 = arith.addi %multiple_of3A, %add3A_44 : i32
      "tpu.region"() ({
        %run_scoped3A = tpu.sem_alloc : memref<!tpu.dma_semaphore, #tpu.memory_space<semaphore_mem>>
        %dma_start3A = arith.constant 0 : i32
        %dma_start3A_50 = tpu.memref_slice %arg9[%add3A_45, %dma_start3A] : memref<10240x128xf32, #tpu.memory_space<vmem_shared>> -> memref<128x128xf32, #tpu.memory_space<vmem_shared>>
        %dma_start3A_51 = arith.constant 0 : i32
        %dma_start3A_52 = tpu.memref_slice %arg9[%add3A_45, %dma_start3A_51] : memref<10240x128xf32, #tpu.memory_space<vmem_shared>> -> memref<128x128xf32, #tpu.memory_space<vmem_shared>>
        tpu.enqueue_dma source(%arg8 : memref<128x128xf32, #tpu.memory_space<vmem>>) target(%dma_start3A_52 : memref<128x128xf32, #tpu.memory_space<vmem_shared>>) target_semaphore(%run_scoped3A : memref<!tpu.dma_semaphore, #tpu.memory_space<semaphore_mem>>)
        %dma_wait3A = arith.constant 0 : i32
        %dma_wait3A_53 = tpu.memref_slice %arg9[%add3A_45, %dma_wait3A] : memref<10240x128xf32, #tpu.memory_space<vmem_shared>> -> memref<128x128xf32, #tpu.memory_space<vmem_shared>>
        %dma_wait3A_54 = arith.constant 0 : i32
        %dma_wait3A_55 = tpu.memref_slice %arg9[%add3A_45, %dma_wait3A_54] : memref<10240x128xf32, #tpu.memory_space<vmem_shared>> -> memref<128x128xf32, #tpu.memory_space<vmem_shared>>
        tpu.wait_dma2 semaphore(%run_scoped3A : memref<!tpu.dma_semaphore, #tpu.memory_space<semaphore_mem>>) src(%arg8 : memref<128x128xf32, #tpu.memory_space<vmem>>) dst(%dma_wait3A_55 : memref<128x128xf32, #tpu.memory_space<vmem_shared>>)
        tpu.yield
      }) : () -> ()
      %add3A_46 = arith.constant 384 : i32
      %add3A_47 = arith.addi %multiple_of3A, %add3A_46 : i32
      "tpu.region"() ({
        %run_scoped3A = tpu.sem_alloc : memref<!tpu.dma_semaphore, #tpu.memory_space<semaphore_mem>>
        %dma_start3A = arith.constant 0 : i32
        %dma_start3A_50 = tpu.memref_slice %arg9[%add3A_47, %dma_start3A] : memref<10240x128xf32, #tpu.memory_space<vmem_shared>> -> memref<128x128xf32, #tpu.memory_space<vmem_shared>>
        %dma_start3A_51 = arith.constant 0 : i32
        %dma_start3A_52 = tpu.memref_slice %arg9[%add3A_47, %dma_start3A_51] : memref<10240x128xf32, #tpu.memory_space<vmem_shared>> -> memref<128x128xf32, #tpu.memory_space<vmem_shared>>
        tpu.enqueue_dma source(%arg8 : memref<128x128xf32, #tpu.memory_space<vmem>>) target(%dma_start3A_52 : memref<128x128xf32, #tpu.memory_space<vmem_shared>>) target_semaphore(%run_scoped3A : memref<!tpu.dma_semaphore, #tpu.memory_space<semaphore_mem>>)
        %dma_wait3A = arith.constant 0 : i32
        %dma_wait3A_53 = tpu.memref_slice %arg9[%add3A_47, %dma_wait3A] : memref<10240x128xf32, #tpu.memory_space<vmem_shared>> -> memref<128x128xf32, #tpu.memory_space<vmem_shared>>
        %dma_wait3A_54 = arith.constant 0 : i32
        %dma_wait3A_55 = tpu.memref_slice %arg9[%add3A_47, %dma_wait3A_54] : memref<10240x128xf32, #tpu.memory_space<vmem_shared>> -> memref<128x128xf32, #tpu.memory_space<vmem_shared>>
        tpu.wait_dma2 semaphore(%run_scoped3A : memref<!tpu.dma_semaphore, #tpu.memory_space<semaphore_mem>>) src(%arg8 : memref<128x128xf32, #tpu.memory_space<vmem>>) dst(%dma_wait3A_55 : memref<128x128xf32, #tpu.memory_space<vmem_shared>>)
        tpu.yield
      }) : () -> ()
      %add3A_48 = arith.constant 512 : i32
      %add3A_49 = arith.addi %multiple_of3A, %add3A_48 : i32
      "tpu.region"() ({
        %run_scoped3A = tpu.sem_alloc : memref<!tpu.dma_semaphore, #tpu.memory_space<semaphore_mem>>
        %dma_start3A = arith.constant 0 : i32
        %dma_start3A_50 = tpu.memref_slice %arg9[%add3A_49, %dma_start3A] : memref<10240x128xf32, #tpu.memory_space<vmem_shared>> -> memref<128x128xf32, #tpu.memory_space<vmem_shared>>
        %dma_start3A_51 = arith.constant 0 : i32
        %dma_start3A_52 = tpu.memref_slice %arg9[%add3A_49, %dma_start3A_51] : memref<10240x128xf32, #tpu.memory_space<vmem_shared>> -> memref<128x128xf32, #tpu.memory_space<vmem_shared>>
        tpu.enqueue_dma source(%arg8 : memref<128x128xf32, #tpu.memory_space<vmem>>) target(%dma_start3A_52 : memref<128x128xf32, #tpu.memory_space<vmem_shared>>) target_semaphore(%run_scoped3A : memref<!tpu.dma_semaphore, #tpu.memory_space<semaphore_mem>>)
        %dma_wait3A = arith.constant 0 : i32
        %dma_wait3A_53 = tpu.memref_slice %arg9[%add3A_49, %dma_wait3A] : memref<10240x128xf32, #tpu.memory_space<vmem_shared>> -> memref<128x128xf32, #tpu.memory_space<vmem_shared>>
        %dma_wait3A_54 = arith.constant 0 : i32
        %dma_wait3A_55 = tpu.memref_slice %arg9[%add3A_49, %dma_wait3A_54] : memref<10240x128xf32, #tpu.memory_space<vmem_shared>> -> memref<128x128xf32, #tpu.memory_space<vmem_shared>>
        tpu.wait_dma2 semaphore(%run_scoped3A : memref<!tpu.dma_semaphore, #tpu.memory_space<semaphore_mem>>) src(%arg8 : memref<128x128xf32, #tpu.memory_space<vmem>>) dst(%dma_wait3A_55 : memref<128x128xf32, #tpu.memory_space<vmem_shared>>)
        tpu.yield
      }) : () -> ()
    } else {
    }
    %barrier3A = arith.constant 0 : index
    tpu.barrier barrier_id(%barrier3A)
    %scan3A = arith.constant 0 : i32
    %scan3A_17 = arith.constant 0 : i32
    %scan3A_18 = arith.constant 80 : i32
    %scan3A_19 = arith.addi %scan3A_17, %scan3A_18 : i32
    %scan3A_20 = arith.constant 1 : i32
    %scan3A_21 = scf.for %scan3A_34 = %scan3A_17 to %scan3A_19 step %scan3A_20 iter_args(%scan3A_35 = %scan3A) -> (i32)  : i32 {
      %dma_start3A = arith.constant 0 : i32
      %dma_start3A_36 = tpu.memref_slice %arg6[%scan3A_34, %dma_start3A] : memref<80x128xi32, #tpu.memory_space<vmem>> -> memref<1x128xi32, #tpu.memory_space<vmem>>
      %dma_start3A_37 = tpu.memref_squeeze %dma_start3A_36 : memref<1x128xi32, #tpu.memory_space<vmem>> -> memref<128xi32, #tpu.memory_space<vmem>>
      %dma_start3A_38 = arith.constant 0 : i32
      %dma_start3A_39 = arith.constant 0 : i32
      %dma_start3A_40 = tpu.memref_slice %arg2[%dma_start3A_38, %dma_start3A_39] : memref<10000x128xf32, #tpu.memory_space<hbm>> -> memref<10000x128xf32, #tpu.memory_space<hbm>>
      tpu.enqueue_indirect_dma source(%dma_start3A_40 : memref<10000x128xf32, #tpu.memory_space<hbm>>) target(%arg8 : memref<128x128xf32, #tpu.memory_space<vmem>>) offsets(%dma_start3A_37 : memref<128xi32, #tpu.memory_space<vmem>>) semaphore(%arg10 : memref<!tpu.dma_semaphore, #tpu.memory_space<semaphore_mem>>)
      %dma_wait3A = arith.constant 0 : i32
      %dma_wait3A_41 = tpu.memref_slice %arg6[%scan3A_34, %dma_wait3A] : memref<80x128xi32, #tpu.memory_space<vmem>> -> memref<1x128xi32, #tpu.memory_space<vmem>>
      %dma_wait3A_42 = tpu.memref_squeeze %dma_wait3A_41 : memref<1x128xi32, #tpu.memory_space<vmem>> -> memref<128xi32, #tpu.memory_space<vmem>>
      %dma_wait3A_43 = arith.constant 0 : i32
      %dma_wait3A_44 = arith.constant 0 : i32
      %dma_wait3A_45 = tpu.memref_slice %arg2[%dma_wait3A_43, %dma_wait3A_44] : memref<10000x128xf32, #tpu.memory_space<hbm>> -> memref<10000x128xf32, #tpu.memory_space<hbm>>
      tpu.wait_indirect_dma semaphore(%arg10 : memref<!tpu.dma_semaphore, #tpu.memory_space<semaphore_mem>>) src(%dma_wait3A_45 : memref<10000x128xf32, #tpu.memory_space<hbm>>) dst(%arg8 : memref<128x128xf32, #tpu.memory_space<vmem>>)
      "tpu.region"() ({
        %run_scoped3A = tpu.sem_alloc : memref<!tpu.dma_semaphore, #tpu.memory_space<semaphore_mem>>
        %dma_start3A_47 = arith.constant 0 : i32
        %dma_start3A_48 = tpu.memref_slice %arg7[%scan3A_34, %dma_start3A_47] : memref<80x128xi32, #tpu.memory_space<vmem>> -> memref<1x128xi32, #tpu.memory_space<vmem>>
        %dma_start3A_49 = tpu.memref_squeeze %dma_start3A_48 : memref<1x128xi32, #tpu.memory_space<vmem>> -> memref<128xi32, #tpu.memory_space<vmem>>
        %dma_start3A_50 = arith.constant 0 : i32
        %dma_start3A_51 = arith.constant 0 : i32
        %dma_start3A_52 = tpu.memref_slice %arg9[%dma_start3A_50, %dma_start3A_51] : memref<10240x128xf32, #tpu.memory_space<vmem_shared>> -> memref<10240x128xf32, #tpu.memory_space<vmem_shared>>
        tpu.enqueue_indirect_dma source(%arg8 : memref<128x128xf32, #tpu.memory_space<vmem>>) target(%dma_start3A_52 : memref<10240x128xf32, #tpu.memory_space<vmem_shared>>) offsets(%dma_start3A_49 : memref<128xi32, #tpu.memory_space<vmem>>) semaphore(%run_scoped3A : memref<!tpu.dma_semaphore, #tpu.memory_space<semaphore_mem>>) {add = true}
        %dma_wait3A_53 = arith.constant 0 : i32
        %dma_wait3A_54 = tpu.memref_slice %arg7[%scan3A_34, %dma_wait3A_53] : memref<80x128xi32, #tpu.memory_space<vmem>> -> memref<1x128xi32, #tpu.memory_space<vmem>>
        %dma_wait3A_55 = tpu.memref_squeeze %dma_wait3A_54 : memref<1x128xi32, #tpu.memory_space<vmem>> -> memref<128xi32, #tpu.memory_space<vmem>>
        %dma_wait3A_56 = arith.constant 0 : i32
        %dma_wait3A_57 = arith.constant 0 : i32
        %dma_wait3A_58 = tpu.memref_slice %arg9[%dma_wait3A_56, %dma_wait3A_57] : memref<10240x128xf32, #tpu.memory_space<vmem_shared>> -> memref<10240x128xf32, #tpu.memory_space<vmem_shared>>
        tpu.wait_indirect_dma semaphore(%run_scoped3A : memref<!tpu.dma_semaphore, #tpu.memory_space<semaphore_mem>>) src(%arg8 : memref<128x128xf32, #tpu.memory_space<vmem>>) dst(%dma_wait3A_58 : memref<10240x128xf32, #tpu.memory_space<vmem_shared>>)
        tpu.yield
      }) : () -> ()
      %scan3A_46 = arith.constant 0 : i32
      scf.yield %scan3A_46 : i32
    }
    %scan3A_22 = arith.constant 80 : i32
    %barrier3A_23 = arith.constant 0 : index
    tpu.barrier barrier_id(%barrier3A_23)
    %lt3A_24 = arith.constant 15 : i32
    %lt3A_25 = arith.cmpi slt, %arg1, %lt3A_24 : i32
    %convert_element_type3A_26 = arith.extui %lt3A_25 : i1 to i32
    %cond3A_27 = arith.constant 0 : i32
    %cond3A_28 = arith.cmpi ne, %convert_element_type3A_26, %cond3A_27 : i32
    scf.if %cond3A_28 {
      "tpu.region"() ({
        %run_scoped3A = tpu.sem_alloc : memref<!tpu.dma_semaphore, #tpu.memory_space<semaphore_mem>>
        %dma_start3A = arith.constant 0 : i32
        %dma_start3A_34 = tpu.memref_slice %arg5[%arg0, %multiple_of3A, %dma_start3A] : memref<2x10000x128xf32, #tpu.memory_space<hbm>> -> memref<1x640x128xf32, #tpu.memory_space<hbm>>
        %dma_start3A_35 = tpu.memref_squeeze %dma_start3A_34 : memref<1x640x128xf32, #tpu.memory_space<hbm>> -> memref<640x128xf32, #tpu.memory_space<hbm>>
        %dma_start3A_36 = arith.constant 0 : i32
        %dma_start3A_37 = tpu.memref_slice %arg9[%multiple_of3A, %dma_start3A_36] : memref<10240x128xf32, #tpu.memory_space<vmem_shared>> -> memref<640x128xf32, #tpu.memory_space<vmem_shared>>
        tpu.enqueue_dma source(%dma_start3A_37 : memref<640x128xf32, #tpu.memory_space<vmem_shared>>) target(%dma_start3A_35 : memref<640x128xf32, #tpu.memory_space<hbm>>) target_semaphore(%run_scoped3A : memref<!tpu.dma_semaphore, #tpu.memory_space<semaphore_mem>>)
        %dma_wait3A = arith.constant 0 : i32
        %dma_wait3A_38 = tpu.memref_slice %arg5[%arg0, %multiple_of3A, %dma_wait3A] : memref<2x10000x128xf32, #tpu.memory_space<hbm>> -> memref<1x640x128xf32, #tpu.memory_space<hbm>>
        %dma_wait3A_39 = tpu.memref_squeeze %dma_wait3A_38 : memref<1x640x128xf32, #tpu.memory_space<hbm>> -> memref<640x128xf32, #tpu.memory_space<hbm>>
        %dma_wait3A_40 = arith.constant 0 : i32
        %dma_wait3A_41 = tpu.memref_slice %arg9[%multiple_of3A, %dma_wait3A_40] : memref<10240x128xf32, #tpu.memory_space<vmem_shared>> -> memref<640x128xf32, #tpu.memory_space<vmem_shared>>
        tpu.wait_dma2 semaphore(%run_scoped3A : memref<!tpu.dma_semaphore, #tpu.memory_space<semaphore_mem>>) src(%dma_wait3A_41 : memref<640x128xf32, #tpu.memory_space<vmem_shared>>) dst(%dma_wait3A_39 : memref<640x128xf32, #tpu.memory_space<hbm>>)
        tpu.yield
      }) : () -> ()
    } else {
    }
    %eq3A_29 = arith.constant 15 : i32
    %eq3A_30 = arith.cmpi eq, %arg1, %eq3A_29 : i32
    %convert_element_type3A_31 = arith.extui %eq3A_30 : i1 to i32
    %cond3A_32 = arith.constant 0 : i32
    %cond3A_33 = arith.cmpi ne, %convert_element_type3A_31, %cond3A_32 : i32
    scf.if %cond3A_33 {
      "tpu.region"() ({
        %run_scoped3A = tpu.sem_alloc : memref<!tpu.dma_semaphore, #tpu.memory_space<semaphore_mem>>
        %dma_start3A = arith.constant 9600 : i32
        %dma_start3A_34 = arith.constant 0 : i32
        %dma_start3A_35 = tpu.memref_slice %arg5[%arg0, %dma_start3A, %dma_start3A_34] : memref<2x10000x128xf32, #tpu.memory_space<hbm>> -> memref<1x400x128xf32, #tpu.memory_space<hbm>>
        %dma_start3A_36 = tpu.memref_squeeze %dma_start3A_35 : memref<1x400x128xf32, #tpu.memory_space<hbm>> -> memref<400x128xf32, #tpu.memory_space<hbm>>
        %dma_start3A_37 = arith.constant 9600 : i32
        %dma_start3A_38 = arith.constant 0 : i32
        %dma_start3A_39 = tpu.memref_slice %arg9[%dma_start3A_37, %dma_start3A_38] : memref<10240x128xf32, #tpu.memory_space<vmem_shared>> -> memref<400x128xf32, #tpu.memory_space<vmem_shared>>
        tpu.enqueue_dma source(%dma_start3A_39 : memref<400x128xf32, #tpu.memory_space<vmem_shared>>) target(%dma_start3A_36 : memref<400x128xf32, #tpu.memory_space<hbm>>) target_semaphore(%run_scoped3A : memref<!tpu.dma_semaphore, #tpu.memory_space<semaphore_mem>>)
        %dma_wait3A = arith.constant 9600 : i32
        %dma_wait3A_40 = arith.constant 0 : i32
        %dma_wait3A_41 = tpu.memref_slice %arg5[%arg0, %dma_wait3A, %dma_wait3A_40] : memref<2x10000x128xf32, #tpu.memory_space<hbm>> -> memref<1x400x128xf32, #tpu.memory_space<hbm>>
        %dma_wait3A_42 = tpu.memref_squeeze %dma_wait3A_41 : memref<1x400x128xf32, #tpu.memory_space<hbm>> -> memref<400x128xf32, #tpu.memory_space<hbm>>
        %dma_wait3A_43 = arith.constant 9600 : i32
        %dma_wait3A_44 = arith.constant 0 : i32
        %dma_wait3A_45 = tpu.memref_slice %arg9[%dma_wait3A_43, %dma_wait3A_44] : memref<10240x128xf32, #tpu.memory_space<vmem_shared>> -> memref<400x128xf32, #tpu.memory_space<vmem_shared>>
        tpu.wait_dma2 semaphore(%run_scoped3A : memref<!tpu.dma_semaphore, #tpu.memory_space<semaphore_mem>>) src(%dma_wait3A_45 : memref<400x128xf32, #tpu.memory_space<vmem_shared>>) dst(%dma_wait3A_42 : memref<400x128xf32, #tpu.memory_space<hbm>>)
        tpu.yield
      }) : () -> ()
    } else {
    }
    return
  }
}

module attributes {stable_mosaic.version = 14 : i64} {
  func.func @body(%arg0: i32, %arg1: memref<1000x128xf32, #tpu.memory_space<vmem>>, %arg2: memref<1000x128xf32, #tpu.memory_space<vmem>>, %arg3: memref<1000x128xf32, #tpu.memory_space<vmem>>, %arg4: memref<128x128xf32, #tpu.memory_space<vmem>>, %arg5: memref<1000x1xf32, #tpu.memory_space<vmem>>, %arg6: memref<1000x128xf32, #tpu.memory_space<vmem>>) attributes {dimension_semantics = [#tpu.dimension_semantics<arbitrary>], iteration_bounds = array<i64: 10>, scalar_prefetch = 0 : i64, scratch_operands = 0 : i64, tpu.core_type = #tpu.core_type<tc>, window_params = [{transform_indices = @transform_0, window_bounds = array<i64: 1000, 128>}, {transform_indices = @transform_1, window_bounds = array<i64: 1000, 128>}, {transform_indices = @transform_2, window_bounds = array<i64: 1000, 128>}, {pipeline_mode = #tpu.pipeline_mode<synchronous>, transform_indices = @transform_3, window_bounds = array<i64: 128, 128>}, {transform_indices = @transform_4, window_bounds = array<i64: 1000, 1>}, {transform_indices = @transform_5, window_bounds = array<i64: 1000, 128>}]} {
    %get3A = arith.constant 0 : index
    %get3A_0 = arith.constant 0 : index
    %get3A_1 = vector.load %arg1[%get3A, %get3A_0] : memref<1000x128xf32, #tpu.memory_space<vmem>>, vector<1000x1xf32>
    %get3A_2 = arith.constant 0 : index
    %get3A_3 = arith.constant 0 : index
    %get3A_4 = vector.load %arg2[%get3A_2, %get3A_3] : memref<1000x128xf32, #tpu.memory_space<vmem>>, vector<1000x1xf32>
    %add3A = arith.addf %get3A_1, %get3A_4 : vector<1000x1xf32>
    %add3A_5 = arith.constant 1.000000e+00 : f32
    %add3A_6 = vector.broadcast %add3A_5 : f32 to vector<1000x1xf32>
    %add3A_7 = arith.addf %add3A, %add3A_6 : vector<1000x1xf32>
    %rsqrt3A = math.rsqrt %add3A_7 : vector<1000x1xf32>
    %swap3A = arith.constant 0 : index
    %swap3A_8 = arith.constant 0 : index
    %swap3A_9 = vector.load %arg5[%swap3A, %swap3A_8] : memref<1000x1xf32, #tpu.memory_space<vmem>>, vector<1000x1xf32>
    tpu.vector_store %arg5[%swap3A, %swap3A_8], %rsqrt3A {strides = array<i32>} : memref<1000x1xf32, #tpu.memory_space<vmem>>, vector<1000x1xf32>,
    %get3A_10 = arith.constant 0 : index
    %get3A_11 = arith.constant 0 : index
    %get3A_12 = vector.load %arg3[%get3A_10, %get3A_11] : memref<1000x128xf32, #tpu.memory_space<vmem>>, vector<1000x128xf32>
    %get3A_13 = arith.constant 0 : index
    %get3A_14 = arith.constant 0 : index
    %get3A_15 = vector.load %arg4[%get3A_13, %get3A_14] : memref<128x128xf32, #tpu.memory_space<vmem>>, vector<128x128xf32>
    %dot_general3A = arith.constant dense<0.000000e+00> : vector<1000x128xf32>
    %dot_general3A_16 = tpu.matmul %get3A_12, %get3A_15, %dot_general3A {dimension_numbers = #tpu.dot_dimension_numbers<[1], [0], [0], [1], [0, 0, 1, 1], [], []>, transpose_lhs_hint = false} : vector<1000x128xf32>, vector<128x128xf32>, vector<1000x128xf32> -> vector<1000x128xf32>
    %mul3A = vector.broadcast %rsqrt3A : vector<1000x1xf32> to vector<1000x128xf32>
    %mul3A_17 = arith.mulf %mul3A, %dot_general3A_16 : vector<1000x128xf32>
    %swap3A_18 = arith.constant 0 : index
    %swap3A_19 = arith.constant 0 : index
    %swap3A_20 = vector.load %arg6[%swap3A_18, %swap3A_19] : memref<1000x128xf32, #tpu.memory_space<vmem>>, vector<1000x128xf32>
    tpu.vector_store %arg6[%swap3A_18, %swap3A_19], %mul3A_17 {strides = array<i32>} : memref<1000x128xf32, #tpu.memory_space<vmem>>, vector<1000x128xf32>,
    return
  }
  func.func @transform_0(%arg0: i32) -> (i32, i32) {
    %c0_i32 = arith.constant 0 : i32
    %c0_i32_0 = arith.constant 0 : i32
    return %arg0, %c0_i32 : i32, i32
  }
  func.func @transform_1(%arg0: i32) -> (i32, i32) {
    %c0_i32 = arith.constant 0 : i32
    %c0_i32_0 = arith.constant 0 : i32
    return %arg0, %c0_i32 : i32, i32
  }
  func.func @transform_2(%arg0: i32) -> (i32, i32) {
    %c0_i32 = arith.constant 0 : i32
    %c0_i32_0 = arith.constant 0 : i32
    return %arg0, %c0_i32 : i32, i32
  }
  func.func @transform_3(%arg0: i32) -> (i32, i32) {
    %c0_i32 = arith.constant 0 : i32
    %c0_i32_0 = arith.constant 0 : i32
    %c0_i32_1 = arith.constant 0 : i32
    return %c0_i32, %c0_i32_0 : i32, i32
  }
  func.func @transform_4(%arg0: i32) -> (i32, i32) {
    %c0_i32 = arith.constant 0 : i32
    %c0_i32_0 = arith.constant 0 : i32
    return %arg0, %c0_i32 : i32, i32
  }
  func.func @transform_5(%arg0: i32) -> (i32, i32) {
    %c0_i32 = arith.constant 0 : i32
    %c0_i32_0 = arith.constant 0 : i32
    return %arg0, %c0_i32 : i32, i32
  }
}

module attributes {stable_mosaic.version = 14 : i64} {
  func.func @body(%arg0: i32, %arg1: memref<1000x128xf32, #tpu.memory_space<vmem>>, %arg2: memref<1000x128xf32, #tpu.memory_space<vmem>>, %arg3: memref<1000x1xf32, #tpu.memory_space<vmem>>, %arg4: memref<1x128xf32, #tpu.memory_space<vmem>>, %arg5: memref<128x128xf32, #tpu.memory_space<vmem>>, %arg6: memref<1000x128xf32, #tpu.memory_space<vmem>>) attributes {dimension_semantics = [#tpu.dimension_semantics<arbitrary>], iteration_bounds = array<i64: 10>, scalar_prefetch = 0 : i64, scratch_operands = 0 : i64, tpu.core_type = #tpu.core_type<tc>, window_params = [{transform_indices = @transform_0, window_bounds = array<i64: 1000, 128>}, {transform_indices = @transform_1, window_bounds = array<i64: 1000, 128>}, {transform_indices = @transform_2, window_bounds = array<i64: 1000, 1>}, {pipeline_mode = #tpu.pipeline_mode<synchronous>, transform_indices = @transform_3, window_bounds = array<i64: 1, 128>}, {pipeline_mode = #tpu.pipeline_mode<synchronous>, transform_indices = @transform_4, window_bounds = array<i64: 128, 128>}, {transform_indices = @transform_5, window_bounds = array<i64: 1000, 128>}]} {
    %get3A = arith.constant 0 : index
    %get3A_0 = arith.constant 0 : index
    %get3A_1 = vector.load %arg3[%get3A, %get3A_0] : memref<1000x1xf32, #tpu.memory_space<vmem>>, vector<1000x1xf32>
    %get3A_2 = arith.constant 0 : index
    %get3A_3 = arith.constant 0 : index
    %get3A_4 = vector.load %arg1[%get3A_2, %get3A_3] : memref<1000x128xf32, #tpu.memory_space<vmem>>, vector<1000x128xf32>
    %get3A_5 = arith.constant 0 : index
    %get3A_6 = arith.constant 0 : index
    %get3A_7 = vector.load %arg2[%get3A_5, %get3A_6] : memref<1000x128xf32, #tpu.memory_space<vmem>>, vector<1000x128xf32>
    %add3A = arith.addf %get3A_4, %get3A_7 : vector<1000x128xf32>
    %mul3A = vector.broadcast %get3A_1 : vector<1000x1xf32> to vector<1000x128xf32>
    %mul3A_8 = arith.mulf %mul3A, %add3A : vector<1000x128xf32>
    %get3A_9 = arith.constant 0 : index
    %get3A_10 = arith.constant 0 : index
    %get3A_11 = vector.load %arg4[%get3A_9, %get3A_10] : memref<1x128xf32, #tpu.memory_space<vmem>>, vector<1x128xf32>
    %add3A_12 = vector.broadcast %get3A_11 : vector<1x128xf32> to vector<1000x128xf32>
    %add3A_13 = arith.addf %mul3A_8, %add3A_12 : vector<1000x128xf32>
    %max3A = arith.constant 0.000000e+00 : f32
    %max3A_14 = vector.broadcast %max3A : f32 to vector<1000x128xf32>
    %max3A_15 = arith.maximumf %add3A_13, %max3A_14 : vector<1000x128xf32>
    %get3A_16 = arith.constant 0 : index
    %get3A_17 = arith.constant 0 : index
    %get3A_18 = vector.load %arg5[%get3A_16, %get3A_17] : memref<128x128xf32, #tpu.memory_space<vmem>>, vector<128x128xf32>
    %dot_general3A = arith.constant dense<0.000000e+00> : vector<1000x128xf32>
    %dot_general3A_19 = tpu.matmul %max3A_15, %get3A_18, %dot_general3A {dimension_numbers = #tpu.dot_dimension_numbers<[1], [0], [0], [1], [0, 0, 1, 1], [], []>, transpose_lhs_hint = false} : vector<1000x128xf32>, vector<128x128xf32>, vector<1000x128xf32> -> vector<1000x128xf32>
    %mul3A_20 = vector.broadcast %get3A_1 : vector<1000x1xf32> to vector<1000x128xf32>
    %mul3A_21 = arith.mulf %mul3A_20, %dot_general3A_19 : vector<1000x128xf32>
    %swap3A = arith.constant 0 : index
    %swap3A_22 = arith.constant 0 : index
    %swap3A_23 = vector.load %arg6[%swap3A, %swap3A_22] : memref<1000x128xf32, #tpu.memory_space<vmem>>, vector<1000x128xf32>
    tpu.vector_store %arg6[%swap3A, %swap3A_22], %mul3A_21 {strides = array<i32>} : memref<1000x128xf32, #tpu.memory_space<vmem>>, vector<1000x128xf32>,
    return
  }
  func.func @transform_0(%arg0: i32) -> (i32, i32) {
    %c0_i32 = arith.constant 0 : i32
    %c0_i32_0 = arith.constant 0 : i32
    return %arg0, %c0_i32 : i32, i32
  }
  func.func @transform_1(%arg0: i32) -> (i32, i32) {
    %c0_i32 = arith.constant 0 : i32
    %c0_i32_0 = arith.constant 0 : i32
    return %arg0, %c0_i32 : i32, i32
  }
  func.func @transform_2(%arg0: i32) -> (i32, i32) {
    %c0_i32 = arith.constant 0 : i32
    %c0_i32_0 = arith.constant 0 : i32
    return %arg0, %c0_i32 : i32, i32
  }
  func.func @transform_3(%arg0: i32) -> (i32, i32) {
    %c0_i32 = arith.constant 0 : i32
    %c0_i32_0 = arith.constant 0 : i32
    %c0_i32_1 = arith.constant 0 : i32
    return %c0_i32, %c0_i32_0 : i32, i32
  }
  func.func @transform_4(%arg0: i32) -> (i32, i32) {
    %c0_i32 = arith.constant 0 : i32
    %c0_i32_0 = arith.constant 0 : i32
    %c0_i32_1 = arith.constant 0 : i32
    return %c0_i32, %c0_i32_0 : i32, i32
  }
  func.func @transform_5(%arg0: i32) -> (i32, i32) {
    %c0_i32 = arith.constant 0 : i32
    %c0_i32_0 = arith.constant 0 : i32
    return %arg0, %c0_i32 : i32, i32
  }
}

module attributes {stable_mosaic.version = 14 : i64} {
  func.func @body(%arg0: i32, %arg1: memref<1000x128xf32, #tpu.memory_space<vmem>>, %arg2: memref<1000x128xf32, #tpu.memory_space<vmem>>, %arg3: memref<1000x1xf32, #tpu.memory_space<vmem>>, %arg4: memref<1x128xf32, #tpu.memory_space<vmem>>, %arg5: memref<1000x1xi32, #tpu.memory_space<vmem>>, %arg6: memref<128x2048xf32, #tpu.memory_space<vmem>>, %arg7: memref<1x2048xf32, #tpu.memory_space<vmem>>, %arg8: memref<64x2048xf32, #tpu.memory_space<vmem>>, %arg9: memref<64x128xf32, #tpu.memory_space<vmem>>, %arg10: memref<64x128xf32, #tpu.memory_space<vmem>>) attributes {dimension_semantics = [#tpu.dimension_semantics<arbitrary>], iteration_bounds = array<i64: 10>, scalar_prefetch = 0 : i64, scratch_operands = 2 : i64, tpu.core_type = #tpu.core_type<tc>, window_params = [{transform_indices = @transform_0, window_bounds = array<i64: 1000, 128>}, {transform_indices = @transform_1, window_bounds = array<i64: 1000, 128>}, {transform_indices = @transform_2, window_bounds = array<i64: 1000, 1>}, {pipeline_mode = #tpu.pipeline_mode<synchronous>, transform_indices = @transform_3, window_bounds = array<i64: 1, 128>}, {transform_indices = @transform_4, window_bounds = array<i64: 1000, 1>}, {pipeline_mode = #tpu.pipeline_mode<synchronous>, transform_indices = @transform_5, window_bounds = array<i64: 128, 2048>}, {pipeline_mode = #tpu.pipeline_mode<synchronous>, transform_indices = @transform_6, window_bounds = array<i64: 1, 2048>}, {pipeline_mode = #tpu.pipeline_mode<synchronous>, transform_indices = @transform_7, window_bounds = array<i64: 64, 2048>}]} {
    %get3A = arith.constant 0 : index
    %get3A_0 = arith.constant 0 : index
    %get3A_1 = vector.load %arg3[%get3A, %get3A_0] : memref<1000x1xf32, #tpu.memory_space<vmem>>, vector<1000x1xf32>
    %get3A_2 = arith.constant 0 : index
    %get3A_3 = arith.constant 0 : index
    %get3A_4 = vector.load %arg1[%get3A_2, %get3A_3] : memref<1000x128xf32, #tpu.memory_space<vmem>>, vector<1000x128xf32>
    %get3A_5 = arith.constant 0 : index
    %get3A_6 = arith.constant 0 : index
    %get3A_7 = vector.load %arg2[%get3A_5, %get3A_6] : memref<1000x128xf32, #tpu.memory_space<vmem>>, vector<1000x128xf32>
    %add3A = arith.addf %get3A_4, %get3A_7 : vector<1000x128xf32>
    %mul3A = vector.broadcast %get3A_1 : vector<1000x1xf32> to vector<1000x128xf32>
    %mul3A_8 = arith.mulf %mul3A, %add3A : vector<1000x128xf32>
    %get3A_9 = arith.constant 0 : index
    %get3A_10 = arith.constant 0 : index
    %get3A_11 = vector.load %arg4[%get3A_9, %get3A_10] : memref<1x128xf32, #tpu.memory_space<vmem>>, vector<1x128xf32>
    %add3A_12 = vector.broadcast %get3A_11 : vector<1x128xf32> to vector<1000x128xf32>
    %add3A_13 = arith.addf %mul3A_8, %add3A_12 : vector<1000x128xf32>
    %max3A = arith.constant 0.000000e+00 : f32
    %max3A_14 = vector.broadcast %max3A : f32 to vector<1000x128xf32>
    %max3A_15 = arith.maximumf %add3A_13, %max3A_14 : vector<1000x128xf32>
    %iota3A = tpu.iota {dimensions = array<i32: 1>} : vector<1000x64xi32>
    %get3A_16 = arith.constant 0 : index
    %get3A_17 = arith.constant 0 : index
    %get3A_18 = vector.load %arg5[%get3A_16, %get3A_17] : memref<1000x1xi32, #tpu.memory_space<vmem>>, vector<1000x1xi32>
    %eq3A = vector.broadcast %get3A_18 : vector<1000x1xi32> to vector<1000x64xi32>
    %eq3A_19 = arith.cmpi eq, %eq3A, %iota3A : vector<1000x64xi32>
    %jit3A = arith.constant 1.000000e+00 : f32
    %jit3A_20 = arith.constant 0.000000e+00 : f32
    %broadcast_in_dim3A = vector.broadcast %jit3A : f32 to vector<1000x64xf32>
    %broadcast_in_dim3A_21 = vector.broadcast %jit3A_20 : f32 to vector<1000x64xf32>
    %select_n3A = arith.select %eq3A_19, %broadcast_in_dim3A, %broadcast_in_dim3A_21 : vector<1000x64xi1>, vector<1000x64xf32>
    %dot_general3A = arith.constant dense<0.000000e+00> : vector<64x128xf32>
    %dot_general3A_22 = tpu.matmul %select_n3A, %max3A_15, %dot_general3A {dimension_numbers = #tpu.dot_dimension_numbers<[0], [0], [1], [1], [0, 1, 1, 1], [], []>, transpose_lhs_hint = false} : vector<1000x64xf32>, vector<1000x128xf32>, vector<64x128xf32> -> vector<64x128xf32>
    %broadcast_in_dim3A_23 = arith.constant 1.000000e+00 : f32
    %broadcast_in_dim3A_24 = vector.broadcast %broadcast_in_dim3A_23 : f32 to vector<1000x128xf32>
    %dot_general3A_25 = arith.constant dense<0.000000e+00> : vector<64x128xf32>
    %dot_general3A_26 = tpu.matmul %select_n3A, %broadcast_in_dim3A_24, %dot_general3A_25 {dimension_numbers = #tpu.dot_dimension_numbers<[0], [0], [1], [1], [0, 1, 1, 1], [], []>, transpose_lhs_hint = false} : vector<1000x64xf32>, vector<1000x128xf32>, vector<64x128xf32> -> vector<64x128xf32>
    %eq3A_27 = arith.constant 0 : i32
    %eq3A_28 = arith.cmpi eq, %arg0, %eq3A_27 : i32
    %convert_element_type3A = arith.extui %eq3A_28 : i1 to i32
    %cond3A = arith.constant 0 : i32
    %cond3A_29 = arith.cmpi ne, %convert_element_type3A, %cond3A : i32
    scf.if %cond3A_29 {
      %swap3A = arith.constant 0 : index
      %swap3A_39 = arith.constant 0 : index
      %swap3A_40 = vector.load %arg9[%swap3A, %swap3A_39] : memref<64x128xf32, #tpu.memory_space<vmem>>, vector<64x128xf32>
      tpu.vector_store %arg9[%swap3A, %swap3A_39], %dot_general3A_22 {strides = array<i32>} : memref<64x128xf32, #tpu.memory_space<vmem>>, vector<64x128xf32>,
      %swap3A_41 = arith.constant 0 : index
      %swap3A_42 = arith.constant 0 : index
      %swap3A_43 = vector.load %arg10[%swap3A_41, %swap3A_42] : memref<64x128xf32, #tpu.memory_space<vmem>>, vector<64x128xf32>
      tpu.vector_store %arg10[%swap3A_41, %swap3A_42], %dot_general3A_26 {strides = array<i32>} : memref<64x128xf32, #tpu.memory_space<vmem>>, vector<64x128xf32>,
    } else {
    }
    %gt3A = arith.constant 0 : i32
    %gt3A_30 = arith.cmpi sgt, %arg0, %gt3A : i32
    %convert_element_type3A_31 = arith.extui %gt3A_30 : i1 to i32
    %cond3A_32 = arith.constant 0 : i32
    %cond3A_33 = arith.cmpi ne, %convert_element_type3A_31, %cond3A_32 : i32
    scf.if %cond3A_33 {
      %get3A_39 = arith.constant 0 : index
      %get3A_40 = arith.constant 0 : index
      %get3A_41 = vector.load %arg9[%get3A_39, %get3A_40] : memref<64x128xf32, #tpu.memory_space<vmem>>, vector<64x128xf32>
      %add3A_42 = arith.addf %get3A_41, %dot_general3A_22 : vector<64x128xf32>
      %swap3A = arith.constant 0 : index
      %swap3A_43 = arith.constant 0 : index
      %swap3A_44 = vector.load %arg9[%swap3A, %swap3A_43] : memref<64x128xf32, #tpu.memory_space<vmem>>, vector<64x128xf32>
      tpu.vector_store %arg9[%swap3A, %swap3A_43], %add3A_42 {strides = array<i32>} : memref<64x128xf32, #tpu.memory_space<vmem>>, vector<64x128xf32>,
      %get3A_45 = arith.constant 0 : index
      %get3A_46 = arith.constant 0 : index
      %get3A_47 = vector.load %arg10[%get3A_45, %get3A_46] : memref<64x128xf32, #tpu.memory_space<vmem>>, vector<64x128xf32>
      %add3A_48 = arith.addf %get3A_47, %dot_general3A_26 : vector<64x128xf32>
      %swap3A_49 = arith.constant 0 : index
      %swap3A_50 = arith.constant 0 : index
      %swap3A_51 = vector.load %arg10[%swap3A_49, %swap3A_50] : memref<64x128xf32, #tpu.memory_space<vmem>>, vector<64x128xf32>
      tpu.vector_store %arg10[%swap3A_49, %swap3A_50], %add3A_48 {strides = array<i32>} : memref<64x128xf32, #tpu.memory_space<vmem>>, vector<64x128xf32>,
    } else {
    }
    %eq3A_34 = arith.constant 9 : i32
    %eq3A_35 = arith.cmpi eq, %arg0, %eq3A_34 : i32
    %convert_element_type3A_36 = arith.extui %eq3A_35 : i1 to i32
    %cond3A_37 = arith.constant 0 : i32
    %cond3A_38 = arith.cmpi ne, %convert_element_type3A_36, %cond3A_37 : i32
    scf.if %cond3A_38 {
      %get3A_39 = arith.constant 0 : index
      %get3A_40 = arith.constant 0 : index
      %get3A_41 = vector.load %arg9[%get3A_39, %get3A_40] : memref<64x128xf32, #tpu.memory_space<vmem>>, vector<64x128xf32>
      %get3A_42 = arith.constant 0 : index
      %get3A_43 = arith.constant 0 : index
      %get3A_44 = vector.load %arg10[%get3A_42, %get3A_43] : memref<64x128xf32, #tpu.memory_space<vmem>>, vector<64x128xf32>
      %max3A_45 = arith.constant 1.000000e+00 : f32
      %max3A_46 = vector.broadcast %max3A_45 : f32 to vector<64x128xf32>
      %max3A_47 = arith.maximumf %get3A_44, %max3A_46 : vector<64x128xf32>
      %div3A = arith.divf %get3A_41, %max3A_47 : vector<64x128xf32>
      %get3A_48 = arith.constant 0 : index
      %get3A_49 = arith.constant 0 : index
      %get3A_50 = vector.load %arg6[%get3A_48, %get3A_49] : memref<128x2048xf32, #tpu.memory_space<vmem>>, vector<128x2048xf32>
      %dot_general3A_51 = arith.constant dense<0.000000e+00> : vector<64x2048xf32>
      %dot_general3A_52 = tpu.matmul %div3A, %get3A_50, %dot_general3A_51 {dimension_numbers = #tpu.dot_dimension_numbers<[1], [0], [0], [1], [0, 0, 1, 1], [], []>, transpose_lhs_hint = false} : vector<64x128xf32>, vector<128x2048xf32>, vector<64x2048xf32> -> vector<64x2048xf32>
      %get3A_53 = arith.constant 0 : index
      %get3A_54 = arith.constant 0 : index
      %get3A_55 = vector.load %arg7[%get3A_53, %get3A_54] : memref<1x2048xf32, #tpu.memory_space<vmem>>, vector<1x2048xf32>
      %add3A_56 = vector.broadcast %get3A_55 : vector<1x2048xf32> to vector<64x2048xf32>
      %add3A_57 = arith.addf %dot_general3A_52, %add3A_56 : vector<64x2048xf32>
      %swap3A = arith.constant 0 : index
      %swap3A_58 = arith.constant 0 : index
      %swap3A_59 = vector.load %arg8[%swap3A, %swap3A_58] : memref<64x2048xf32, #tpu.memory_space<vmem>>, vector<64x2048xf32>
      tpu.vector_store %arg8[%swap3A, %swap3A_58], %add3A_57 {strides = array<i32>} : memref<64x2048xf32, #tpu.memory_space<vmem>>, vector<64x2048xf32>,
    } else {
    }
    return
  }
  func.func @transform_0(%arg0: i32) -> (i32, i32) {
    %c0_i32 = arith.constant 0 : i32
    %c0_i32_0 = arith.constant 0 : i32
    return %arg0, %c0_i32 : i32, i32
  }
  func.func @transform_1(%arg0: i32) -> (i32, i32) {
    %c0_i32 = arith.constant 0 : i32
    %c0_i32_0 = arith.constant 0 : i32
    return %arg0, %c0_i32 : i32, i32
  }
  func.func @transform_2(%arg0: i32) -> (i32, i32) {
    %c0_i32 = arith.constant 0 : i32
    %c0_i32_0 = arith.constant 0 : i32
    return %arg0, %c0_i32 : i32, i32
  }
  func.func @transform_3(%arg0: i32) -> (i32, i32) {
    %c0_i32 = arith.constant 0 : i32
    %c0_i32_0 = arith.constant 0 : i32
    %c0_i32_1 = arith.constant 0 : i32
    return %c0_i32, %c0_i32_0 : i32, i32
  }
  func.func @transform_4(%arg0: i32) -> (i32, i32) {
    %c0_i32 = arith.constant 0 : i32
    %c0_i32_0 = arith.constant 0 : i32
    return %arg0, %c0_i32 : i32, i32
  }
  func.func @transform_5(%arg0: i32) -> (i32, i32) {
    %c0_i32 = arith.constant 0 : i32
    %c0_i32_0 = arith.constant 0 : i32
    %c0_i32_1 = arith.constant 0 : i32
    return %c0_i32, %c0_i32_0 : i32, i32
  }
  func.func @transform_6(%arg0: i32) -> (i32, i32) {
    %c0_i32 = arith.constant 0 : i32
    %c0_i32_0 = arith.constant 0 : i32
    %c0_i32_1 = arith.constant 0 : i32
    return %c0_i32, %c0_i32_0 : i32, i32
  }
  func.func @transform_7(%arg0: i32) -> (i32, i32) {
    %c0_i32 = arith.constant 0 : i32
    %c0_i32_0 = arith.constant 0 : i32
    %c0_i32_1 = arith.constant 0 : i32
    return %c0_i32, %c0_i32_0 : i32, i32
  }
}

</mosaic_0001>

<sc_bundles>
// kernel: kernel.10.cloned.1.call-start
scs
__scs_entry_jumppad:
0x0: {  	(pc) =	sbr.rel $0x88, $3  }
0x1: {  	(tag) =	ssettag $0x0;
	lr =	simm.s32 $0x1  }
0x2: {  	[smem:$0x3F96] =	sst lr;
	_ =	strace $0xD0000000  }
0x3: {  	_ = 	snop  }
0x4: {  	_ = 	snop  }
0x5: {  	_ = 	snop  }
0x6: {  	_ = 	snop  }
0x7: {  	_ = 	snop  }
__scs_overlays_trampoline_lowered:
0x8: {  	[smem:$0x3FA5] =	sst s0  }
0x9: {  	[smem:$0x3FA6] =	sst s1  }
0xa: {  	[smem:$0x3FA7] =	sst s2  }
0xb: {  	[smem:$0x3FA8] =	sst s3  }
0xc: {  	[smem:$0x3FA9] =	sst s4  }
0xd: {  	[smem:$0x3FAA] =	sst s5  }
0xe: {  	[smem:$0x3FAB] =	sst s6  }
0xf: {  	[smem:$0x3FAC] =	sst s7  }
0x10: {  	[smem:$0x3FAD] =	sst s8  }
0x11: {  	[smem:$0x3FAE] =	sst s9;
	s0 =	simm.s32 @!p0 $0x0  }
0x12: {  	s1 =	sld [smem:$0x3F94];
	s0 =	simm.s32 @p0 $0x1  }
0x13: {  	[smem:$0x3FAF] =	sst s0;
	s0 =	simm.s32 @!p1 $0x0  }
0x14: {  	s2 =	sld [smem:$0x3F93];
	s0 =	simm.s32 @p1 $0x1  }
0x15: {  	[smem:$0x3FB0] =	sst s0;
	s0 =	simm.s32 @!p2 $0x0  }
0x16: {  	s3 =	sld [smem:$0x3FDB];
	s0 =	simm.s32 @p2 $0x1  }
0x17: {  	s4 =	simm.s32 $0x1BF5;
	[smem:$0x3FB2] =	sst s0  }
0x18: {  	s0 =	sld [smem:$0x3F95];
	_ =	swait.ge [sflag:s4], $0x0  }
0x19: {  	s7 =	sld [smem:$0x3F96]  }
0x1a: {  	s8 =	sadd.s32 $0xFFFFE003, lr  }
0x1b: {  	s9 =	sadd.s32 $0xFFFFFEF7, lr;
	s5 =	simm.s32 $0xFFFFFFFF;
	p2 =	slt.u32 s8, $0xFFFFF086  }
0x1c: {  	p1 =	slt.u32 s9, $0xF7A;
	s5 =	simm.s32 @!p2 $0x0  }
0x1d: {  	s5 =	simm.s32 @p1 $0x1;
	p0 =	seq.s32 s7, s2  }
0x1e: {  	s7 =	smul.u32 @!p0 $0xF7A, s2;
	p2 =	seq.s32 @!p0 s5, $0x0  }
0x1f: {  	s9 =	smul.u32 $0xF7A, s1;
	s8 =	simm.s32 @!p0 $0x1BF5;
	p2 =	por !p2, p0  }
0x20: {  	[sflag:s8] =	ssyncset.s32 @!p0 $0xFFFFF086;
	s6 =	sadd.s32 @!p0 s3, s7;
	s7 =	simm.s32 @!p0 $0x108  }
0x21: {  	s3 =	sadd.s32 s3, s9;
	s6 =	sadd.s32 @!p0 $0x88, s6;
	s7 =	simm.s32 @p2 $0x1082  }
0x22: {  	[simem:s7], [sflag:s8] =	dma.local @!p0 [hbm:s6], $0xF7A  }
0x23: {  	s9 =	sor.u32 $0xD0000000, s2;
	s6 =	simm.s32 $0x108;
	_ =	swait.ge @!p0 [sflag:s8], $0x0  }
0x24: {  	s3 =	sadd.s32 $0x88, s3;
	s6 =	simm.s32 @!p1 $0x1082;
	[sflag:s4] =	ssyncset.s32 $0xFFFFF086  }
0x25: {  	[simem:s6], [sflag:s4] =	dma.local [hbm:s3], $0xF7A  }
0x26: {  	[smem:$0x3F96] =	sst s1;
	(tag) =	ssettag s2;
	_ =	strace s9  }
0x27: {  	s1 =	sld [smem:$0x3FA6]  }
0x28: {  	s2 =	sld [smem:$0x3FA7]  }
0x29: {  	s4 =	sld [smem:$0x3FA9]  }
0x2a: {  	p0 =	seq.s32 s5, $0x0;
	s5 =	sld [smem:$0x3FAA]  }
0x2b: {  	s6 =	sld [smem:$0x3FAB]  }
0x2c: {  	s7 =	sld [smem:$0x3FAC]  }
0x2d: {  	s3 =	simm.s32 $0x108;
	s8 =	sld [smem:$0x3FAD]  }
0x2e: {  	s3 =	simm.s32 @!p0 $0x1082;
	s9 =	sld [smem:$0x3FAE]  }
0x2f: {  	lr =	sadd.s32 s0, s3;
	s0 =	sld [smem:$0x3FA5]  }
0x30: {  	s3 =	sld [smem:$0x3FA8]  }
0x31: {  	[smem:$0x3FB1] =	sst s10  }
0x32: {  	s10 =	sld [smem:$0x3FAF];
	_ =	sdelay $0x3  }
0x33: {  	p0 =	seq.s32 s10, $0x1;
	s10 =	sld [smem:$0x3FB1];
	_ =	sdelay $0x3  }
0x34: {  	[smem:$0x3FB1] =	sst s10  }
0x35: {  	s10 =	sld [smem:$0x3FB0];
	_ =	sdelay $0x3  }
0x36: {  	p1 =	seq.s32 s10, $0x1;
	s10 =	sld [smem:$0x3FB1];
	_ =	sdelay $0x3  }
0x37: {  	[smem:$0x3FB1] =	sst s10  }
0x38: {  	s10 =	sld [smem:$0x3FB2]  }
0x39: {  	_ = 	snop;
	(pc) =	sbr.ind lr, $3  }
0x3a: {  	_ = 	snop  }
0x3b: {  	_ = 	snop  }
0x3c: {  	p2 =	seq.s32 s10, $0x1;
	s10 =	sld [smem:$0x3FB1]  }
0x3d: {  	_ =	shalt  }
0x3e: {  	_ =	shalt  }
0x3f: {  	_ =	shalt  }
0x40: {  	_ =	shalt  }
0x41: {  	_ =	shalt  }
0x42: {  	_ =	shalt  }
0x43: {  	_ =	shalt  }
0x44: {  	_ =	shalt  }
0x45: {  	_ =	shalt  }
0x46: {  	_ =	shalt  }
0x47: {  	_ =	shalt  }
0x48: {  	_ =	shalt  }
0x49: {  	_ =	shalt  }
0x4a: {  	_ =	shalt  }
0x4b: {  	_ =	shalt  }
0x4c: {  	_ =	shalt  }
0x4d: {  	_ =	shalt  }
0x4e: {  	_ =	shalt  }
0x4f: {  	_ =	shalt  }
0x50: {  	_ =	shalt  }
0x51: {  	_ =	shalt  }
0x52: {  	_ =	shalt  }
0x53: {  	_ =	shalt  }
0x54: {  	_ =	shalt  }
0x55: {  	_ =	shalt  }
0x56: {  	_ =	shalt  }
0x57: {  	_ =	shalt  }
0x58: {  	_ =	shalt  }
0x59: {  	_ =	shalt  }
0x5a: {  	_ =	shalt  }
0x5b: {  	_ =	shalt  }
0x5c: {  	_ =	shalt  }
0x5d: {  	_ =	shalt  }
0x5e: {  	_ =	shalt  }
0x5f: {  	_ =	shalt  }
0x60: {  	_ =	shalt  }
0x61: {  	_ =	shalt  }
0x62: {  	_ =	shalt  }
0x63: {  	_ =	shalt  }
0x64: {  	_ =	shalt  }
0x65: {  	_ =	shalt  }
0x66: {  	_ =	shalt  }
0x67: {  	_ =	shalt  }
0x68: {  	_ =	shalt  }
0x69: {  	_ =	shalt  }
0x6a: {  	_ =	shalt  }
0x6b: {  	_ =	shalt  }
0x6c: {  	_ =	shalt  }
0x6d: {  	_ =	shalt  }
0x6e: {  	_ =	shalt  }
0x6f: {  	_ =	shalt  }
0x70: {  	_ =	shalt  }
0x71: {  	_ =	shalt  }
0x72: {  	_ =	shalt  }
0x73: {  	_ =	shalt  }
0x74: {  	_ =	shalt  }
0x75: {  	_ =	shalt  }
0x76: {  	_ =	shalt  }
0x77: {  	_ =	shalt  }
0x78: {  	_ =	shalt  }
0x79: {  	_ =	shalt  }
0x7a: {  	_ =	shalt  }
0x7b: {  	_ =	shalt  }
0x7c: {  	_ =	shalt  }
0x7d: {  	_ =	shalt  }
0x7e: {  	_ =	shalt  }
0x7f: {  	_ =	shalt  }
0x80: {  	_ =	shalt  }
0x81: {  	_ =	shalt  }
0x82: {  	_ =	shalt  }
0x83: {  	_ =	shalt  }
0x84: {  	_ =	shalt  }
0x85: {  	_ =	shalt  }
0x86: {  	_ =	shalt  }
0x87: {  	_ =	shalt  }
.Lfunc_end0:
.L_simem_size_0:
called_computation_lowered:
.L_overlay_start_0:
0x88: {  	s2 =	sld [smem:$0x3FD9]  }
0x89: {  	s3 =	sld [smem:$0x3FFE];
	_ =	sdelay $0x1  }
0x8a: {  	s1 =	srdreg.scid  }
0x8b: {  	s0 =	sand.u32 $0x1, s1  }
0x8c: {  	s16 =	sshll.u32 s0, $0xA;
	s2 =	sadd.s32 s3, s2  }
0x8d: {  	s2 =	sadd.s32 s2, s16  }
0x8e: {  	[smem:$0x3FBD] =	sst s2  }
0x8f: {  	_ = 	snop  }
0x90: {  	(tm) =	ssettm $0x1  }
0x91: {  	s17 =	sld [smem:$0x3FFB];
	_ =	sdelay $0x3  }
0x92: {  	_ =	strace s17  }
0x93: {  	s2 =	sld [smem:$0x3FFC];
	_ =	sdelay $0x3  }
0x94: {  	_ =	strace s2  }
0x95: {  	s2 =	sld [smem:$0x3FFD];
	_ =	sdelay $0x3  }
0x96: {  	_ =	strace s2  }
0x97: {  	_ =	strace $0x8FFFFFFF  }
0x98: {  	s18 =	sld [smem:$0x3FDB];
	_ =	sdelay $0x1  }
0x99: {  	s19 =	simm.s32 $_scs_section_size  }
0x9a: {  	s4 =	simm.s32 $_size__tile_overlayer_lowered;
	s5 =	simm.s32 $_tile_overlayer_lowered  }
0x9b: {  	s22 =	simm.s32 $0x1BFF;
	s21 =	sshll.u32 s5, $0x1;
	s2 =	sadd.s32 s19, s18  }
0x9c: {  	s6 =	simm.s32 $0x0;
	s20 =	sshll.u32 s4, $0x1;
	s4 =	sadd.s32 s21, s2  }
0x9d: {  	[timem:s6], [sflag:s22] =	dma.local [hbm:s4], s20  }
0x9e: {  	_ =	swait.ge [sflag:s22], s20  }
0x9f: {  	s3 =	ssub.s32 $0x0, s20;
	[sflag:s22] =	ssyncset.done $0x0  }
0xa0: {  	[sflag:s22] =	ssyncadd.s32 s3;
	_ =	sdelay $0x1  }
0xa1: {  	s23 =	simm.s32 $0x1B8B  }
0xa2: {  	_ =	swait.ge [sflag:s23], $0x1  }
0xa3: {  	[sflag:s23] =	ssyncset.done $0x0  }
0xa4: {  	s25 =	simm.s32 $0x1B8E;
	s24 =	sld [smem:$0x3FFE];
	[sflag:s23] =	ssyncadd.s32 $0xFFFFFFFF  }
0xa5: {  	s26 =	simm.s32 $execute0_lowered;
	[smem:$0x3FD2] =	sst s25  }
0xa6: {  	s4 =	sshll.u32 s26, $0x1;
	_ =	strace $0x80000046;
	[dreg:$0x1] =	wrdreg $0xFFFFFFFF  }
0xa7: {  	s28 =	simm.s32 $_size_execute0_lowered;
	s2 =	sadd.s32 s2, s4;
	[dreg:$0x0] =	wrdreg $0x0  }
0xa8: {  	s4 =	sshll.u32 s28, $0x1;
	[dreg:$0x2] =	wrdreg s2  }
0xa9: {  	[dreg:$0x3] =	wrdreg s4  }
0xaa: {  	[dreg:$0x4] =	wrdreg $0xC0  }
0xab: {  	_ =	task [dreg:s6], $0x5FFFF  }
0xac: {  	[dreg:$0x1] =	wrdreg $0xFFFFFFFF  }
0xad: {  	[dreg:$0x0] =	wrdreg $0x60  }
0xae: {  	[dreg:$0x2] =	wrdreg s24  }
0xaf: {  	[dreg:$0x3] =	wrdreg $0xA8000  }
0xb0: {  	[dreg:$0x4] =	wrdreg $0x9  }
0xb1: {  	_ =	task.clear_ibuf [dreg:s6], $0x5FFFF;
	_ =	strace $0x90000046  }
0xb2: {  	s29 =	simm.s32 $0x9;
	_ =	strace $0x80000048  }
0xb3: {  	_ =	swait.ge [sflag:s29], $0x1  }
0xb4: {  	[sflag:s29] =	ssyncadd.s32 $0xFFFFFFFF  }
0xb5: {  	_ =	strace $0x90000048  }
0xb6: {  	_ =	sfence  }
0xb7: {  	s30 =	sld [smem:$0x0];
	_ =	sdelay $0x2  }
0xb8: {  	s31 =	sshll.u32 s1, $0xD;
	s1 =	sshrl.u32 s1, $0x2  }
0xb9: {  	s3 =	sand.u32 $0x4000, s31;
	s1 =	sadd.s32 s1, s30  }
0xba: {  	s0 =	sor.u32 s3, s0;
	s1 =	sshll.u32 s1, $0x11  }
0xbb: {  	s0 =	sor.u32 s1, s0  }
0xbc: {  	s0 =	sadd.s32 $0x8F2B, s0  }
0xbd: {  	[sflag:s0] =	ssyncadd.remote.s32 $0x1  }
0xbe: {  	_ =	sfence.sel $0xFFFF  }
0xbf: {  	[dreg:$0x0] =	wrdreg $0xFFFFFFFF;
	(pc) =	sbr.abs _section_cstart, $3  }
0xc0: {  	[dreg:$0x1] =	wrdreg $0xFFFFFFFF  }
0xc1: {  	_ =	task.clear_ibuf [dreg:s6], $0x2FFFF;
	_ =	strace $0x9FFFFFFF  }
0xc2: {  	(tm) =	ssettm $0x7FFFFFFF  }
0xc3: {  	_ =	shalt  }
tec
execute0_lowered:
.L_overlay_start_1:
0x0: {  	(tag) =	ssettag $0x1  }
0x1: {  	s6 =	rddreg [dreg:$0x0]  }
0x2: {  	s2 =	rddreg [dreg:$0x1]  }
0x3: {  	s0 =	srdreg.scid;
	s1 =	rddreg [dreg:$0x2]  }
0x4: {  	s3 =	simm.s32 $0x0;
	s14 =	simm.s32 $0x6800;
	s4 =	sand.u32 $0x1, s0  }
0x5: {  	s15 =	simm.s32 $0x80;
	s0 =	stileid.u32;
	s5 =	smul.u32 $0x28000, s4  }
0x6: {  	s16 =	simm.s32 $0x2800;
	[smem:$0x7FF] =	sst s3;
	s7 =	smul.u32 $0x2800, s0  }
0x7: {  	s10 =	sadd.s32 $0xCA00, s6;
	s17 =	sadd.s32 $0x12C000, s2;
	s28 =	smul.u32 $0x50000, s0  }
0x8: {  	s20 =	simm.s32 $0x0;
	_ =	strace $0x80000047;
	s8 =	smul.u32 $0x138800, s4  }
0x9: {  	s29 =	ssub.s32 $0x2, s4;
	s11 =	smul.u32 $0x14000, s0;
	p0 =	seq.s32 s0, $0xF  }
0xa: {  	s9 =	sshrl.u32 s29, $0x1;
	s17 =	sshrl.u32 @p0 s17, $0x3;
	s18 =	sshll.u32 @!p0 s0, $0x6  }
0xb: {  	s5 =	sadd.s32 s7, s5;
	s7 =	sshrl.u32 s28, $0x2;
	s12 =	ssub.s32 s29, s9  }
0xc: {  	s30 =	sadd.s32 s11, s8;
	s31 =	sshrl.u32 s8, $0x3;
	s18 =	sor.u32 @!p0 $0x1C01, s18  }
0xd: {  	s5 =	sshrl.u32 s5, $0x3;
	s4 =	sadd.s32 s7, s2;
	s13 =	sshrl.u32 s30, $0x3  }
0xe: {  	s11 =	sadd.s32 s10, s31;
	s12 =	smax.u32 s12, $0x1;
	s5 =	sadd.s32 s5, s6  }
0xf: {  	s6 =	sadd.s32 $0x4000, s4;
	s7 =	sadd.s32 $0x8000, s4;
	s8 =	sadd.s32 $0xC000, s4  }
0x10: {  	vm0 =	vcmask $0x300;
	v0 =	vimm.f32 $0.0e+00;
	s9 =	sadd.s32 $0x10000, s4;
	s10 =	sadd.s32 s10, s13;
	s11 =	sadd.s32 $0x25800, s11  }
0x11: {  	v1 =	vsel vm0, $0x3F800000, v0;
	s13 =	simm.s32 $0x1;
	s19 =	sshrl.u32 @!p0 s4, $0x3;
	s5 =	sadd.s32 $0x2A00, s5  }
.LBB2_1:
0x12: {  	[tilespmem:s3], [sflag:$0x1] =	stream.linear.gather [hbm4b:s5+s3], $0x2800, $0x38;
	[tilespmem:$0x1E800] =	vst v63  }
0x13: {  	_ =	swait.ge [sflag:s13], $0x2800  }
0x14: {  	[sflag:s13] =	ssyncset.done $0x0  }
0x15: {  	s21 =	simm.s32 $0x0;
	s22 =	simm.s32 $0x200;
	[sflag:s13] =	ssyncadd.s32 $0xFFFFD800  }
.LBB2_2:
0x16: {  	p1 =	sne.s32 s22, $0xFE00;
	[tilespmem:s21+$0x6870] =	vst v0  }
0x17: {  	[tilespmem:s21+$0x2800] =	vst v1  }
0x18: {  	[tilespmem:s21+$0x6800] =	vst v0  }
0x19: {  	[tilespmem:s21+$0x2810] =	vst v0  }
0x1a: {  	[tilespmem:s21+$0x6810] =	vst v0  }
0x1b: {  	[tilespmem:s21+$0x2820] =	vst v0  }
0x1c: {  	[tilespmem:s21+$0x6820] =	vst v0  }
0x1d: {  	[tilespmem:s21+$0x2830] =	vst v0  }
0x1e: {  	[tilespmem:s21+$0x6830] =	vst v0  }
0x1f: {  	[tilespmem:s21+$0x2840] =	vst v0  }
0x20: {  	[tilespmem:s21+$0x6840] =	vst v0  }
.Ltmp0:
0x21: {  	[tilespmem:s21+$0x2850] =	vst v0;
	(pc) =	sbr.rel @p1 .LBB2_2-.Ltmp0, $4  }
0x22: {  	[tilespmem:s21+$0x6850] =	vst v0  }
0x23: {  	[tilespmem:s21+$0x2860] =	vst v0  }
0x24: {  	[tilespmem:s21+$0x6860] =	vst v0  }
0x25: {  	[tilespmem:s21+$0x2870] =	vst v0;
	s21 =	sshra.s32 s22, $0x2;
	s22 =	sadd.s32 $0x200, s22  }
0x26: {  	[tilespmem:s21+$0x6870] =	vst v0  }
0x27: {  	[tilespmem:s21+$0x2800] =	vst v1  }
0x28: {  	[tilespmem:s21+$0x6800] =	vst v0  }
0x29: {  	[tilespmem:s21+$0x2810] =	vst v0  }
0x2a: {  	[tilespmem:s21+$0x6810] =	vst v0  }
0x2b: {  	[tilespmem:s21+$0x2820] =	vst v0  }
0x2c: {  	[tilespmem:s21+$0x6820] =	vst v0  }
0x2d: {  	[tilespmem:s21+$0x2830] =	vst v0  }
0x2e: {  	[tilespmem:s21+$0x6830] =	vst v0  }
0x2f: {  	[tilespmem:s21+$0x2840] =	vst v0  }
0x30: {  	[tilespmem:s21+$0x6840] =	vst v0  }
0x31: {  	[tilespmem:s21+$0x2850] =	vst v0  }
0x32: {  	[tilespmem:s21+$0x6850] =	vst v0  }
0x33: {  	[tilespmem:s21+$0x2860] =	vst v0  }
0x34: {  	[tilespmem:s21+$0x6860] =	vst v0  }
0x35: {  	[tilespmem:s21+$0x2870] =	vst v0  }
0x36: {  	[spmem:s4] =	stream.linear.scatter [tilespmem:s14], [sflag:$0x1], $0x4000, $0x38;
	[tilespmem:$0x1E800] =	vst v63  }
0x37: {  	_ =	swait.ge [sflag:s13], $0x4000  }
0x38: {  	[sflag:s13] =	ssyncset.done $0x0  }
0x39: {  	[sflag:s13] =	ssyncadd.s32 $0xFFFFC000  }
0x3a: {  	[spmem:s6] =	stream.linear.scatter [tilespmem:s14], [sflag:$0x1], $0x4000, $0x38;
	[tilespmem:$0x1E800] =	vst v63  }
0x3b: {  	_ =	swait.ge [sflag:s13], $0x4000  }
0x3c: {  	[sflag:s13] =	ssyncset.done $0x0  }
0x3d: {  	[sflag:s13] =	ssyncadd.s32 $0xFFFFC000  }
0x3e: {  	[spmem:s7] =	stream.linear.scatter [tilespmem:s14], [sflag:$0x1], $0x4000, $0x38;
	[tilespmem:$0x1E800] =	vst v63  }
0x3f: {  	_ =	swait.ge [sflag:s13], $0x4000  }
0x40: {  	[sflag:s13] =	ssyncset.done $0x0  }
0x41: {  	[sflag:s13] =	ssyncadd.s32 $0xFFFFC000  }
0x42: {  	[spmem:s8] =	stream.linear.scatter [tilespmem:s14], [sflag:$0x1], $0x4000, $0x38;
	[tilespmem:$0x1E800] =	vst v63  }
0x43: {  	_ =	swait.ge [sflag:s13], $0x4000  }
0x44: {  	[sflag:s13] =	ssyncset.done $0x0  }
0x45: {  	[sflag:s13] =	ssyncadd.s32 $0xFFFFC000  }
0x46: {  	[spmem:s9] =	stream.linear.scatter [tilespmem:s14], [sflag:$0x1], $0x4000, $0x38;
	[tilespmem:$0x1E800] =	vst v63  }
0x47: {  	_ =	swait.ge [sflag:s13], $0x4000  }
0x48: {  	[sflag:s13] =	ssyncset.done $0x0  }
0x49: {  	[sflag:s13] =	ssyncadd.s32 $0xFFFFC000  }
0x4a: {  	s31 =	simm.s32 $0x0;
	[bflag:$0x0] =	sbarrier.arrive $0xFFFF  }
0x4b: {  	[spmem:s2] =	stream.indirect.scatter.add.f32 [tilespmem:s16], [sflag:$0x1], $0x80, s31, s15, $0xb8;
	[tilespmem:$0x1E800] =	vst v63  }
0x4c: {  	_ =	swait.ge [sflag:s13], $0x4000  }
0x4d: {  	s21 =	simm.s32 $0x200;
	[sflag:s13] =	ssyncset.done $0x0  }
.LBB2_4:
0x4e: {  	s22 =	sshra.s32 s21, $0x2;
	[sflag:s13] =	ssyncadd.s32 $0xFFFFC000;
	p1 =	sne.s32 s21, $0x9E00  }
0x4f: {  	[spmem:s2] =	stream.indirect.scatter.add.f32 [tilespmem:s16], [sflag:$0x1], $0x80, s22, s15, $0xb8;
	[tilespmem:$0x1E800] =	vst v63  }
.Ltmp1:
0x50: {  	_ = 	snop;
	(pc) =	sbr.rel @p1 .LBB2_4-.Ltmp1, $4  }
0x51: {  	_ = 	snop  }
0x52: {  	s21 =	sadd.s32 $0x200, s21  }
0x53: {  	_ =	swait.ge [sflag:s13], $0x4000  }
0x54: {  	[sflag:s13] =	ssyncset.done $0x0  }
0x55: {  	[sflag:s13] =	ssyncadd.s32 $0xFFFFC000  }
0x56: {  	s21 =	simm.s32 @p0 $0x1FC1;
	[bflag:$0x0] =	sbarrier.arrive $0xFFFF  }
0x57: {  	[hbm:s11], [sflag:s21] =	dma.local @p0 [spmem:s17], $0x1900  }
0x58: {  	s21 =	simm.s32 @p0 $0x1  }
0x59: {  	s20 =	sadd.s32 $0x1, s20;
	_ =	swait.ge @p0 [sflag:s21], $0x1900  }
0x5a: {  	p1 =	sne.s32 s20, s12;
	[sflag:s21] =	ssyncset.done @p0 $0x0  }
.Ltmp2:
0x5b: {  	[sflag:s21] =	ssyncadd.s32 @p0 $0xFFFFE700;
	s21 =	simm.s32 @!p0 $0x1;
	(pc) =	sbr.rel @p1 .LBB2_1-.Ltmp2, $4  }
0x5c: {  	[hbm:s10], [sflag:s18] =	dma.local @!p0 [spmem:s19], $0x2800  }
0x5d: {  	_ =	swait.ge @!p0 [sflag:s21], $0x2800  }
0x5e: {  	[sflag:s21] =	ssyncset.done @!p0 $0x0  }
0x5f: {  	[sflag:s21] =	ssyncadd.s32 @!p0 $0xFFFFD800  }
0x60: {  	_ =	sfence.sel $0x180000  }
0x61: {  	[bflag:$0x0] =	sbarrier.arrive $0xFFFF  }
0x62: {  	p0 =	sne.s32 s0, $0x0;
	_ =	strace $0x90000047  }
0x63: {  	s0 =	sadd.s32 @!p0 $0x100000, s1;
	[bflag:$0x2] =	sbarrier.arrive $0xFFFF  }
0x64: {  	[sflag:s0] =	ssyncadd.tile.s32 @!p0 $0x1;
	_ =	shalt  }
.Lfunc_end2:
_tile_overlayer_lowered:
.L_overlay_start_2:
0x65: {  	(tag) =	ssettag $0x2  }
0x66: {  	s0 =	rddreg [dreg:$0x0];
	s2 =	stileid.u32  }
0x67: {  	s1 =	rddreg [dreg:$0x1];
	p0 =	sne.s32 s2, $0x0  }
0x68: {  	s3 =	rddreg [dreg:$0x2];
	[bflag:$0x3] =	sbarrier.arrive $0xFFFF;
	s2 =	simm.s32 @!p0 $0x1C01  }
0x69: {  	[timem:s3], [sflag:s2] =	dma.local @!p0 [hbm:s0], s1  }
0x6a: {  	s0 =	simm.s32 @!p0 $0x1  }
0x6b: {  	_ =	swait.ge @!p0 [sflag:s0], s1  }
0x6c: {  	s1 =	ssub.s32 @!p0 $0x0, s1;
	[sflag:s0] =	ssyncset.done @!p0 $0x0  }
0x6d: {  	[sflag:s0] =	ssyncadd.s32 @!p0 s1  }
0x6e: {  	[bflag:$0x3] =	sbarrier.arrive $0xFFFF  }
0x6f: {  	_ =	shalt  }

// kernel: kernel.13.cloned.1.call-start
scs
__scs_entry_jumppad:
0x0: {  	(pc) =	sbr.rel $0x88, $3  }
0x1: {  	(tag) =	ssettag $0x0;
	lr =	simm.s32 $0x1  }
0x2: {  	[smem:$0x3F96] =	sst lr;
	_ =	strace $0xD0000000  }
0x3: {  	_ = 	snop  }
0x4: {  	_ = 	snop  }
0x5: {  	_ = 	snop  }
0x6: {  	_ = 	snop  }
0x7: {  	_ = 	snop  }
__scs_overlays_trampoline_lowered:
0x8: {  	[smem:$0x3FA5] =	sst s0  }
0x9: {  	[smem:$0x3FA6] =	sst s1  }
0xa: {  	[smem:$0x3FA7] =	sst s2  }
0xb: {  	[smem:$0x3FA8] =	sst s3  }
0xc: {  	[smem:$0x3FA9] =	sst s4  }
0xd: {  	[smem:$0x3FAA] =	sst s5  }
0xe: {  	[smem:$0x3FAB] =	sst s6  }
0xf: {  	[smem:$0x3FAC] =	sst s7  }
0x10: {  	[smem:$0x3FAD] =	sst s8  }
0x11: {  	[smem:$0x3FAE] =	sst s9;
	s0 =	simm.s32 @!p0 $0x0  }
0x12: {  	s1 =	sld [smem:$0x3F94];
	s0 =	simm.s32 @p0 $0x1  }
0x13: {  	[smem:$0x3FAF] =	sst s0;
	s0 =	simm.s32 @!p1 $0x0  }
0x14: {  	s2 =	sld [smem:$0x3F93];
	s0 =	simm.s32 @p1 $0x1  }
0x15: {  	[smem:$0x3FB0] =	sst s0;
	s0 =	simm.s32 @!p2 $0x0  }
0x16: {  	s3 =	sld [smem:$0x3FDB];
	s0 =	simm.s32 @p2 $0x1  }
0x17: {  	s4 =	simm.s32 $0x1BF5;
	[smem:$0x3FB2] =	sst s0  }
0x18: {  	s0 =	sld [smem:$0x3F95];
	_ =	swait.ge [sflag:s4], $0x0  }
0x19: {  	s7 =	sld [smem:$0x3F96]  }
0x1a: {  	s8 =	sadd.s32 $0xFFFFE003, lr  }
0x1b: {  	s9 =	sadd.s32 $0xFFFFFEF7, lr;
	s5 =	simm.s32 $0xFFFFFFFF;
	p2 =	slt.u32 s8, $0xFFFFF086  }
0x1c: {  	p1 =	slt.u32 s9, $0xF7A;
	s5 =	simm.s32 @!p2 $0x0  }
0x1d: {  	s5 =	simm.s32 @p1 $0x1;
	p0 =	seq.s32 s7, s2  }
0x1e: {  	s7 =	smul.u32 @!p0 $0xF7A, s2;
	p2 =	seq.s32 @!p0 s5, $0x0  }
0x1f: {  	s9 =	smul.u32 $0xF7A, s1;
	s8 =	simm.s32 @!p0 $0x1BF5;
	p2 =	por !p2, p0  }
0x20: {  	[sflag:s8] =	ssyncset.s32 @!p0 $0xFFFFF086;
	s6 =	sadd.s32 @!p0 s3, s7;
	s7 =	simm.s32 @!p0 $0x108  }
0x21: {  	s3 =	sadd.s32 s3, s9;
	s6 =	sadd.s32 @!p0 $0x88, s6;
	s7 =	simm.s32 @p2 $0x1082  }
0x22: {  	[simem:s7], [sflag:s8] =	dma.local @!p0 [hbm:s6], $0xF7A  }
0x23: {  	s9 =	sor.u32 $0xD0000000, s2;
	s6 =	simm.s32 $0x108;
	_ =	swait.ge @!p0 [sflag:s8], $0x0  }
0x24: {  	s3 =	sadd.s32 $0x88, s3;
	s6 =	simm.s32 @!p1 $0x1082;
	[sflag:s4] =	ssyncset.s32 $0xFFFFF086  }
0x25: {  	[simem:s6], [sflag:s4] =	dma.local [hbm:s3], $0xF7A  }
0x26: {  	[smem:$0x3F96] =	sst s1;
	(tag) =	ssettag s2;
	_ =	strace s9  }
0x27: {  	s1 =	sld [smem:$0x3FA6]  }
0x28: {  	s2 =	sld [smem:$0x3FA7]  }
0x29: {  	s4 =	sld [smem:$0x3FA9]  }
0x2a: {  	p0 =	seq.s32 s5, $0x0;
	s5 =	sld [smem:$0x3FAA]  }
0x2b: {  	s6 =	sld [smem:$0x3FAB]  }
0x2c: {  	s7 =	sld [smem:$0x3FAC]  }
0x2d: {  	s3 =	simm.s32 $0x108;
	s8 =	sld [smem:$0x3FAD]  }
0x2e: {  	s3 =	simm.s32 @!p0 $0x1082;
	s9 =	sld [smem:$0x3FAE]  }
0x2f: {  	lr =	sadd.s32 s0, s3;
	s0 =	sld [smem:$0x3FA5]  }
0x30: {  	s3 =	sld [smem:$0x3FA8]  }
0x31: {  	[smem:$0x3FB1] =	sst s10  }
0x32: {  	s10 =	sld [smem:$0x3FAF];
	_ =	sdelay $0x3  }
0x33: {  	p0 =	seq.s32 s10, $0x1;
	s10 =	sld [smem:$0x3FB1];
	_ =	sdelay $0x3  }
0x34: {  	[smem:$0x3FB1] =	sst s10  }
0x35: {  	s10 =	sld [smem:$0x3FB0];
	_ =	sdelay $0x3  }
0x36: {  	p1 =	seq.s32 s10, $0x1;
	s10 =	sld [smem:$0x3FB1];
	_ =	sdelay $0x3  }
0x37: {  	[smem:$0x3FB1] =	sst s10  }
0x38: {  	s10 =	sld [smem:$0x3FB2]  }
0x39: {  	_ = 	snop;
	(pc) =	sbr.ind lr, $3  }
0x3a: {  	_ = 	snop  }
0x3b: {  	_ = 	snop  }
0x3c: {  	p2 =	seq.s32 s10, $0x1;
	s10 =	sld [smem:$0x3FB1]  }
0x3d: {  	_ =	shalt  }
0x3e: {  	_ =	shalt  }
0x3f: {  	_ =	shalt  }
0x40: {  	_ =	shalt  }
0x41: {  	_ =	shalt  }
0x42: {  	_ =	shalt  }
0x43: {  	_ =	shalt  }
0x44: {  	_ =	shalt  }
0x45: {  	_ =	shalt  }
0x46: {  	_ =	shalt  }
0x47: {  	_ =	shalt  }
0x48: {  	_ =	shalt  }
0x49: {  	_ =	shalt  }
0x4a: {  	_ =	shalt  }
0x4b: {  	_ =	shalt  }
0x4c: {  	_ =	shalt  }
0x4d: {  	_ =	shalt  }
0x4e: {  	_ =	shalt  }
0x4f: {  	_ =	shalt  }
0x50: {  	_ =	shalt  }
0x51: {  	_ =	shalt  }
0x52: {  	_ =	shalt  }
0x53: {  	_ =	shalt  }
0x54: {  	_ =	shalt  }
0x55: {  	_ =	shalt  }
0x56: {  	_ =	shalt  }
0x57: {  	_ =	shalt  }
0x58: {  	_ =	shalt  }
0x59: {  	_ =	shalt  }
0x5a: {  	_ =	shalt  }
0x5b: {  	_ =	shalt  }
0x5c: {  	_ =	shalt  }
0x5d: {  	_ =	shalt  }
0x5e: {  	_ =	shalt  }
0x5f: {  	_ =	shalt  }
0x60: {  	_ =	shalt  }
0x61: {  	_ =	shalt  }
0x62: {  	_ =	shalt  }
0x63: {  	_ =	shalt  }
0x64: {  	_ =	shalt  }
0x65: {  	_ =	shalt  }
0x66: {  	_ =	shalt  }
0x67: {  	_ =	shalt  }
0x68: {  	_ =	shalt  }
0x69: {  	_ =	shalt  }
0x6a: {  	_ =	shalt  }
0x6b: {  	_ =	shalt  }
0x6c: {  	_ =	shalt  }
0x6d: {  	_ =	shalt  }
0x6e: {  	_ =	shalt  }
0x6f: {  	_ =	shalt  }
0x70: {  	_ =	shalt  }
0x71: {  	_ =	shalt  }
0x72: {  	_ =	shalt  }
0x73: {  	_ =	shalt  }
0x74: {  	_ =	shalt  }
0x75: {  	_ =	shalt  }
0x76: {  	_ =	shalt  }
0x77: {  	_ =	shalt  }
0x78: {  	_ =	shalt  }
0x79: {  	_ =	shalt  }
0x7a: {  	_ =	shalt  }
0x7b: {  	_ =	shalt  }
0x7c: {  	_ =	shalt  }
0x7d: {  	_ =	shalt  }
0x7e: {  	_ =	shalt  }
0x7f: {  	_ =	shalt  }
0x80: {  	_ =	shalt  }
0x81: {  	_ =	shalt  }
0x82: {  	_ =	shalt  }
0x83: {  	_ =	shalt  }
0x84: {  	_ =	shalt  }
0x85: {  	_ =	shalt  }
0x86: {  	_ =	shalt  }
0x87: {  	_ =	shalt  }
.Lfunc_end0:
.L_simem_size_0:
called_computation.1_lowered:
.L_overlay_start_0:
0x88: {  	s2 =	sld [smem:$0x3FD9]  }
0x89: {  	s3 =	sld [smem:$0x3FFE];
	_ =	sdelay $0x1  }
0x8a: {  	s1 =	srdreg.scid  }
0x8b: {  	s0 =	sand.u32 $0x1, s1  }
0x8c: {  	s16 =	sshll.u32 s0, $0xA;
	s2 =	sadd.s32 s3, s2  }
0x8d: {  	s2 =	sadd.s32 s2, s16  }
0x8e: {  	[smem:$0x3FBD] =	sst s2  }
0x8f: {  	_ = 	snop  }
0x90: {  	(tm) =	ssettm $0x1  }
0x91: {  	s17 =	sld [smem:$0x3FFB];
	_ =	sdelay $0x3  }
0x92: {  	_ =	strace s17  }
0x93: {  	s2 =	sld [smem:$0x3FFC];
	_ =	sdelay $0x3  }
0x94: {  	_ =	strace s2  }
0x95: {  	s2 =	sld [smem:$0x3FFD];
	_ =	sdelay $0x3  }
0x96: {  	_ =	strace s2  }
0x97: {  	_ =	strace $0x8FFFFFFF  }
0x98: {  	s18 =	sld [smem:$0x3FDB];
	_ =	sdelay $0x1  }
0x99: {  	s19 =	simm.s32 $_scs_section_size  }
0x9a: {  	s4 =	simm.s32 $_size__tile_overlayer_lowered;
	s5 =	simm.s32 $_tile_overlayer_lowered  }
0x9b: {  	s22 =	simm.s32 $0x1BFF;
	s21 =	sshll.u32 s5, $0x1;
	s2 =	sadd.s32 s19, s18  }
0x9c: {  	s6 =	simm.s32 $0x0;
	s20 =	sshll.u32 s4, $0x1;
	s4 =	sadd.s32 s21, s2  }
0x9d: {  	[timem:s6], [sflag:s22] =	dma.local [hbm:s4], s20  }
0x9e: {  	_ =	swait.ge [sflag:s22], s20  }
0x9f: {  	s3 =	ssub.s32 $0x0, s20;
	[sflag:s22] =	ssyncset.done $0x0  }
0xa0: {  	[sflag:s22] =	ssyncadd.s32 s3;
	_ =	sdelay $0x1  }
0xa1: {  	s23 =	simm.s32 $0x1B8B  }
0xa2: {  	_ =	swait.ge [sflag:s23], $0x1  }
0xa3: {  	[sflag:s23] =	ssyncset.done $0x0  }
0xa4: {  	s25 =	simm.s32 $0x1B8E;
	s24 =	sld [smem:$0x3FFE];
	[sflag:s23] =	ssyncadd.s32 $0xFFFFFFFF  }
0xa5: {  	s26 =	simm.s32 $execute0_lowered;
	[smem:$0x3FD2] =	sst s25  }
0xa6: {  	s4 =	sshll.u32 s26, $0x1;
	_ =	strace $0x80000049;
	[dreg:$0x1] =	wrdreg $0xFFFFFFFF  }
0xa7: {  	s28 =	simm.s32 $_size_execute0_lowered;
	s2 =	sadd.s32 s2, s4;
	[dreg:$0x0] =	wrdreg $0x0  }
0xa8: {  	s4 =	sshll.u32 s28, $0x1;
	[dreg:$0x2] =	wrdreg s2  }
0xa9: {  	[dreg:$0x3] =	wrdreg s4  }
0xaa: {  	[dreg:$0x4] =	wrdreg $0xC0  }
0xab: {  	_ =	task [dreg:s6], $0x5FFFF  }
0xac: {  	[dreg:$0x1] =	wrdreg $0xFFFFFFFF  }
0xad: {  	[dreg:$0x0] =	wrdreg $0x60  }
0xae: {  	[dreg:$0x2] =	wrdreg s24  }
0xaf: {  	[dreg:$0x3] =	wrdreg $0x90000  }
0xb0: {  	[dreg:$0x4] =	wrdreg $0x9  }
0xb1: {  	_ =	task.clear_ibuf [dreg:s6], $0x5FFFF;
	_ =	strace $0x90000049  }
0xb2: {  	s29 =	simm.s32 $0x9;
	_ =	strace $0x8000004B  }
0xb3: {  	_ =	swait.ge [sflag:s29], $0x1  }
0xb4: {  	[sflag:s29] =	ssyncadd.s32 $0xFFFFFFFF  }
0xb5: {  	_ =	strace $0x9000004B  }
0xb6: {  	_ =	sfence  }
0xb7: {  	s30 =	sld [smem:$0x0];
	_ =	sdelay $0x2  }
0xb8: {  	s31 =	sshll.u32 s1, $0xD;
	s1 =	sshrl.u32 s1, $0x2  }
0xb9: {  	s3 =	sand.u32 $0x4000, s31;
	s1 =	sadd.s32 s1, s30  }
0xba: {  	s0 =	sor.u32 s3, s0;
	s1 =	sshll.u32 s1, $0x11  }
0xbb: {  	s0 =	sor.u32 s1, s0  }
0xbc: {  	s0 =	sadd.s32 $0x8F2B, s0  }
0xbd: {  	[sflag:s0] =	ssyncadd.remote.s32 $0x1  }
0xbe: {  	_ =	sfence.sel $0xFFFF  }
0xbf: {  	[dreg:$0x0] =	wrdreg $0xFFFFFFFF;
	(pc) =	sbr.abs _section_cstart, $3  }
0xc0: {  	[dreg:$0x1] =	wrdreg $0xFFFFFFFF  }
0xc1: {  	_ =	task.clear_ibuf [dreg:s6], $0x2FFFF;
	_ =	strace $0x9FFFFFFF  }
0xc2: {  	(tm) =	ssettm $0x7FFFFFFF  }
0xc3: {  	_ =	shalt  }
tec
execute0_lowered:
.L_overlay_start_1:
0x0: {  	(tag) =	ssettag $0x1  }
0x1: {  	s13 =	rddreg [dreg:$0x0]  }
0x2: {  	s0 =	srdreg.scid;
	s2 =	rddreg [dreg:$0x1]  }
0x3: {  	s1 =	stileid.u32;
	s3 =	simm.s32 $0x0;
	s22 =	simm.s32 $0x80  }
0x4: {  	s23 =	simm.s32 $0x5000;
	s24 =	simm.s32 $0x1;
	s25 =	simm.s32 $0x1FC2  }
0x5: {  	s26 =	simm.s32 $0x0;
	s7 =	sand.u32 $0x1, s0;
	s0 =	rddreg [dreg:$0x2]  }
0x6: {  	s14 =	smul.u32 $0x2800, s1;
	[smem:$0x7FF] =	sst s3;
	s16 =	sadd.s32 $0x64C00, s13  }
0x7: {  	p1 =	sne.s32 s1, $0xF;
	s9 =	smul.u32 $0x50000, s1;
	p2 =	seq.s32 s1, $0xF  }
0x8: {  	s18 =	smul.u32 $0x14000, s1;
	s12 =	sadd.s32 $0x12C000, s2;
	s20 =	sshll.u32 s1, $0x6  }
0x9: {  	s4 =	smul.u32 $0x28000, s7;
	_ =	strace $0x8000004A;
	s6 =	ssub.s32 $0x2, s7  }
0xa: {  	p0 =	seq.s32 s7, $0x0;
	s15 =	smul.u32 $0x138800, s7;
	s20 =	sor.u32 $0x1C02, s20  }
0xb: {  	s30 =	sshrl.u32 s6, $0x1;
	p1 =	por !p0, !p1;
	p3 =	por !p0, !p2  }
0xc: {  	s31 =	sshrl.u32 s9, $0x2;
	s5 =	sadd.s32 s14, s4;
	s4 =	sadd.s32 $0xCA00, s13  }
0xd: {  	s17 =	ssub.s32 s6, s30;
	p1 =	por !p1, !p1;
	p3 =	por !p3, !p3  }
0xe: {  	s7 =	sadd.s32 s31, s2;
	s18 =	sadd.s32 s18, s15;
	s19 =	sshrl.u32 s15, $0x3  }
0xf: {  	s5 =	sshrl.u32 s5, $0x3;
	s9 =	sadd.s32 $0x8000, s7;
	s10 =	sadd.s32 $0xC000, s7  }
0x10: {  	s11 =	sadd.s32 $0x10000, s7;
	s18 =	sshrl.u32 s18, $0x3;
	s14 =	sadd.s32 s4, s14  }
0x11: {  	s17 =	smax.u32 s17, $0x1;
	s21 =	sshrl.u32 s7, $0x3;
	s8 =	sadd.s32 s5, s13  }
0x12: {  	s13 =	sadd.s32 $0x32200, s13;
	s15 =	sadd.s32 s16, s18;
	s16 =	sadd.s32 s16, s19  }
0x13: {  	s18 =	simm.s32 $0x2;
	s19 =	simm.s32 $0x2800;
	s5 =	sadd.s32 $0x5AC00, s8  }
0x14: {  	v0 =	vimm.f32 $0.0e+00;
	s6 =	sadd.s32 $0x2A00, s8;
	s8 =	sadd.s32 $0x4000, s7;
	s16 =	sadd.s32 $0x25800, s16  }
.LBB2_1:
0x15: {  	[tilespmem:s3], [sflag:$0x2] =	stream.linear.gather [hbm4b:s5+s3], $0x2800, $0x38;
	[tilespmem:$0x1D000] =	vst v63  }
0x16: {  	_ =	swait.ge [sflag:s18], $0x2800  }
0x17: {  	[sflag:s18] =	ssyncset.done $0x0  }
.Ltmp0:
0x18: {  	[sflag:s18] =	ssyncadd.s32 $0xFFFFD800;
	(pc) =	sbr.rel @!p1 .LBB2_3-.Ltmp0, $4  }
0x19: {  	[tilespmem:s19], [sflag:$0x2] =	stream.linear.gather [hbm4b:s6+s3], $0x2800, $0x38;
	[tilespmem:$0x1D000] =	vst v63  }
0x1a: {  	_ =	swait.ge [sflag:s18], $0x2800  }
0x1b: {  	[sflag:s18] =	ssyncset.done $0x0  }
0x1c: {  	[sflag:s18] =	ssyncadd.s32 $0xFFFFD800  }
.Ltmp1:
0x1d: {  	(pc) =	sbr.rel .LBB2_9-.Ltmp1, $4  }
0x1e: {  	[spmem:s21], [sflag:s20] =	dma.local [hbm:s14], $0x2800  }
0x1f: {  	_ =	swait.ge [sflag:s18], $0x2800  }
0x20: {  	[sflag:s18] =	ssyncset.done $0x0  }
0x21: {  	p4 =	por $0x0, $0x0;
	[sflag:s18] =	ssyncadd.s32 $0xFFFFD800  }
.LBB2_3:
.Ltmp2:
0x22: {  	(pc) =	sbr.rel @!p3 .LBB2_5-.Ltmp2, $1  }
0x23: {  	_ =	sdelay $0x3  }
.Ltmp3:
0x24: {  	s28 =	sshrl.u32 s12, $0x3;
	(pc) =	sbr.rel .LBB2_9-.Ltmp3, $4  }
0x25: {  	[spmem:s28], [sflag:s25] =	dma.local [hbm:s13], $0x1900  }
0x26: {  	_ =	swait.ge [sflag:s18], $0x1900  }
0x27: {  	[sflag:s18] =	ssyncset.done $0x0  }
0x28: {  	p4 =	por $0x1, $0x1;
	[sflag:s18] =	ssyncadd.s32 $0xFFFFE700  }
.LBB2_5:
.Ltmp4:
0x29: {  	(pc) =	sbr.rel @p0 .LBB2_9-.Ltmp4, $2  }
0x2a: {  	_ =	sdelay $0x2  }
0x2b: {  	s29 =	simm.s32 $0x0;
	p4 =	por p2, p2  }
0x2c: {  	s28 =	sshra.s32 s29, $0x2;
	s29 =	sadd.s32 $0x200, s29  }
.LBB2_7:
0x2d: {  	p4 =	sne.s32 s29, $0xFE00;
	[tilespmem:s28+$0x5070] =	vst v0  }
0x2e: {  	[tilespmem:s28+$0x5000] =	vst v0  }
0x2f: {  	[tilespmem:s28+$0x5010] =	vst v0  }
.Ltmp5:
0x30: {  	[tilespmem:s28+$0x5020] =	vst v0;
	(pc) =	sbr.rel @p4 .LBB2_7-.Ltmp5, $4  }
0x31: {  	[tilespmem:s28+$0x5030] =	vst v0  }
0x32: {  	[tilespmem:s28+$0x5040] =	vst v0  }
0x33: {  	[tilespmem:s28+$0x5050] =	vst v0  }
0x34: {  	[tilespmem:s28+$0x5060] =	vst v0;
	s28 =	sshra.s32 s29, $0x2;
	s29 =	sadd.s32 $0x200, s29  }
0x35: {  	[tilespmem:s28+$0x5070] =	vst v0  }
0x36: {  	[tilespmem:s28+$0x5000] =	vst v0  }
0x37: {  	[tilespmem:s28+$0x5010] =	vst v0  }
0x38: {  	[tilespmem:s28+$0x5020] =	vst v0  }
0x39: {  	[tilespmem:s28+$0x5030] =	vst v0  }
0x3a: {  	[tilespmem:s28+$0x5040] =	vst v0  }
0x3b: {  	[tilespmem:s28+$0x5050] =	vst v0  }
0x3c: {  	[tilespmem:s28+$0x5060] =	vst v0  }
0x3d: {  	[spmem:s7] =	stream.linear.scatter [tilespmem:s23], [sflag:$0x2], $0x4000, $0x38;
	[tilespmem:$0x1D000] =	vst v63  }
0x3e: {  	_ =	swait.ge [sflag:s18], $0x4000  }
0x3f: {  	[sflag:s18] =	ssyncset.done $0x0  }
0x40: {  	[sflag:s18] =	ssyncadd.s32 $0xFFFFC000  }
0x41: {  	[spmem:s8] =	stream.linear.scatter [tilespmem:s23], [sflag:$0x2], $0x4000, $0x38;
	[tilespmem:$0x1D000] =	vst v63  }
0x42: {  	_ =	swait.ge [sflag:s18], $0x4000  }
0x43: {  	[sflag:s18] =	ssyncset.done $0x0  }
0x44: {  	[sflag:s18] =	ssyncadd.s32 $0xFFFFC000  }
0x45: {  	[spmem:s9] =	stream.linear.scatter [tilespmem:s23], [sflag:$0x2], $0x4000, $0x38;
	[tilespmem:$0x1D000] =	vst v63  }
0x46: {  	_ =	swait.ge [sflag:s18], $0x4000  }
0x47: {  	[sflag:s18] =	ssyncset.done $0x0  }
0x48: {  	[sflag:s18] =	ssyncadd.s32 $0xFFFFC000  }
0x49: {  	[spmem:s10] =	stream.linear.scatter [tilespmem:s23], [sflag:$0x2], $0x4000, $0x38;
	[tilespmem:$0x1D000] =	vst v63  }
0x4a: {  	_ =	swait.ge [sflag:s18], $0x4000  }
0x4b: {  	[sflag:s18] =	ssyncset.done $0x0  }
0x4c: {  	[sflag:s18] =	ssyncadd.s32 $0xFFFFC000  }
0x4d: {  	[spmem:s11] =	stream.linear.scatter [tilespmem:s23], [sflag:$0x2], $0x4000, $0x38;
	[tilespmem:$0x1D000] =	vst v63  }
0x4e: {  	_ =	swait.ge [sflag:s18], $0x4000  }
0x4f: {  	[sflag:s18] =	ssyncset.done $0x0  }
0x50: {  	p4 =	por p2, p2;
	[sflag:s18] =	ssyncadd.s32 $0xFFFFC000  }
.LBB2_9:
0x51: {  	[bflag:$0x0] =	sbarrier.arrive $0xFFFF;
	s28 =	simm.s32 $0x0  }
0x52: {  	[tilespmem:s23], [sflag:$0x1] =	stream.indirect.gather [hbm4b:s4+s22], $0x80, s28, s22, $0xb8;
	[tilespmem:$0x1D000] =	vst v63  }
0x53: {  	_ =	swait.ge [sflag:s24], $0x4000  }
0x54: {  	[sflag:s24] =	ssyncset.done $0x0  }
0x55: {  	s28 =	simm.s32 $0x2800;
	[sflag:s24] =	ssyncadd.s32 $0xFFFFC000  }
0x56: {  	[spmem:s2] =	stream.indirect.scatter.add.f32 [tilespmem:s23], [sflag:$0x2], $0x80, s28, s22, $0xb8;
	[tilespmem:$0x1D000] =	vst v63  }
0x57: {  	_ =	swait.ge [sflag:s18], $0x4000  }
0x58: {  	s29 =	simm.s32 $0x400;
	s28 =	simm.s32 $0x200;
	[sflag:s18] =	ssyncset.done $0x0  }
.LBB2_10:
0x59: {  	s30 =	sshra.s32 s28, $0x2  }
0x5a: {  	[sflag:s18] =	ssyncadd.s32 $0xFFFFC000;
	s28 =	smov.u32 s29;
	s31 =	sadd.s32 $0x200, s29  }
0x5b: {  	[tilespmem:s23], [sflag:$0x1] =	stream.indirect.gather [hbm4b:s4+s22], $0x80, s30, s22, $0xb8;
	[tilespmem:$0x1D000] =	vst v63  }
0x5c: {  	p5 =	sne.s32 s29, $0x9E00;
	_ =	swait.ge [sflag:s24], $0x4000  }
.Ltmp6:
0x5d: {  	[sflag:s24] =	ssyncset.done $0x0;
	(pc) =	sbr.rel @p5 .LBB2_10-.Ltmp6, $4  }
0x5e: {  	s29 =	sadd.s32 $0x2800, s30;
	[sflag:s24] =	ssyncadd.s32 $0xFFFFC000  }
0x5f: {  	[spmem:s2] =	stream.indirect.scatter.add.f32 [tilespmem:s23], [sflag:$0x2], $0x80, s29, s22, $0xb8;
	[tilespmem:$0x1D000] =	vst v63  }
0x60: {  	_ =	swait.ge [sflag:s18], $0x4000  }
0x61: {  	s29 =	smov.u32 s31;
	[sflag:s18] =	ssyncset.done $0x0  }
0x62: {  	s28 =	sshra.s32 s28, $0x2;
	[sflag:s18] =	ssyncadd.s32 $0xFFFFC000  }
0x63: {  	[tilespmem:s23], [sflag:$0x1] =	stream.indirect.gather [hbm4b:s4+s22], $0x80, s28, s22, $0xb8;
	[tilespmem:$0x1D000] =	vst v63  }
0x64: {  	_ =	swait.ge [sflag:s24], $0x4000  }
0x65: {  	[sflag:s24] =	ssyncset.done $0x0  }
0x66: {  	s28 =	sadd.s32 $0x2800, s28;
	[sflag:s24] =	ssyncadd.s32 $0xFFFFC000  }
0x67: {  	[spmem:s2] =	stream.indirect.scatter.add.f32 [tilespmem:s23], [sflag:$0x2], $0x80, s28, s22, $0xb8;
	[tilespmem:$0x1D000] =	vst v63  }
0x68: {  	_ =	swait.ge [sflag:s18], $0x4000  }
0x69: {  	[sflag:s18] =	ssyncset.done $0x0  }
0x6a: {  	s28 =	sshll.u32 @!p2 s1, $0x6;
	[sflag:s18] =	ssyncadd.s32 $0xFFFFC000  }
0x6b: {  	s29 =	sshrl.u32 @!p2 s7, $0x3;
	s28 =	sor.u32 @!p2 $0x1C02, s28;
	[bflag:$0x0] =	sbarrier.arrive $0xFFFF  }
0x6c: {  	[hbm:s15], [sflag:s28] =	dma.local @!p2 [spmem:s29], $0x2800  }
0x6d: {  	s28 =	simm.s32 @!p2 $0x2  }
0x6e: {  	s26 =	sadd.s32 $0x1, s26;
	_ =	swait.ge @!p2 [sflag:s28], $0x2800  }
0x6f: {  	p5 =	sne.s32 s26, s17;
	s29 =	sshll.u32 @p4 s1, $0x6;
	[sflag:s28] =	ssyncset.done @!p2 $0x0  }
0x70: {  	[sflag:s28] =	ssyncadd.s32 @!p2 $0xFFFFD800;
	s28 =	sor.u32 @p4 $0x1C02, s29;
	s29 =	sshrl.u32 @p4 s12, $0x3  }
0x71: {  	[hbm:s16], [sflag:s28] =	dma.local @p4 [spmem:s29], $0x1900  }
.Ltmp7:
0x72: {  	_ = 	snop;
	(pc) =	sbr.rel @p5 .LBB2_1-.Ltmp7, $4  }
0x73: {  	s28 =	simm.s32 @p4 $0x2  }
0x74: {  	_ =	swait.ge @p4 [sflag:s28], $0x1900  }
0x75: {  	[sflag:s28] =	ssyncset.done @p4 $0x0  }
0x76: {  	[sflag:s28] =	ssyncadd.s32 @p4 $0xFFFFE700  }
0x77: {  	_ =	sfence.sel $0x180000  }
0x78: {  	[bflag:$0x0] =	sbarrier.arrive $0xFFFF  }
0x79: {  	p0 =	sne.s32 s1, $0x0;
	_ =	strace $0x9000004A  }
0x7a: {  	s0 =	sadd.s32 @!p0 $0x100000, s0;
	[bflag:$0x2] =	sbarrier.arrive $0xFFFF  }
0x7b: {  	[sflag:s0] =	ssyncadd.tile.s32 @!p0 $0x1;
	_ =	shalt  }
.Lfunc_end2:
_tile_overlayer_lowered:
.L_overlay_start_2:
0x7c: {  	(tag) =	ssettag $0x2  }
0x7d: {  	s0 =	rddreg [dreg:$0x0];
	s2 =	stileid.u32  }
0x7e: {  	s1 =	rddreg [dreg:$0x1];
	p0 =	sne.s32 s2, $0x0  }
0x7f: {  	s3 =	rddreg [dreg:$0x2];
	[bflag:$0x3] =	sbarrier.arrive $0xFFFF;
	s2 =	simm.s32 @!p0 $0x1C02  }
0x80: {  	[timem:s3], [sflag:s2] =	dma.local @!p0 [hbm:s0], s1  }
0x81: {  	s0 =	simm.s32 @!p0 $0x2  }
0x82: {  	_ =	swait.ge @!p0 [sflag:s0], s1  }
0x83: {  	s1 =	ssub.s32 @!p0 $0x0, s1;
	[sflag:s0] =	ssyncset.done @!p0 $0x0  }
0x84: {  	[sflag:s0] =	ssyncadd.s32 @!p0 s1  }
0x85: {  	[bflag:$0x3] =	sbarrier.arrive $0xFFFF  }
0x86: {  	_ =	shalt  }

// kernel: kernel.16.cloned.1.call-start
scs
__scs_entry_jumppad:
0x0: {  	(pc) =	sbr.rel $0x88, $3  }
0x1: {  	(tag) =	ssettag $0x0;
	lr =	simm.s32 $0x1  }
0x2: {  	[smem:$0x3F96] =	sst lr;
	_ =	strace $0xD0000000  }
0x3: {  	_ = 	snop  }
0x4: {  	_ = 	snop  }
0x5: {  	_ = 	snop  }
0x6: {  	_ = 	snop  }
0x7: {  	_ = 	snop  }
__scs_overlays_trampoline_lowered:
0x8: {  	[smem:$0x3FA5] =	sst s0  }
0x9: {  	[smem:$0x3FA6] =	sst s1  }
0xa: {  	[smem:$0x3FA7] =	sst s2  }
0xb: {  	[smem:$0x3FA8] =	sst s3  }
0xc: {  	[smem:$0x3FA9] =	sst s4  }
0xd: {  	[smem:$0x3FAA] =	sst s5  }
0xe: {  	[smem:$0x3FAB] =	sst s6  }
0xf: {  	[smem:$0x3FAC] =	sst s7  }
0x10: {  	[smem:$0x3FAD] =	sst s8  }
0x11: {  	[smem:$0x3FAE] =	sst s9;
	s0 =	simm.s32 @!p0 $0x0  }
0x12: {  	s1 =	sld [smem:$0x3F94];
	s0 =	simm.s32 @p0 $0x1  }
0x13: {  	[smem:$0x3FAF] =	sst s0;
	s0 =	simm.s32 @!p1 $0x0  }
0x14: {  	s2 =	sld [smem:$0x3F93];
	s0 =	simm.s32 @p1 $0x1  }
0x15: {  	[smem:$0x3FB0] =	sst s0;
	s0 =	simm.s32 @!p2 $0x0  }
0x16: {  	s3 =	sld [smem:$0x3FDB];
	s0 =	simm.s32 @p2 $0x1  }
0x17: {  	s4 =	simm.s32 $0x1BF5;
	[smem:$0x3FB2] =	sst s0  }
0x18: {  	s0 =	sld [smem:$0x3F95];
	_ =	swait.ge [sflag:s4], $0x0  }
0x19: {  	s7 =	sld [smem:$0x3F96]  }
0x1a: {  	s8 =	sadd.s32 $0xFFFFE003, lr  }
0x1b: {  	s9 =	sadd.s32 $0xFFFFFEF7, lr;
	s5 =	simm.s32 $0xFFFFFFFF;
	p2 =	slt.u32 s8, $0xFFFFF086  }
0x1c: {  	p1 =	slt.u32 s9, $0xF7A;
	s5 =	simm.s32 @!p2 $0x0  }
0x1d: {  	s5 =	simm.s32 @p1 $0x1;
	p0 =	seq.s32 s7, s2  }
0x1e: {  	s7 =	smul.u32 @!p0 $0xF7A, s2;
	p2 =	seq.s32 @!p0 s5, $0x0  }
0x1f: {  	s9 =	smul.u32 $0xF7A, s1;
	s8 =	simm.s32 @!p0 $0x1BF5;
	p2 =	por !p2, p0  }
0x20: {  	[sflag:s8] =	ssyncset.s32 @!p0 $0xFFFFF086;
	s6 =	sadd.s32 @!p0 s3, s7;
	s7 =	simm.s32 @!p0 $0x108  }
0x21: {  	s3 =	sadd.s32 s3, s9;
	s6 =	sadd.s32 @!p0 $0x88, s6;
	s7 =	simm.s32 @p2 $0x1082  }
0x22: {  	[simem:s7], [sflag:s8] =	dma.local @!p0 [hbm:s6], $0xF7A  }
0x23: {  	s9 =	sor.u32 $0xD0000000, s2;
	s6 =	simm.s32 $0x108;
	_ =	swait.ge @!p0 [sflag:s8], $0x0  }
0x24: {  	s3 =	sadd.s32 $0x88, s3;
	s6 =	simm.s32 @!p1 $0x1082;
	[sflag:s4] =	ssyncset.s32 $0xFFFFF086  }
0x25: {  	[simem:s6], [sflag:s4] =	dma.local [hbm:s3], $0xF7A  }
0x26: {  	[smem:$0x3F96] =	sst s1;
	(tag) =	ssettag s2;
	_ =	strace s9  }
0x27: {  	s1 =	sld [smem:$0x3FA6]  }
0x28: {  	s2 =	sld [smem:$0x3FA7]  }
0x29: {  	s4 =	sld [smem:$0x3FA9]  }
0x2a: {  	p0 =	seq.s32 s5, $0x0;
	s5 =	sld [smem:$0x3FAA]  }
0x2b: {  	s6 =	sld [smem:$0x3FAB]  }
0x2c: {  	s7 =	sld [smem:$0x3FAC]  }
0x2d: {  	s3 =	simm.s32 $0x108;
	s8 =	sld [smem:$0x3FAD]  }
0x2e: {  	s3 =	simm.s32 @!p0 $0x1082;
	s9 =	sld [smem:$0x3FAE]  }
0x2f: {  	lr =	sadd.s32 s0, s3;
	s0 =	sld [smem:$0x3FA5]  }
0x30: {  	s3 =	sld [smem:$0x3FA8]  }
0x31: {  	[smem:$0x3FB1] =	sst s10  }
0x32: {  	s10 =	sld [smem:$0x3FAF];
	_ =	sdelay $0x3  }
0x33: {  	p0 =	seq.s32 s10, $0x1;
	s10 =	sld [smem:$0x3FB1];
	_ =	sdelay $0x3  }
0x34: {  	[smem:$0x3FB1] =	sst s10  }
0x35: {  	s10 =	sld [smem:$0x3FB0];
	_ =	sdelay $0x3  }
0x36: {  	p1 =	seq.s32 s10, $0x1;
	s10 =	sld [smem:$0x3FB1];
	_ =	sdelay $0x3  }
0x37: {  	[smem:$0x3FB1] =	sst s10  }
0x38: {  	s10 =	sld [smem:$0x3FB2]  }
0x39: {  	_ = 	snop;
	(pc) =	sbr.ind lr, $3  }
0x3a: {  	_ = 	snop  }
0x3b: {  	_ = 	snop  }
0x3c: {  	p2 =	seq.s32 s10, $0x1;
	s10 =	sld [smem:$0x3FB1]  }
0x3d: {  	_ =	shalt  }
0x3e: {  	_ =	shalt  }
0x3f: {  	_ =	shalt  }
0x40: {  	_ =	shalt  }
0x41: {  	_ =	shalt  }
0x42: {  	_ =	shalt  }
0x43: {  	_ =	shalt  }
0x44: {  	_ =	shalt  }
0x45: {  	_ =	shalt  }
0x46: {  	_ =	shalt  }
0x47: {  	_ =	shalt  }
0x48: {  	_ =	shalt  }
0x49: {  	_ =	shalt  }
0x4a: {  	_ =	shalt  }
0x4b: {  	_ =	shalt  }
0x4c: {  	_ =	shalt  }
0x4d: {  	_ =	shalt  }
0x4e: {  	_ =	shalt  }
0x4f: {  	_ =	shalt  }
0x50: {  	_ =	shalt  }
0x51: {  	_ =	shalt  }
0x52: {  	_ =	shalt  }
0x53: {  	_ =	shalt  }
0x54: {  	_ =	shalt  }
0x55: {  	_ =	shalt  }
0x56: {  	_ =	shalt  }
0x57: {  	_ =	shalt  }
0x58: {  	_ =	shalt  }
0x59: {  	_ =	shalt  }
0x5a: {  	_ =	shalt  }
0x5b: {  	_ =	shalt  }
0x5c: {  	_ =	shalt  }
0x5d: {  	_ =	shalt  }
0x5e: {  	_ =	shalt  }
0x5f: {  	_ =	shalt  }
0x60: {  	_ =	shalt  }
0x61: {  	_ =	shalt  }
0x62: {  	_ =	shalt  }
0x63: {  	_ =	shalt  }
0x64: {  	_ =	shalt  }
0x65: {  	_ =	shalt  }
0x66: {  	_ =	shalt  }
0x67: {  	_ =	shalt  }
0x68: {  	_ =	shalt  }
0x69: {  	_ =	shalt  }
0x6a: {  	_ =	shalt  }
0x6b: {  	_ =	shalt  }
0x6c: {  	_ =	shalt  }
0x6d: {  	_ =	shalt  }
0x6e: {  	_ =	shalt  }
0x6f: {  	_ =	shalt  }
0x70: {  	_ =	shalt  }
0x71: {  	_ =	shalt  }
0x72: {  	_ =	shalt  }
0x73: {  	_ =	shalt  }
0x74: {  	_ =	shalt  }
0x75: {  	_ =	shalt  }
0x76: {  	_ =	shalt  }
0x77: {  	_ =	shalt  }
0x78: {  	_ =	shalt  }
0x79: {  	_ =	shalt  }
0x7a: {  	_ =	shalt  }
0x7b: {  	_ =	shalt  }
0x7c: {  	_ =	shalt  }
0x7d: {  	_ =	shalt  }
0x7e: {  	_ =	shalt  }
0x7f: {  	_ =	shalt  }
0x80: {  	_ =	shalt  }
0x81: {  	_ =	shalt  }
0x82: {  	_ =	shalt  }
0x83: {  	_ =	shalt  }
0x84: {  	_ =	shalt  }
0x85: {  	_ =	shalt  }
0x86: {  	_ =	shalt  }
0x87: {  	_ =	shalt  }
.Lfunc_end0:
.L_simem_size_0:
called_computation.2_lowered:
.L_overlay_start_0:
0x88: {  	s2 =	sld [smem:$0x3FD9]  }
0x89: {  	s3 =	sld [smem:$0x3FFE];
	_ =	sdelay $0x1  }
0x8a: {  	s1 =	srdreg.scid  }
0x8b: {  	s0 =	sand.u32 $0x1, s1  }
0x8c: {  	s16 =	sshll.u32 s0, $0xA;
	s2 =	sadd.s32 s3, s2  }
0x8d: {  	s2 =	sadd.s32 s2, s16  }
0x8e: {  	[smem:$0x3FBD] =	sst s2  }
0x8f: {  	_ = 	snop  }
0x90: {  	(tm) =	ssettm $0x1  }
0x91: {  	s17 =	sld [smem:$0x3FFB];
	_ =	sdelay $0x3  }
0x92: {  	_ =	strace s17  }
0x93: {  	s2 =	sld [smem:$0x3FFC];
	_ =	sdelay $0x3  }
0x94: {  	_ =	strace s2  }
0x95: {  	s2 =	sld [smem:$0x3FFD];
	_ =	sdelay $0x3  }
0x96: {  	_ =	strace s2  }
0x97: {  	_ =	strace $0x8FFFFFFF  }
0x98: {  	s18 =	sld [smem:$0x3FDB];
	_ =	sdelay $0x1  }
0x99: {  	s19 =	simm.s32 $_scs_section_size  }
0x9a: {  	s4 =	simm.s32 $_size__tile_overlayer_lowered;
	s5 =	simm.s32 $_tile_overlayer_lowered  }
0x9b: {  	s22 =	simm.s32 $0x1BFF;
	s21 =	sshll.u32 s5, $0x1;
	s2 =	sadd.s32 s19, s18  }
0x9c: {  	s6 =	simm.s32 $0x0;
	s20 =	sshll.u32 s4, $0x1;
	s4 =	sadd.s32 s21, s2  }
0x9d: {  	[timem:s6], [sflag:s22] =	dma.local [hbm:s4], s20  }
0x9e: {  	_ =	swait.ge [sflag:s22], s20  }
0x9f: {  	s3 =	ssub.s32 $0x0, s20;
	[sflag:s22] =	ssyncset.done $0x0  }
0xa0: {  	[sflag:s22] =	ssyncadd.s32 s3;
	_ =	sdelay $0x1  }
0xa1: {  	s23 =	simm.s32 $0x1B8B  }
0xa2: {  	_ =	swait.ge [sflag:s23], $0x1  }
0xa3: {  	[sflag:s23] =	ssyncset.done $0x0  }
0xa4: {  	s25 =	simm.s32 $0x1B8E;
	s24 =	sld [smem:$0x3FFE];
	[sflag:s23] =	ssyncadd.s32 $0xFFFFFFFF  }
0xa5: {  	s26 =	simm.s32 $execute0_lowered;
	[smem:$0x3FD2] =	sst s25  }
0xa6: {  	s4 =	sshll.u32 s26, $0x1;
	_ =	strace $0x8000004C;
	[dreg:$0x1] =	wrdreg $0xFFFFFFFF  }
0xa7: {  	s28 =	simm.s32 $_size_execute0_lowered;
	s2 =	sadd.s32 s2, s4;
	[dreg:$0x0] =	wrdreg $0x0  }
0xa8: {  	s4 =	sshll.u32 s28, $0x1;
	[dreg:$0x2] =	wrdreg s2  }
0xa9: {  	[dreg:$0x3] =	wrdreg s4  }
0xaa: {  	[dreg:$0x4] =	wrdreg $0xC0  }
0xab: {  	_ =	task [dreg:s6], $0x5FFFF  }
0xac: {  	[dreg:$0x1] =	wrdreg $0xFFFFFFFF  }
0xad: {  	[dreg:$0x0] =	wrdreg $0x60  }
0xae: {  	[dreg:$0x2] =	wrdreg s24  }
0xaf: {  	[dreg:$0x3] =	wrdreg $0x90000  }
0xb0: {  	[dreg:$0x4] =	wrdreg $0x9  }
0xb1: {  	_ =	task.clear_ibuf [dreg:s6], $0x5FFFF;
	_ =	strace $0x9000004C  }
0xb2: {  	s29 =	simm.s32 $0x9;
	_ =	strace $0x8000004E  }
0xb3: {  	_ =	swait.ge [sflag:s29], $0x1  }
0xb4: {  	[sflag:s29] =	ssyncadd.s32 $0xFFFFFFFF  }
0xb5: {  	_ =	strace $0x9000004E  }
0xb6: {  	_ =	sfence  }
0xb7: {  	s30 =	sld [smem:$0x0];
	_ =	sdelay $0x2  }
0xb8: {  	s31 =	sshll.u32 s1, $0xD;
	s1 =	sshrl.u32 s1, $0x2  }
0xb9: {  	s3 =	sand.u32 $0x4000, s31;
	s1 =	sadd.s32 s1, s30  }
0xba: {  	s0 =	sor.u32 s3, s0;
	s1 =	sshll.u32 s1, $0x11  }
0xbb: {  	s0 =	sor.u32 s1, s0  }
0xbc: {  	s0 =	sadd.s32 $0x8F2B, s0  }
0xbd: {  	[sflag:s0] =	ssyncadd.remote.s32 $0x1  }
0xbe: {  	_ =	sfence.sel $0xFFFF  }
0xbf: {  	[dreg:$0x0] =	wrdreg $0xFFFFFFFF;
	(pc) =	sbr.abs _section_cstart, $3  }
0xc0: {  	[dreg:$0x1] =	wrdreg $0xFFFFFFFF  }
0xc1: {  	_ =	task.clear_ibuf [dreg:s6], $0x2FFFF;
	_ =	strace $0x9FFFFFFF  }
0xc2: {  	(tm) =	ssettm $0x7FFFFFFF  }
0xc3: {  	_ =	shalt  }
tec
execute0_lowered:
.L_overlay_start_1:
0x0: {  	(tag) =	ssettag $0x1  }
0x1: {  	s13 =	rddreg [dreg:$0x0]  }
0x2: {  	s0 =	srdreg.scid;
	s2 =	rddreg [dreg:$0x1]  }
0x3: {  	s1 =	stileid.u32;
	s3 =	simm.s32 $0x0;
	s22 =	simm.s32 $0x80  }
0x4: {  	s23 =	simm.s32 $0x5000;
	s24 =	simm.s32 $0x1;
	s25 =	simm.s32 $0x1FC2  }
0x5: {  	s26 =	simm.s32 $0x0;
	s7 =	sand.u32 $0x1, s0;
	s0 =	rddreg [dreg:$0x2]  }
0x6: {  	s14 =	smul.u32 $0x2800, s1;
	[smem:$0x7FF] =	sst s3;
	s16 =	sadd.s32 $0x64C00, s13  }
0x7: {  	p1 =	sne.s32 s1, $0xF;
	s9 =	smul.u32 $0x50000, s1;
	p2 =	seq.s32 s1, $0xF  }
0x8: {  	s18 =	smul.u32 $0x14000, s1;
	s12 =	sadd.s32 $0x12C000, s2;
	s20 =	sshll.u32 s1, $0x6  }
0x9: {  	s4 =	smul.u32 $0x28000, s7;
	_ =	strace $0x8000004D;
	s6 =	ssub.s32 $0x2, s7  }
0xa: {  	p0 =	seq.s32 s7, $0x0;
	s15 =	smul.u32 $0x138800, s7;
	s20 =	sor.u32 $0x1C02, s20  }
0xb: {  	s30 =	sshrl.u32 s6, $0x1;
	p1 =	por !p0, !p1;
	p3 =	por !p0, !p2  }
0xc: {  	s31 =	sshrl.u32 s9, $0x2;
	s5 =	sadd.s32 s14, s4;
	s4 =	sadd.s32 $0xCA00, s13  }
0xd: {  	s17 =	ssub.s32 s6, s30;
	p1 =	por !p1, !p1;
	p3 =	por !p3, !p3  }
0xe: {  	s7 =	sadd.s32 s31, s2;
	s18 =	sadd.s32 s18, s15;
	s19 =	sshrl.u32 s15, $0x3  }
0xf: {  	s5 =	sshrl.u32 s5, $0x3;
	s9 =	sadd.s32 $0x8000, s7;
	s10 =	sadd.s32 $0xC000, s7  }
0x10: {  	s11 =	sadd.s32 $0x10000, s7;
	s18 =	sshrl.u32 s18, $0x3;
	s14 =	sadd.s32 s4, s14  }
0x11: {  	s17 =	smax.u32 s17, $0x1;
	s21 =	sshrl.u32 s7, $0x3;
	s8 =	sadd.s32 s5, s13  }
0x12: {  	s13 =	sadd.s32 $0x32200, s13;
	s15 =	sadd.s32 s16, s18;
	s16 =	sadd.s32 s16, s19  }
0x13: {  	s18 =	simm.s32 $0x2;
	s19 =	simm.s32 $0x2800;
	s5 =	sadd.s32 $0x5AC00, s8  }
0x14: {  	v0 =	vimm.f32 $0.0e+00;
	s6 =	sadd.s32 $0x2A00, s8;
	s8 =	sadd.s32 $0x4000, s7;
	s16 =	sadd.s32 $0x25800, s16  }
.LBB2_1:
0x15: {  	[tilespmem:s3], [sflag:$0x2] =	stream.linear.gather [hbm4b:s5+s3], $0x2800, $0x38;
	[tilespmem:$0x1D000] =	vst v63  }
0x16: {  	_ =	swait.ge [sflag:s18], $0x2800  }
0x17: {  	[sflag:s18] =	ssyncset.done $0x0  }
.Ltmp0:
0x18: {  	[sflag:s18] =	ssyncadd.s32 $0xFFFFD800;
	(pc) =	sbr.rel @!p1 .LBB2_3-.Ltmp0, $4  }
0x19: {  	[tilespmem:s19], [sflag:$0x2] =	stream.linear.gather [hbm4b:s6+s3], $0x2800, $0x38;
	[tilespmem:$0x1D000] =	vst v63  }
0x1a: {  	_ =	swait.ge [sflag:s18], $0x2800  }
0x1b: {  	[sflag:s18] =	ssyncset.done $0x0  }
0x1c: {  	[sflag:s18] =	ssyncadd.s32 $0xFFFFD800  }
.Ltmp1:
0x1d: {  	(pc) =	sbr.rel .LBB2_9-.Ltmp1, $4  }
0x1e: {  	[spmem:s21], [sflag:s20] =	dma.local [hbm:s14], $0x2800  }
0x1f: {  	_ =	swait.ge [sflag:s18], $0x2800  }
0x20: {  	[sflag:s18] =	ssyncset.done $0x0  }
0x21: {  	p4 =	por $0x0, $0x0;
	[sflag:s18] =	ssyncadd.s32 $0xFFFFD800  }
.LBB2_3:
.Ltmp2:
0x22: {  	(pc) =	sbr.rel @!p3 .LBB2_5-.Ltmp2, $1  }
0x23: {  	_ =	sdelay $0x3  }
.Ltmp3:
0x24: {  	s28 =	sshrl.u32 s12, $0x3;
	(pc) =	sbr.rel .LBB2_9-.Ltmp3, $4  }
0x25: {  	[spmem:s28], [sflag:s25] =	dma.local [hbm:s13], $0x1900  }
0x26: {  	_ =	swait.ge [sflag:s18], $0x1900  }
0x27: {  	[sflag:s18] =	ssyncset.done $0x0  }
0x28: {  	p4 =	por $0x1, $0x1;
	[sflag:s18] =	ssyncadd.s32 $0xFFFFE700  }
.LBB2_5:
.Ltmp4:
0x29: {  	(pc) =	sbr.rel @p0 .LBB2_9-.Ltmp4, $2  }
0x2a: {  	_ =	sdelay $0x2  }
0x2b: {  	s29 =	simm.s32 $0x0;
	p4 =	por p2, p2  }
0x2c: {  	s28 =	sshra.s32 s29, $0x2;
	s29 =	sadd.s32 $0x200, s29  }
.LBB2_7:
0x2d: {  	p4 =	sne.s32 s29, $0xFE00;
	[tilespmem:s28+$0x5070] =	vst v0  }
0x2e: {  	[tilespmem:s28+$0x5000] =	vst v0  }
0x2f: {  	[tilespmem:s28+$0x5010] =	vst v0  }
.Ltmp5:
0x30: {  	[tilespmem:s28+$0x5020] =	vst v0;
	(pc) =	sbr.rel @p4 .LBB2_7-.Ltmp5, $4  }
0x31: {  	[tilespmem:s28+$0x5030] =	vst v0  }
0x32: {  	[tilespmem:s28+$0x5040] =	vst v0  }
0x33: {  	[tilespmem:s28+$0x5050] =	vst v0  }
0x34: {  	[tilespmem:s28+$0x5060] =	vst v0;
	s28 =	sshra.s32 s29, $0x2;
	s29 =	sadd.s32 $0x200, s29  }
0x35: {  	[tilespmem:s28+$0x5070] =	vst v0  }
0x36: {  	[tilespmem:s28+$0x5000] =	vst v0  }
0x37: {  	[tilespmem:s28+$0x5010] =	vst v0  }
0x38: {  	[tilespmem:s28+$0x5020] =	vst v0  }
0x39: {  	[tilespmem:s28+$0x5030] =	vst v0  }
0x3a: {  	[tilespmem:s28+$0x5040] =	vst v0  }
0x3b: {  	[tilespmem:s28+$0x5050] =	vst v0  }
0x3c: {  	[tilespmem:s28+$0x5060] =	vst v0  }
0x3d: {  	[spmem:s7] =	stream.linear.scatter [tilespmem:s23], [sflag:$0x2], $0x4000, $0x38;
	[tilespmem:$0x1D000] =	vst v63  }
0x3e: {  	_ =	swait.ge [sflag:s18], $0x4000  }
0x3f: {  	[sflag:s18] =	ssyncset.done $0x0  }
0x40: {  	[sflag:s18] =	ssyncadd.s32 $0xFFFFC000  }
0x41: {  	[spmem:s8] =	stream.linear.scatter [tilespmem:s23], [sflag:$0x2], $0x4000, $0x38;
	[tilespmem:$0x1D000] =	vst v63  }
0x42: {  	_ =	swait.ge [sflag:s18], $0x4000  }
0x43: {  	[sflag:s18] =	ssyncset.done $0x0  }
0x44: {  	[sflag:s18] =	ssyncadd.s32 $0xFFFFC000  }
0x45: {  	[spmem:s9] =	stream.linear.scatter [tilespmem:s23], [sflag:$0x2], $0x4000, $0x38;
	[tilespmem:$0x1D000] =	vst v63  }
0x46: {  	_ =	swait.ge [sflag:s18], $0x4000  }
0x47: {  	[sflag:s18] =	ssyncset.done $0x0  }
0x48: {  	[sflag:s18] =	ssyncadd.s32 $0xFFFFC000  }
0x49: {  	[spmem:s10] =	stream.linear.scatter [tilespmem:s23], [sflag:$0x2], $0x4000, $0x38;
	[tilespmem:$0x1D000] =	vst v63  }
0x4a: {  	_ =	swait.ge [sflag:s18], $0x4000  }
0x4b: {  	[sflag:s18] =	ssyncset.done $0x0  }
0x4c: {  	[sflag:s18] =	ssyncadd.s32 $0xFFFFC000  }
0x4d: {  	[spmem:s11] =	stream.linear.scatter [tilespmem:s23], [sflag:$0x2], $0x4000, $0x38;
	[tilespmem:$0x1D000] =	vst v63  }
0x4e: {  	_ =	swait.ge [sflag:s18], $0x4000  }
0x4f: {  	[sflag:s18] =	ssyncset.done $0x0  }
0x50: {  	p4 =	por p2, p2;
	[sflag:s18] =	ssyncadd.s32 $0xFFFFC000  }
.LBB2_9:
0x51: {  	[bflag:$0x0] =	sbarrier.arrive $0xFFFF;
	s28 =	simm.s32 $0x0  }
0x52: {  	[tilespmem:s23], [sflag:$0x1] =	stream.indirect.gather [hbm4b:s4+s22], $0x80, s28, s22, $0xb8;
	[tilespmem:$0x1D000] =	vst v63  }
0x53: {  	_ =	swait.ge [sflag:s24], $0x4000  }
0x54: {  	[sflag:s24] =	ssyncset.done $0x0  }
0x55: {  	s28 =	simm.s32 $0x2800;
	[sflag:s24] =	ssyncadd.s32 $0xFFFFC000  }
0x56: {  	[spmem:s2] =	stream.indirect.scatter.add.f32 [tilespmem:s23], [sflag:$0x2], $0x80, s28, s22, $0xb8;
	[tilespmem:$0x1D000] =	vst v63  }
0x57: {  	_ =	swait.ge [sflag:s18], $0x4000  }
0x58: {  	s29 =	simm.s32 $0x400;
	s28 =	simm.s32 $0x200;
	[sflag:s18] =	ssyncset.done $0x0  }
.LBB2_10:
0x59: {  	s30 =	sshra.s32 s28, $0x2  }
0x5a: {  	[sflag:s18] =	ssyncadd.s32 $0xFFFFC000;
	s28 =	smov.u32 s29;
	s31 =	sadd.s32 $0x200, s29  }
0x5b: {  	[tilespmem:s23], [sflag:$0x1] =	stream.indirect.gather [hbm4b:s4+s22], $0x80, s30, s22, $0xb8;
	[tilespmem:$0x1D000] =	vst v63  }
0x5c: {  	p5 =	sne.s32 s29, $0x9E00;
	_ =	swait.ge [sflag:s24], $0x4000  }
.Ltmp6:
0x5d: {  	[sflag:s24] =	ssyncset.done $0x0;
	(pc) =	sbr.rel @p5 .LBB2_10-.Ltmp6, $4  }
0x5e: {  	s29 =	sadd.s32 $0x2800, s30;
	[sflag:s24] =	ssyncadd.s32 $0xFFFFC000  }
0x5f: {  	[spmem:s2] =	stream.indirect.scatter.add.f32 [tilespmem:s23], [sflag:$0x2], $0x80, s29, s22, $0xb8;
	[tilespmem:$0x1D000] =	vst v63  }
0x60: {  	_ =	swait.ge [sflag:s18], $0x4000  }
0x61: {  	s29 =	smov.u32 s31;
	[sflag:s18] =	ssyncset.done $0x0  }
0x62: {  	s28 =	sshra.s32 s28, $0x2;
	[sflag:s18] =	ssyncadd.s32 $0xFFFFC000  }
0x63: {  	[tilespmem:s23], [sflag:$0x1] =	stream.indirect.gather [hbm4b:s4+s22], $0x80, s28, s22, $0xb8;
	[tilespmem:$0x1D000] =	vst v63  }
0x64: {  	_ =	swait.ge [sflag:s24], $0x4000  }
0x65: {  	[sflag:s24] =	ssyncset.done $0x0  }
0x66: {  	s28 =	sadd.s32 $0x2800, s28;
	[sflag:s24] =	ssyncadd.s32 $0xFFFFC000  }
0x67: {  	[spmem:s2] =	stream.indirect.scatter.add.f32 [tilespmem:s23], [sflag:$0x2], $0x80, s28, s22, $0xb8;
	[tilespmem:$0x1D000] =	vst v63  }
0x68: {  	_ =	swait.ge [sflag:s18], $0x4000  }
0x69: {  	[sflag:s18] =	ssyncset.done $0x0  }
0x6a: {  	s28 =	sshll.u32 @!p2 s1, $0x6;
	[sflag:s18] =	ssyncadd.s32 $0xFFFFC000  }
0x6b: {  	s29 =	sshrl.u32 @!p2 s7, $0x3;
	s28 =	sor.u32 @!p2 $0x1C02, s28;
	[bflag:$0x0] =	sbarrier.arrive $0xFFFF  }
0x6c: {  	[hbm:s15], [sflag:s28] =	dma.local @!p2 [spmem:s29], $0x2800  }
0x6d: {  	s28 =	simm.s32 @!p2 $0x2  }
0x6e: {  	s26 =	sadd.s32 $0x1, s26;
	_ =	swait.ge @!p2 [sflag:s28], $0x2800  }
0x6f: {  	p5 =	sne.s32 s26, s17;
	s29 =	sshll.u32 @p4 s1, $0x6;
	[sflag:s28] =	ssyncset.done @!p2 $0x0  }
0x70: {  	[sflag:s28] =	ssyncadd.s32 @!p2 $0xFFFFD800;
	s28 =	sor.u32 @p4 $0x1C02, s29;
	s29 =	sshrl.u32 @p4 s12, $0x3  }
0x71: {  	[hbm:s16], [sflag:s28] =	dma.local @p4 [spmem:s29], $0x1900  }
.Ltmp7:
0x72: {  	_ = 	snop;
	(pc) =	sbr.rel @p5 .LBB2_1-.Ltmp7, $4  }
0x73: {  	s28 =	simm.s32 @p4 $0x2  }
0x74: {  	_ =	swait.ge @p4 [sflag:s28], $0x1900  }
0x75: {  	[sflag:s28] =	ssyncset.done @p4 $0x0  }
0x76: {  	[sflag:s28] =	ssyncadd.s32 @p4 $0xFFFFE700  }
0x77: {  	_ =	sfence.sel $0x180000  }
0x78: {  	[bflag:$0x0] =	sbarrier.arrive $0xFFFF  }
0x79: {  	p0 =	sne.s32 s1, $0x0;
	_ =	strace $0x9000004D  }
0x7a: {  	s0 =	sadd.s32 @!p0 $0x100000, s0;
	[bflag:$0x2] =	sbarrier.arrive $0xFFFF  }
0x7b: {  	[sflag:s0] =	ssyncadd.tile.s32 @!p0 $0x1;
	_ =	shalt  }
.Lfunc_end2:
_tile_overlayer_lowered:
.L_overlay_start_2:
0x7c: {  	(tag) =	ssettag $0x2  }
0x7d: {  	s0 =	rddreg [dreg:$0x0];
	s2 =	stileid.u32  }
0x7e: {  	s1 =	rddreg [dreg:$0x1];
	p0 =	sne.s32 s2, $0x0  }
0x7f: {  	s3 =	rddreg [dreg:$0x2];
	[bflag:$0x3] =	sbarrier.arrive $0xFFFF;
	s2 =	simm.s32 @!p0 $0x1C02  }
0x80: {  	[timem:s3], [sflag:s2] =	dma.local @!p0 [hbm:s0], s1  }
0x81: {  	s0 =	simm.s32 @!p0 $0x2  }
0x82: {  	_ =	swait.ge @!p0 [sflag:s0], s1  }
0x83: {  	s1 =	ssub.s32 @!p0 $0x0, s1;
	[sflag:s0] =	ssyncset.done @!p0 $0x0  }
0x84: {  	[sflag:s0] =	ssyncadd.s32 @!p0 s1  }
0x85: {  	[bflag:$0x3] =	sbarrier.arrive $0xFFFF  }
0x86: {  	_ =	shalt  }

// kernel: kernel.19.cloned.1.call-start
scs
__scs_entry_jumppad:
0x0: {  	(pc) =	sbr.rel $0x88, $3  }
0x1: {  	(tag) =	ssettag $0x0;
	lr =	simm.s32 $0x1  }
0x2: {  	[smem:$0x3F96] =	sst lr;
	_ =	strace $0xD0000000  }
0x3: {  	_ = 	snop  }
0x4: {  	_ = 	snop  }
0x5: {  	_ = 	snop  }
0x6: {  	_ = 	snop  }
0x7: {  	_ = 	snop  }
__scs_overlays_trampoline_lowered:
0x8: {  	[smem:$0x3FA5] =	sst s0  }
0x9: {  	[smem:$0x3FA6] =	sst s1  }
0xa: {  	[smem:$0x3FA7] =	sst s2  }
0xb: {  	[smem:$0x3FA8] =	sst s3  }
0xc: {  	[smem:$0x3FA9] =	sst s4  }
0xd: {  	[smem:$0x3FAA] =	sst s5  }
0xe: {  	[smem:$0x3FAB] =	sst s6  }
0xf: {  	[smem:$0x3FAC] =	sst s7  }
0x10: {  	[smem:$0x3FAD] =	sst s8  }
0x11: {  	[smem:$0x3FAE] =	sst s9;
	s0 =	simm.s32 @!p0 $0x0  }
0x12: {  	s1 =	sld [smem:$0x3F94];
	s0 =	simm.s32 @p0 $0x1  }
0x13: {  	[smem:$0x3FAF] =	sst s0;
	s0 =	simm.s32 @!p1 $0x0  }
0x14: {  	s2 =	sld [smem:$0x3F93];
	s0 =	simm.s32 @p1 $0x1  }
0x15: {  	[smem:$0x3FB0] =	sst s0;
	s0 =	simm.s32 @!p2 $0x0  }
0x16: {  	s3 =	sld [smem:$0x3FDB];
	s0 =	simm.s32 @p2 $0x1  }
0x17: {  	s4 =	simm.s32 $0x1BF5;
	[smem:$0x3FB2] =	sst s0  }
0x18: {  	s0 =	sld [smem:$0x3F95];
	_ =	swait.ge [sflag:s4], $0x0  }
0x19: {  	s7 =	sld [smem:$0x3F96]  }
0x1a: {  	s8 =	sadd.s32 $0xFFFFE003, lr  }
0x1b: {  	s9 =	sadd.s32 $0xFFFFFEF7, lr;
	s5 =	simm.s32 $0xFFFFFFFF;
	p2 =	slt.u32 s8, $0xFFFFF086  }
0x1c: {  	p1 =	slt.u32 s9, $0xF7A;
	s5 =	simm.s32 @!p2 $0x0  }
0x1d: {  	s5 =	simm.s32 @p1 $0x1;
	p0 =	seq.s32 s7, s2  }
0x1e: {  	s7 =	smul.u32 @!p0 $0xF7A, s2;
	p2 =	seq.s32 @!p0 s5, $0x0  }
0x1f: {  	s9 =	smul.u32 $0xF7A, s1;
	s8 =	simm.s32 @!p0 $0x1BF5;
	p2 =	por !p2, p0  }
0x20: {  	[sflag:s8] =	ssyncset.s32 @!p0 $0xFFFFF086;
	s6 =	sadd.s32 @!p0 s3, s7;
	s7 =	simm.s32 @!p0 $0x108  }
0x21: {  	s3 =	sadd.s32 s3, s9;
	s6 =	sadd.s32 @!p0 $0x88, s6;
	s7 =	simm.s32 @p2 $0x1082  }
0x22: {  	[simem:s7], [sflag:s8] =	dma.local @!p0 [hbm:s6], $0xF7A  }
0x23: {  	s9 =	sor.u32 $0xD0000000, s2;
	s6 =	simm.s32 $0x108;
	_ =	swait.ge @!p0 [sflag:s8], $0x0  }
0x24: {  	s3 =	sadd.s32 $0x88, s3;
	s6 =	simm.s32 @!p1 $0x1082;
	[sflag:s4] =	ssyncset.s32 $0xFFFFF086  }
0x25: {  	[simem:s6], [sflag:s4] =	dma.local [hbm:s3], $0xF7A  }
0x26: {  	[smem:$0x3F96] =	sst s1;
	(tag) =	ssettag s2;
	_ =	strace s9  }
0x27: {  	s1 =	sld [smem:$0x3FA6]  }
0x28: {  	s2 =	sld [smem:$0x3FA7]  }
0x29: {  	s4 =	sld [smem:$0x3FA9]  }
0x2a: {  	p0 =	seq.s32 s5, $0x0;
	s5 =	sld [smem:$0x3FAA]  }
0x2b: {  	s6 =	sld [smem:$0x3FAB]  }
0x2c: {  	s7 =	sld [smem:$0x3FAC]  }
0x2d: {  	s3 =	simm.s32 $0x108;
	s8 =	sld [smem:$0x3FAD]  }
0x2e: {  	s3 =	simm.s32 @!p0 $0x1082;
	s9 =	sld [smem:$0x3FAE]  }
0x2f: {  	lr =	sadd.s32 s0, s3;
	s0 =	sld [smem:$0x3FA5]  }
0x30: {  	s3 =	sld [smem:$0x3FA8]  }
0x31: {  	[smem:$0x3FB1] =	sst s10  }
0x32: {  	s10 =	sld [smem:$0x3FAF];
	_ =	sdelay $0x3  }
0x33: {  	p0 =	seq.s32 s10, $0x1;
	s10 =	sld [smem:$0x3FB1];
	_ =	sdelay $0x3  }
0x34: {  	[smem:$0x3FB1] =	sst s10  }
0x35: {  	s10 =	sld [smem:$0x3FB0];
	_ =	sdelay $0x3  }
0x36: {  	p1 =	seq.s32 s10, $0x1;
	s10 =	sld [smem:$0x3FB1];
	_ =	sdelay $0x3  }
0x37: {  	[smem:$0x3FB1] =	sst s10  }
0x38: {  	s10 =	sld [smem:$0x3FB2]  }
0x39: {  	_ = 	snop;
	(pc) =	sbr.ind lr, $3  }
0x3a: {  	_ = 	snop  }
0x3b: {  	_ = 	snop  }
0x3c: {  	p2 =	seq.s32 s10, $0x1;
	s10 =	sld [smem:$0x3FB1]  }
0x3d: {  	_ =	shalt  }
0x3e: {  	_ =	shalt  }
0x3f: {  	_ =	shalt  }
0x40: {  	_ =	shalt  }
0x41: {  	_ =	shalt  }
0x42: {  	_ =	shalt  }
0x43: {  	_ =	shalt  }
0x44: {  	_ =	shalt  }
0x45: {  	_ =	shalt  }
0x46: {  	_ =	shalt  }
0x47: {  	_ =	shalt  }
0x48: {  	_ =	shalt  }
0x49: {  	_ =	shalt  }
0x4a: {  	_ =	shalt  }
0x4b: {  	_ =	shalt  }
0x4c: {  	_ =	shalt  }
0x4d: {  	_ =	shalt  }
0x4e: {  	_ =	shalt  }
0x4f: {  	_ =	shalt  }
0x50: {  	_ =	shalt  }
0x51: {  	_ =	shalt  }
0x52: {  	_ =	shalt  }
0x53: {  	_ =	shalt  }
0x54: {  	_ =	shalt  }
0x55: {  	_ =	shalt  }
0x56: {  	_ =	shalt  }
0x57: {  	_ =	shalt  }
0x58: {  	_ =	shalt  }
0x59: {  	_ =	shalt  }
0x5a: {  	_ =	shalt  }
0x5b: {  	_ =	shalt  }
0x5c: {  	_ =	shalt  }
0x5d: {  	_ =	shalt  }
0x5e: {  	_ =	shalt  }
0x5f: {  	_ =	shalt  }
0x60: {  	_ =	shalt  }
0x61: {  	_ =	shalt  }
0x62: {  	_ =	shalt  }
0x63: {  	_ =	shalt  }
0x64: {  	_ =	shalt  }
0x65: {  	_ =	shalt  }
0x66: {  	_ =	shalt  }
0x67: {  	_ =	shalt  }
0x68: {  	_ =	shalt  }
0x69: {  	_ =	shalt  }
0x6a: {  	_ =	shalt  }
0x6b: {  	_ =	shalt  }
0x6c: {  	_ =	shalt  }
0x6d: {  	_ =	shalt  }
0x6e: {  	_ =	shalt  }
0x6f: {  	_ =	shalt  }
0x70: {  	_ =	shalt  }
0x71: {  	_ =	shalt  }
0x72: {  	_ =	shalt  }
0x73: {  	_ =	shalt  }
0x74: {  	_ =	shalt  }
0x75: {  	_ =	shalt  }
0x76: {  	_ =	shalt  }
0x77: {  	_ =	shalt  }
0x78: {  	_ =	shalt  }
0x79: {  	_ =	shalt  }
0x7a: {  	_ =	shalt  }
0x7b: {  	_ =	shalt  }
0x7c: {  	_ =	shalt  }
0x7d: {  	_ =	shalt  }
0x7e: {  	_ =	shalt  }
0x7f: {  	_ =	shalt  }
0x80: {  	_ =	shalt  }
0x81: {  	_ =	shalt  }
0x82: {  	_ =	shalt  }
0x83: {  	_ =	shalt  }
0x84: {  	_ =	shalt  }
0x85: {  	_ =	shalt  }
0x86: {  	_ =	shalt  }
0x87: {  	_ =	shalt  }
.Lfunc_end0:
.L_simem_size_0:
called_computation.3_lowered:
.L_overlay_start_0:
0x88: {  	s2 =	sld [smem:$0x3FD9]  }
0x89: {  	s3 =	sld [smem:$0x3FFE];
	_ =	sdelay $0x1  }
0x8a: {  	s1 =	srdreg.scid  }
0x8b: {  	s0 =	sand.u32 $0x1, s1  }
0x8c: {  	s16 =	sshll.u32 s0, $0xA;
	s2 =	sadd.s32 s3, s2  }
0x8d: {  	s2 =	sadd.s32 s2, s16  }
0x8e: {  	[smem:$0x3FBD] =	sst s2  }
0x8f: {  	_ = 	snop  }
0x90: {  	(tm) =	ssettm $0x1  }
0x91: {  	s17 =	sld [smem:$0x3FFB];
	_ =	sdelay $0x3  }
0x92: {  	_ =	strace s17  }
0x93: {  	s2 =	sld [smem:$0x3FFC];
	_ =	sdelay $0x3  }
0x94: {  	_ =	strace s2  }
0x95: {  	s2 =	sld [smem:$0x3FFD];
	_ =	sdelay $0x3  }
0x96: {  	_ =	strace s2  }
0x97: {  	_ =	strace $0x8FFFFFFF  }
0x98: {  	s18 =	sld [smem:$0x3FDB];
	_ =	sdelay $0x1  }
0x99: {  	s19 =	simm.s32 $_scs_section_size  }
0x9a: {  	s4 =	simm.s32 $_size__tile_overlayer_lowered;
	s5 =	simm.s32 $_tile_overlayer_lowered  }
0x9b: {  	s22 =	simm.s32 $0x1BFF;
	s21 =	sshll.u32 s5, $0x1;
	s2 =	sadd.s32 s19, s18  }
0x9c: {  	s6 =	simm.s32 $0x0;
	s20 =	sshll.u32 s4, $0x1;
	s4 =	sadd.s32 s21, s2  }
0x9d: {  	[timem:s6], [sflag:s22] =	dma.local [hbm:s4], s20  }
0x9e: {  	_ =	swait.ge [sflag:s22], s20  }
0x9f: {  	s3 =	ssub.s32 $0x0, s20;
	[sflag:s22] =	ssyncset.done $0x0  }
0xa0: {  	[sflag:s22] =	ssyncadd.s32 s3;
	_ =	sdelay $0x1  }
0xa1: {  	s23 =	simm.s32 $0x1B8B  }
0xa2: {  	_ =	swait.ge [sflag:s23], $0x1  }
0xa3: {  	[sflag:s23] =	ssyncset.done $0x0  }
0xa4: {  	s25 =	simm.s32 $0x1B8E;
	s24 =	sld [smem:$0x3FFE];
	[sflag:s23] =	ssyncadd.s32 $0xFFFFFFFF  }
0xa5: {  	s26 =	simm.s32 $execute0_lowered;
	[smem:$0x3FD2] =	sst s25  }
0xa6: {  	s4 =	sshll.u32 s26, $0x1;
	_ =	strace $0x8000004F;
	[dreg:$0x1] =	wrdreg $0xFFFFFFFF  }
0xa7: {  	s28 =	simm.s32 $_size_execute0_lowered;
	s2 =	sadd.s32 s2, s4;
	[dreg:$0x0] =	wrdreg $0x0  }
0xa8: {  	s4 =	sshll.u32 s28, $0x1;
	[dreg:$0x2] =	wrdreg s2  }
0xa9: {  	[dreg:$0x3] =	wrdreg s4  }
0xaa: {  	[dreg:$0x4] =	wrdreg $0xC0  }
0xab: {  	_ =	task [dreg:s6], $0x5FFFF  }
0xac: {  	[dreg:$0x1] =	wrdreg $0xFFFFFFFF  }
0xad: {  	[dreg:$0x0] =	wrdreg $0x60  }
0xae: {  	[dreg:$0x2] =	wrdreg s24  }
0xaf: {  	[dreg:$0x3] =	wrdreg $0x90000  }
0xb0: {  	[dreg:$0x4] =	wrdreg $0x9  }
0xb1: {  	_ =	task.clear_ibuf [dreg:s6], $0x5FFFF;
	_ =	strace $0x9000004F  }
0xb2: {  	s29 =	simm.s32 $0x9;
	_ =	strace $0x80000051  }
0xb3: {  	_ =	swait.ge [sflag:s29], $0x1  }
0xb4: {  	[sflag:s29] =	ssyncadd.s32 $0xFFFFFFFF  }
0xb5: {  	_ =	strace $0x90000051  }
0xb6: {  	_ =	sfence  }
0xb7: {  	s30 =	sld [smem:$0x0];
	_ =	sdelay $0x2  }
0xb8: {  	s31 =	sshll.u32 s1, $0xD;
	s1 =	sshrl.u32 s1, $0x2  }
0xb9: {  	s3 =	sand.u32 $0x4000, s31;
	s1 =	sadd.s32 s1, s30  }
0xba: {  	s0 =	sor.u32 s3, s0;
	s1 =	sshll.u32 s1, $0x11  }
0xbb: {  	s0 =	sor.u32 s1, s0  }
0xbc: {  	s0 =	sadd.s32 $0x8F2B, s0  }
0xbd: {  	[sflag:s0] =	ssyncadd.remote.s32 $0x1  }
0xbe: {  	_ =	sfence.sel $0xFFFF  }
0xbf: {  	[dreg:$0x0] =	wrdreg $0xFFFFFFFF;
	(pc) =	sbr.abs _section_cstart, $3  }
0xc0: {  	[dreg:$0x1] =	wrdreg $0xFFFFFFFF  }
0xc1: {  	_ =	task.clear_ibuf [dreg:s6], $0x2FFFF;
	_ =	strace $0x9FFFFFFF  }
0xc2: {  	(tm) =	ssettm $0x7FFFFFFF  }
0xc3: {  	_ =	shalt  }
tec
execute0_lowered:
.L_overlay_start_1:
0x0: {  	(tag) =	ssettag $0x1  }
0x1: {  	s13 =	rddreg [dreg:$0x0]  }
0x2: {  	s0 =	srdreg.scid;
	s2 =	rddreg [dreg:$0x1]  }
0x3: {  	s1 =	stileid.u32;
	s3 =	simm.s32 $0x0;
	s22 =	simm.s32 $0x80  }
0x4: {  	s23 =	simm.s32 $0x5000;
	s24 =	simm.s32 $0x1;
	s25 =	simm.s32 $0x1FC2  }
0x5: {  	s26 =	simm.s32 $0x0;
	s7 =	sand.u32 $0x1, s0;
	s0 =	rddreg [dreg:$0x2]  }
0x6: {  	s14 =	smul.u32 $0x2800, s1;
	[smem:$0x7FF] =	sst s3;
	s16 =	sadd.s32 $0x64C00, s13  }
0x7: {  	p1 =	sne.s32 s1, $0xF;
	s9 =	smul.u32 $0x50000, s1;
	p2 =	seq.s32 s1, $0xF  }
0x8: {  	s18 =	smul.u32 $0x14000, s1;
	s12 =	sadd.s32 $0x12C000, s2;
	s20 =	sshll.u32 s1, $0x6  }
0x9: {  	s4 =	smul.u32 $0x28000, s7;
	_ =	strace $0x80000050;
	s6 =	ssub.s32 $0x2, s7  }
0xa: {  	p0 =	seq.s32 s7, $0x0;
	s15 =	smul.u32 $0x138800, s7;
	s20 =	sor.u32 $0x1C02, s20  }
0xb: {  	s30 =	sshrl.u32 s6, $0x1;
	p1 =	por !p0, !p1;
	p3 =	por !p0, !p2  }
0xc: {  	s31 =	sshrl.u32 s9, $0x2;
	s5 =	sadd.s32 s14, s4;
	s4 =	sadd.s32 $0xCA00, s13  }
0xd: {  	s17 =	ssub.s32 s6, s30;
	p1 =	por !p1, !p1;
	p3 =	por !p3, !p3  }
0xe: {  	s7 =	sadd.s32 s31, s2;
	s18 =	sadd.s32 s18, s15;
	s19 =	sshrl.u32 s15, $0x3  }
0xf: {  	s5 =	sshrl.u32 s5, $0x3;
	s9 =	sadd.s32 $0x8000, s7;
	s10 =	sadd.s32 $0xC000, s7  }
0x10: {  	s11 =	sadd.s32 $0x10000, s7;
	s18 =	sshrl.u32 s18, $0x3;
	s14 =	sadd.s32 s4, s14  }
0x11: {  	s17 =	smax.u32 s17, $0x1;
	s21 =	sshrl.u32 s7, $0x3;
	s8 =	sadd.s32 s5, s13  }
0x12: {  	s13 =	sadd.s32 $0x32200, s13;
	s15 =	sadd.s32 s16, s18;
	s16 =	sadd.s32 s16, s19  }
0x13: {  	s18 =	simm.s32 $0x2;
	s19 =	simm.s32 $0x2800;
	s5 =	sadd.s32 $0x5AC00, s8  }
0x14: {  	v0 =	vimm.f32 $0.0e+00;
	s6 =	sadd.s32 $0x2A00, s8;
	s8 =	sadd.s32 $0x4000, s7;
	s16 =	sadd.s32 $0x25800, s16  }
.LBB2_1:
0x15: {  	[tilespmem:s3], [sflag:$0x2] =	stream.linear.gather [hbm4b:s5+s3], $0x2800, $0x38;
	[tilespmem:$0x1D000] =	vst v63  }
0x16: {  	_ =	swait.ge [sflag:s18], $0x2800  }
0x17: {  	[sflag:s18] =	ssyncset.done $0x0  }
.Ltmp0:
0x18: {  	[sflag:s18] =	ssyncadd.s32 $0xFFFFD800;
	(pc) =	sbr.rel @!p1 .LBB2_3-.Ltmp0, $4  }
0x19: {  	[tilespmem:s19], [sflag:$0x2] =	stream.linear.gather [hbm4b:s6+s3], $0x2800, $0x38;
	[tilespmem:$0x1D000] =	vst v63  }
0x1a: {  	_ =	swait.ge [sflag:s18], $0x2800  }
0x1b: {  	[sflag:s18] =	ssyncset.done $0x0  }
0x1c: {  	[sflag:s18] =	ssyncadd.s32 $0xFFFFD800  }
.Ltmp1:
0x1d: {  	(pc) =	sbr.rel .LBB2_9-.Ltmp1, $4  }
0x1e: {  	[spmem:s21], [sflag:s20] =	dma.local [hbm:s14], $0x2800  }
0x1f: {  	_ =	swait.ge [sflag:s18], $0x2800  }
0x20: {  	[sflag:s18] =	ssyncset.done $0x0  }
0x21: {  	p4 =	por $0x0, $0x0;
	[sflag:s18] =	ssyncadd.s32 $0xFFFFD800  }
.LBB2_3:
.Ltmp2:
0x22: {  	(pc) =	sbr.rel @!p3 .LBB2_5-.Ltmp2, $1  }
0x23: {  	_ =	sdelay $0x3  }
.Ltmp3:
0x24: {  	s28 =	sshrl.u32 s12, $0x3;
	(pc) =	sbr.rel .LBB2_9-.Ltmp3, $4  }
0x25: {  	[spmem:s28], [sflag:s25] =	dma.local [hbm:s13], $0x1900  }
0x26: {  	_ =	swait.ge [sflag:s18], $0x1900  }
0x27: {  	[sflag:s18] =	ssyncset.done $0x0  }
0x28: {  	p4 =	por $0x1, $0x1;
	[sflag:s18] =	ssyncadd.s32 $0xFFFFE700  }
.LBB2_5:
.Ltmp4:
0x29: {  	(pc) =	sbr.rel @p0 .LBB2_9-.Ltmp4, $2  }
0x2a: {  	_ =	sdelay $0x2  }
0x2b: {  	s29 =	simm.s32 $0x0;
	p4 =	por p2, p2  }
0x2c: {  	s28 =	sshra.s32 s29, $0x2;
	s29 =	sadd.s32 $0x200, s29  }
.LBB2_7:
0x2d: {  	p4 =	sne.s32 s29, $0xFE00;
	[tilespmem:s28+$0x5070] =	vst v0  }
0x2e: {  	[tilespmem:s28+$0x5000] =	vst v0  }
0x2f: {  	[tilespmem:s28+$0x5010] =	vst v0  }
.Ltmp5:
0x30: {  	[tilespmem:s28+$0x5020] =	vst v0;
	(pc) =	sbr.rel @p4 .LBB2_7-.Ltmp5, $4  }
0x31: {  	[tilespmem:s28+$0x5030] =	vst v0  }
0x32: {  	[tilespmem:s28+$0x5040] =	vst v0  }
0x33: {  	[tilespmem:s28+$0x5050] =	vst v0  }
0x34: {  	[tilespmem:s28+$0x5060] =	vst v0;
	s28 =	sshra.s32 s29, $0x2;
	s29 =	sadd.s32 $0x200, s29  }
0x35: {  	[tilespmem:s28+$0x5070] =	vst v0  }
0x36: {  	[tilespmem:s28+$0x5000] =	vst v0  }
0x37: {  	[tilespmem:s28+$0x5010] =	vst v0  }
0x38: {  	[tilespmem:s28+$0x5020] =	vst v0  }
0x39: {  	[tilespmem:s28+$0x5030] =	vst v0  }
0x3a: {  	[tilespmem:s28+$0x5040] =	vst v0  }
0x3b: {  	[tilespmem:s28+$0x5050] =	vst v0  }
0x3c: {  	[tilespmem:s28+$0x5060] =	vst v0  }
0x3d: {  	[spmem:s7] =	stream.linear.scatter [tilespmem:s23], [sflag:$0x2], $0x4000, $0x38;
	[tilespmem:$0x1D000] =	vst v63  }
0x3e: {  	_ =	swait.ge [sflag:s18], $0x4000  }
0x3f: {  	[sflag:s18] =	ssyncset.done $0x0  }
0x40: {  	[sflag:s18] =	ssyncadd.s32 $0xFFFFC000  }
0x41: {  	[spmem:s8] =	stream.linear.scatter [tilespmem:s23], [sflag:$0x2], $0x4000, $0x38;
	[tilespmem:$0x1D000] =	vst v63  }
0x42: {  	_ =	swait.ge [sflag:s18], $0x4000  }
0x43: {  	[sflag:s18] =	ssyncset.done $0x0  }
0x44: {  	[sflag:s18] =	ssyncadd.s32 $0xFFFFC000  }
0x45: {  	[spmem:s9] =	stream.linear.scatter [tilespmem:s23], [sflag:$0x2], $0x4000, $0x38;
	[tilespmem:$0x1D000] =	vst v63  }
0x46: {  	_ =	swait.ge [sflag:s18], $0x4000  }
0x47: {  	[sflag:s18] =	ssyncset.done $0x0  }
0x48: {  	[sflag:s18] =	ssyncadd.s32 $0xFFFFC000  }
0x49: {  	[spmem:s10] =	stream.linear.scatter [tilespmem:s23], [sflag:$0x2], $0x4000, $0x38;
	[tilespmem:$0x1D000] =	vst v63  }
0x4a: {  	_ =	swait.ge [sflag:s18], $0x4000  }
0x4b: {  	[sflag:s18] =	ssyncset.done $0x0  }
0x4c: {  	[sflag:s18] =	ssyncadd.s32 $0xFFFFC000  }
0x4d: {  	[spmem:s11] =	stream.linear.scatter [tilespmem:s23], [sflag:$0x2], $0x4000, $0x38;
	[tilespmem:$0x1D000] =	vst v63  }
0x4e: {  	_ =	swait.ge [sflag:s18], $0x4000  }
0x4f: {  	[sflag:s18] =	ssyncset.done $0x0  }
0x50: {  	p4 =	por p2, p2;
	[sflag:s18] =	ssyncadd.s32 $0xFFFFC000  }
.LBB2_9:
0x51: {  	[bflag:$0x0] =	sbarrier.arrive $0xFFFF;
	s28 =	simm.s32 $0x0  }
0x52: {  	[tilespmem:s23], [sflag:$0x1] =	stream.indirect.gather [hbm4b:s4+s22], $0x80, s28, s22, $0xb8;
	[tilespmem:$0x1D000] =	vst v63  }
0x53: {  	_ =	swait.ge [sflag:s24], $0x4000  }
0x54: {  	[sflag:s24] =	ssyncset.done $0x0  }
0x55: {  	s28 =	simm.s32 $0x2800;
	[sflag:s24] =	ssyncadd.s32 $0xFFFFC000  }
0x56: {  	[spmem:s2] =	stream.indirect.scatter.add.f32 [tilespmem:s23], [sflag:$0x2], $0x80, s28, s22, $0xb8;
	[tilespmem:$0x1D000] =	vst v63  }
0x57: {  	_ =	swait.ge [sflag:s18], $0x4000  }
0x58: {  	s29 =	simm.s32 $0x400;
	s28 =	simm.s32 $0x200;
	[sflag:s18] =	ssyncset.done $0x0  }
.LBB2_10:
0x59: {  	s30 =	sshra.s32 s28, $0x2  }
0x5a: {  	[sflag:s18] =	ssyncadd.s32 $0xFFFFC000;
	s28 =	smov.u32 s29;
	s31 =	sadd.s32 $0x200, s29  }
0x5b: {  	[tilespmem:s23], [sflag:$0x1] =	stream.indirect.gather [hbm4b:s4+s22], $0x80, s30, s22, $0xb8;
	[tilespmem:$0x1D000] =	vst v63  }
0x5c: {  	p5 =	sne.s32 s29, $0x9E00;
	_ =	swait.ge [sflag:s24], $0x4000  }
.Ltmp6:
0x5d: {  	[sflag:s24] =	ssyncset.done $0x0;
	(pc) =	sbr.rel @p5 .LBB2_10-.Ltmp6, $4  }
0x5e: {  	s29 =	sadd.s32 $0x2800, s30;
	[sflag:s24] =	ssyncadd.s32 $0xFFFFC000  }
0x5f: {  	[spmem:s2] =	stream.indirect.scatter.add.f32 [tilespmem:s23], [sflag:$0x2], $0x80, s29, s22, $0xb8;
	[tilespmem:$0x1D000] =	vst v63  }
0x60: {  	_ =	swait.ge [sflag:s18], $0x4000  }
0x61: {  	s29 =	smov.u32 s31;
	[sflag:s18] =	ssyncset.done $0x0  }
0x62: {  	s28 =	sshra.s32 s28, $0x2;
	[sflag:s18] =	ssyncadd.s32 $0xFFFFC000  }
0x63: {  	[tilespmem:s23], [sflag:$0x1] =	stream.indirect.gather [hbm4b:s4+s22], $0x80, s28, s22, $0xb8;
	[tilespmem:$0x1D000] =	vst v63  }
0x64: {  	_ =	swait.ge [sflag:s24], $0x4000  }
0x65: {  	[sflag:s24] =	ssyncset.done $0x0  }
0x66: {  	s28 =	sadd.s32 $0x2800, s28;
	[sflag:s24] =	ssyncadd.s32 $0xFFFFC000  }
0x67: {  	[spmem:s2] =	stream.indirect.scatter.add.f32 [tilespmem:s23], [sflag:$0x2], $0x80, s28, s22, $0xb8;
	[tilespmem:$0x1D000] =	vst v63  }
0x68: {  	_ =	swait.ge [sflag:s18], $0x4000  }
0x69: {  	[sflag:s18] =	ssyncset.done $0x0  }
0x6a: {  	s28 =	sshll.u32 @!p2 s1, $0x6;
	[sflag:s18] =	ssyncadd.s32 $0xFFFFC000  }
0x6b: {  	s29 =	sshrl.u32 @!p2 s7, $0x3;
	s28 =	sor.u32 @!p2 $0x1C02, s28;
	[bflag:$0x0] =	sbarrier.arrive $0xFFFF  }
0x6c: {  	[hbm:s15], [sflag:s28] =	dma.local @!p2 [spmem:s29], $0x2800  }
0x6d: {  	s28 =	simm.s32 @!p2 $0x2  }
0x6e: {  	s26 =	sadd.s32 $0x1, s26;
	_ =	swait.ge @!p2 [sflag:s28], $0x2800  }
0x6f: {  	p5 =	sne.s32 s26, s17;
	s29 =	sshll.u32 @p4 s1, $0x6;
	[sflag:s28] =	ssyncset.done @!p2 $0x0  }
0x70: {  	[sflag:s28] =	ssyncadd.s32 @!p2 $0xFFFFD800;
	s28 =	sor.u32 @p4 $0x1C02, s29;
	s29 =	sshrl.u32 @p4 s12, $0x3  }
0x71: {  	[hbm:s16], [sflag:s28] =	dma.local @p4 [spmem:s29], $0x1900  }
.Ltmp7:
0x72: {  	_ = 	snop;
	(pc) =	sbr.rel @p5 .LBB2_1-.Ltmp7, $4  }
0x73: {  	s28 =	simm.s32 @p4 $0x2  }
0x74: {  	_ =	swait.ge @p4 [sflag:s28], $0x1900  }
0x75: {  	[sflag:s28] =	ssyncset.done @p4 $0x0  }
0x76: {  	[sflag:s28] =	ssyncadd.s32 @p4 $0xFFFFE700  }
0x77: {  	_ =	sfence.sel $0x180000  }
0x78: {  	[bflag:$0x0] =	sbarrier.arrive $0xFFFF  }
0x79: {  	p0 =	sne.s32 s1, $0x0;
	_ =	strace $0x90000050  }
0x7a: {  	s0 =	sadd.s32 @!p0 $0x100000, s0;
	[bflag:$0x2] =	sbarrier.arrive $0xFFFF  }
0x7b: {  	[sflag:s0] =	ssyncadd.tile.s32 @!p0 $0x1;
	_ =	shalt  }
.Lfunc_end2:
_tile_overlayer_lowered:
.L_overlay_start_2:
0x7c: {  	(tag) =	ssettag $0x2  }
0x7d: {  	s0 =	rddreg [dreg:$0x0];
	s2 =	stileid.u32  }
0x7e: {  	s1 =	rddreg [dreg:$0x1];
	p0 =	sne.s32 s2, $0x0  }
0x7f: {  	s3 =	rddreg [dreg:$0x2];
	[bflag:$0x3] =	sbarrier.arrive $0xFFFF;
	s2 =	simm.s32 @!p0 $0x1C02  }
0x80: {  	[timem:s3], [sflag:s2] =	dma.local @!p0 [hbm:s0], s1  }
0x81: {  	s0 =	simm.s32 @!p0 $0x2  }
0x82: {  	_ =	swait.ge @!p0 [sflag:s0], s1  }
0x83: {  	s1 =	ssub.s32 @!p0 $0x0, s1;
	[sflag:s0] =	ssyncset.done @!p0 $0x0  }
0x84: {  	[sflag:s0] =	ssyncadd.s32 @!p0 s1  }
0x85: {  	[bflag:$0x3] =	sbarrier.arrive $0xFFFF  }
0x86: {  	_ =	shalt  }

</sc_bundles>
